<compile_context>
chip_gen: v7x
topology: tpu7x:2x2x1
jax: 0.10.2.dev20260603
libtpu: 0.0.44.dev20260713+nightly
codegen_flags: <defaults>
</compile_context>

<pallas_src>
import functools

import jax
import jax.numpy as jnp
from jax import lax
from jax.experimental import pallas as pl
from jax.experimental.pallas import tpu as pltpu
from jax.experimental.pallas import tpu_sc as plsc

N = 10000
E = 320000
F_IN = 128
H = 128
G = 64

NP = 10240
CHUNK = 128
NWORK = 32
CPT = 80
HCPT = CPT // 2
ZBUF = 4096
EPAD = NWORK * CPT * CHUNK
ROWS_PT = NP // 16
BN = 1024
BI = 1024
CJ = 512


def _deg_body(dst_ref, out_ref, dst_v, ones_v, zbuf_v, deg_sh):
    cid = lax.axis_index("c")
    sid = lax.axis_index("s")
    zero16 = jnp.zeros((16,), jnp.float32)
    one16 = jnp.ones((16,), jnp.float32)

    def zr(r, c):
        zbuf_v[pl.ds(r * 16, 16)] = zero16
        return c
    lax.fori_loop(0, ROWS_PT // 16, zr, 0)
    for q in range(CHUNK // 16):
        ones_v[pl.ds(q * 16, 16)] = one16
    pltpu.sync_copy(zbuf_v, deg_sh.at[pl.ds(sid * ROWS_PT, ROWS_PT)])
    plsc.subcore_barrier()

    base = (cid * 16 + sid) * CPT
    pltpu.sync_copy(dst_ref.at[pl.ds(base, CPT)], dst_v)

    def body(j, c):
        pltpu.sync_copy(ones_v, deg_sh.at[dst_v.at[j]], add=True)
        return c
    lax.fori_loop(0, CPT, body, 0)
    plsc.subcore_barrier()
    pltpu.sync_copy(deg_sh.at[pl.ds(sid * ROWS_PT, ROWS_PT)],
                    out_ref.at[cid, 0, pl.ds(sid * ROWS_PT, ROWS_PT)])


def _hist_body(x_ref, dinv_ref, src_ref, dst_ref, out_ref,
               x_v, dinv_v, src_v, dst_v, xg0, xg1, dg0, dg1, flat_v, zbuf_v,
               s_sh, gs0, gs1):
    cid = lax.axis_index("c")
    sid = lax.axis_index("s")
    zero16 = jnp.zeros((16,), jnp.float32)

    def zr(r, c):
        zbuf_v[pl.ds(r * 16, 16)] = zero16
        return c
    lax.fori_loop(0, ZBUF // 16, zr, 0)
    my_words = ROWS_PT * H
    for t in range(my_words // ZBUF):
        pltpu.sync_copy(zbuf_v, s_sh.at[pl.ds(sid * my_words + t * ZBUF, ZBUF)])

    @pl.when(sid == 0)
    def _():
        pltpu.sync_copy(x_ref, x_v)
        pltpu.sync_copy(dinv_ref, dinv_v)
    plsc.subcore_barrier()

    base = (cid * 16 + sid) * CPT * CHUNK
    for hlf in range(2):
        hbase = base + hlf * HCPT * CHUNK
        pltpu.sync_copy(src_ref.at[pl.ds(hbase, HCPT * CHUNK)], src_v)
        pltpu.sync_copy(dst_ref.at[pl.ds(hbase, HCPT * CHUNK)], dst_v)
        pltpu.async_copy(x_v.at[src_v.at[pl.ds(0, CHUNK)]], xg0, gs0)
        pltpu.async_copy(dinv_v.at[src_v.at[pl.ds(0, CHUNK)]], dg0, gs0)

        @pl.loop(0, HCPT, step=2)
        def _(j):
            pltpu.make_async_copy(x_v.at[src_v.at[pl.ds(j * CHUNK, CHUNK)]],
                                  xg0, gs0).wait()
            pltpu.make_async_copy(dinv_v.at[src_v.at[pl.ds(j * CHUNK, CHUNK)]],
                                  dg0, gs0).wait()
            pltpu.async_copy(x_v.at[src_v.at[pl.ds((j + 1) * CHUNK, CHUNK)]], xg1, gs1)
            pltpu.async_copy(dinv_v.at[src_v.at[pl.ds((j + 1) * CHUNK, CHUNK)]], dg1, gs1)
            for g in range(CHUNK // 16):
                d16 = dst_v[pl.ds(j * CHUNK + g * 16, 16)]
                xv = xg0[pl.ds(g * 16, 16)]
                flat_v[pl.ds(g * 16, 16)] = d16 * H + xv
            pltpu.sync_copy(dg0, s_sh.at[flat_v], add=True)

            pltpu.make_async_copy(x_v.at[src_v.at[pl.ds((j + 1) * CHUNK, CHUNK)]],
                                  xg1, gs1).wait()
            pltpu.make_async_copy(dinv_v.at[src_v.at[pl.ds((j + 1) * CHUNK, CHUNK)]],
                                  dg1, gs1).wait()

            @pl.when(j + 2 < HCPT)
            def _():
                pltpu.async_copy(x_v.at[src_v.at[pl.ds((j + 2) * CHUNK, CHUNK)]], xg0, gs0)
                pltpu.async_copy(dinv_v.at[src_v.at[pl.ds((j + 2) * CHUNK, CHUNK)]], dg0, gs0)

            for g in range(CHUNK // 16):
                d16 = dst_v[pl.ds((j + 1) * CHUNK + g * 16, 16)]
                xv = xg1[pl.ds(g * 16, 16)]
                flat_v[pl.ds(g * 16, 16)] = d16 * H + xv
            pltpu.sync_copy(dg1, s_sh.at[flat_v], add=True)

    plsc.subcore_barrier()
    pltpu.sync_copy(s_sh.at[pl.ds(sid * my_words, my_words)],
                    out_ref.at[cid, 0, pl.ds(sid * my_words, my_words)])


def _mp_body(table_ref, src_ref, dst_ref, out_ref, src_v, dst_v, rows0, rows1,
             acc_sh, gsem0, gsem1, ssem0, ssem1):
    cid = lax.axis_index("c")
    sid = lax.axis_index("s")
    zero16 = jnp.zeros((16,), jnp.float32)

    def zr(r, c):
        for q in range(H // 16):
            rows0[r, pl.ds(q * 16, 16)] = zero16
        return c
    lax.fori_loop(0, CHUNK, zr, 0)
    for t in range(ROWS_PT // CHUNK):
        pltpu.sync_copy(rows0, acc_sh.at[pl.ds(sid * ROWS_PT + t * CHUNK, CHUNK)])

    base = (cid * 16 + sid) * CPT
    for hlf in range(2):
        hbase = base + hlf * HCPT
        pltpu.sync_copy(src_ref.at[pl.ds(hbase, HCPT)], src_v)
        pltpu.sync_copy(dst_ref.at[pl.ds(hbase, HCPT)], dst_v)
        pltpu.async_copy(table_ref.at[src_v.at[0]], rows0, gsem0)
        if hlf == 0:
            plsc.subcore_barrier()

        @pl.loop(0, HCPT, step=2)
        def _(j):
            @pl.when(j > 0)
            def _():
                pltpu.make_async_copy(rows1, acc_sh.at[dst_v.at[j - 1]], ssem1).wait()

            pltpu.async_copy(table_ref.at[src_v.at[j + 1]], rows1, gsem1)
            pltpu.make_async_copy(table_ref.at[src_v.at[j]], rows0, gsem0).wait()
            pltpu.async_copy(rows0, acc_sh.at[dst_v.at[j]], ssem0, add=True)
            pltpu.make_async_copy(table_ref.at[src_v.at[j + 1]], rows1, gsem1).wait()
            pltpu.make_async_copy(rows0, acc_sh.at[dst_v.at[j]], ssem0).wait()

            @pl.when(j + 2 < HCPT)
            def _():
                pltpu.async_copy(table_ref.at[src_v.at[j + 2]], rows0, gsem0)

            pltpu.async_copy(rows1, acc_sh.at[dst_v.at[j + 1]], ssem1, add=True)

        pltpu.make_async_copy(rows1, acc_sh.at[dst_v.at[HCPT - 1]], ssem1).wait()

    plsc.subcore_barrier()
    pltpu.sync_copy(acc_sh.at[pl.ds(sid * ROWS_PT, ROWS_PT)],
                    out_ref.at[cid, pl.ds(sid * ROWS_PT, ROWS_PT)])


@functools.cache
def _sc_calls():
    mesh = plsc.VectorSubcoreMesh(core_axis_name="c", subcore_axis_name="s")
    deg = pl.kernel(
        _deg_body,
        out_type=jax.ShapeDtypeStruct((2, 1, NP), jnp.float32),
        mesh=mesh,
        scratch_types=[
            pltpu.VMEM((CPT, CHUNK), jnp.int32),
            pltpu.VMEM((CHUNK,), jnp.float32),
            pltpu.VMEM((ROWS_PT,), jnp.float32),
            pltpu.VMEM_SHARED((NP,), jnp.float32),
        ],
    )
    mp = pl.kernel(
        _mp_body,
        out_type=jax.ShapeDtypeStruct((2, NP, H), jnp.float32),
        mesh=mesh,
        scratch_types=[
            pltpu.VMEM((HCPT, CHUNK), jnp.int32),
            pltpu.VMEM((HCPT, CHUNK), jnp.int32),
            pltpu.VMEM((CHUNK, H), jnp.float32),
            pltpu.VMEM((CHUNK, H), jnp.float32),
            pltpu.VMEM_SHARED((NP, H), jnp.float32),
            pltpu.SemaphoreType.DMA,
            pltpu.SemaphoreType.DMA,
            pltpu.SemaphoreType.DMA,
            pltpu.SemaphoreType.DMA,
        ],
    )
    hist = pl.kernel(
        _hist_body,
        out_type=jax.ShapeDtypeStruct((2, 1, NP * H), jnp.float32),
        mesh=mesh,
        scratch_types=[
            pltpu.VMEM_SHARED((NP,), jnp.int32),
            pltpu.VMEM_SHARED((NP,), jnp.float32),
            pltpu.VMEM((HCPT * CHUNK,), jnp.int32),
            pltpu.VMEM((HCPT * CHUNK,), jnp.int32),
            pltpu.VMEM((CHUNK,), jnp.int32),
            pltpu.VMEM((CHUNK,), jnp.int32),
            pltpu.VMEM((CHUNK,), jnp.float32),
            pltpu.VMEM((CHUNK,), jnp.float32),
            pltpu.VMEM((CHUNK,), jnp.int32),
            pltpu.VMEM((ZBUF,), jnp.float32),
            pltpu.VMEM_SHARED((NP * H,), jnp.float32),
            pltpu.SemaphoreType.DMA,
            pltpu.SemaphoreType.DMA,
        ],
    )
    return deg, mp, hist


def _sc_deg(dst2d):
    return _sc_calls()[0](dst2d)


def _sc_mp(table, src2d, dst2d):
    return _sc_calls()[1](table, src2d, dst2d)


def _sc_hist(x_flat, dinv_flat, src2d, dst2d):
    return _sc_calls()[2](x_flat, dinv_flat, src2d, dst2d)



def _a_body(degp_ref, dinv_ref):
    pid = pl.program_id(0)
    deg = jnp.sum(degp_ref[...], axis=1, keepdims=True) + 1.0
    rows = pid * BN + lax.broadcasted_iota(jnp.int32, (BN, 1), 0)
    dinv_ref[...] = jnp.where(rows < N, lax.rsqrt(deg), 0.0)


def _b1_body(s_ref, x_ref, dinv_ref, b_ref, w1_ref, w2_ref, out_ref):
    dinv = dinv_ref[...]
    xb = x_ref[...]
    oh = (xb == lax.broadcasted_iota(jnp.int32, (BN, F_IN), 1)).astype(jnp.float32)
    u = s_ref[0] + s_ref[1] + oh * dinv
    h = jnp.maximum(dinv * jnp.dot(u, w1_ref[...], preferred_element_type=jnp.float32)
                    + b_ref[...], 0.0)
    out_ref[...] = jnp.dot(h, w2_ref[...], preferred_element_type=jnp.float32) * dinv


def _b2_body(acc_ref, hwp_ref, dinv_ref, b_ref, pw_ref, score_ref, h2g_ref):
    acc = acc_ref[0] + acc_ref[1]
    dinv = dinv_ref[...]
    h2 = jnp.maximum(dinv * (acc + hwp_ref[...]) + b_ref[...], 0.0)
    pw = pw_ref[...]
    inv_norm = lax.rsqrt(jnp.sum(pw * pw))
    s = jnp.dot(h2, pw, preferred_element_type=jnp.float32) * inv_norm
    score_ref[...] = s
    h2g_ref[...] = h2 * jnp.tanh(s)


NSTEPS = NP // BN


def _bc_body(acc_ref, hwp_ref, dinv_ref, b_ref, pw_ref, bc_ref, br_ref,
             out_ref, srow_s, h2g_s):
    i = pl.program_id(0)

    @pl.when(i < NSTEPS)
    def _():
        acc = acc_ref[0] + acc_ref[1]
        dinv = dinv_ref[...]
        h2 = jnp.maximum(dinv * (acc + hwp_ref[...]) + b_ref[...], 0.0)
        pw = pw_ref[...]
        s = jnp.dot(h2, pw, preferred_element_type=jnp.float32) \
            * lax.rsqrt(jnp.sum(pw * pw))
        srow_s[:, pl.ds(i * BN, BN)] = jnp.transpose(s)
        h2g_s[pl.ds(i * BN, BN), :] = h2 * jnp.tanh(s)

    @pl.when(i >= NSTEPS)
    def _():
        _pool_phase(i - NSTEPS, bc_ref, br_ref, out_ref, srow_s, h2g_s)


def _pool_phase(pid, bc_ref, br_ref, out_ref, sr_ref, h2g_ref):
    s_col = jnp.transpose(sr_ref[:, pl.ds(pid * BI, BI)])
    b_col = bc_ref[...]
    s_row = sr_ref[...]
    b_row = br_ref[...]
    h2g = h2g_ref[pl.ds(pid * BI, BI), :]

    g_iota = lax.broadcasted_iota(jnp.int32, (G, NP), 0)
    memb = (jnp.broadcast_to(b_row, (G, NP)) == g_iota).astype(jnp.float32)
    cnt = jnp.sum(memb, axis=1, keepdims=True)
    k = jnp.ceil(0.5 * cnt)

    b_lo = b_col[0, 0]
    b_hi = b_col[BI - 1, 0]
    j_lo = jnp.sum((b_row < b_lo).astype(jnp.int32))
    j_hi = jnp.sum((b_row <= b_hi).astype(jnp.int32))
    jc_lo = j_lo // CJ
    jc_hi = (j_hi + CJ - 1) // CJ

    i_ids = pid * BI + lax.broadcasted_iota(jnp.int32, (BI, 1), 0)

    def jbody(jc, r):
        off = jc * CJ
        s_j = sr_ref[:, pl.ds(off, CJ)]
        b_j = br_ref[:, pl.ds(off, CJ)]
        j_ids = off + lax.broadcasted_iota(jnp.int32, (1, CJ), 1)
        beats = (s_j > s_col) | ((s_j == s_col) & (j_ids < i_ids))
        same = (b_j == b_col)
        return r + jnp.sum((beats & same).astype(jnp.float32), axis=1, keepdims=True)

    rank = lax.fori_loop(jc_lo, jc_hi, jbody, jnp.zeros((BI, 1), jnp.float32))

    memb_i = (b_col == lax.broadcasted_iota(jnp.int32, (BI, G), 1)).astype(jnp.float32)
    kb = jnp.dot(memb_i, k, preferred_element_type=jnp.float32)
    keep = (rank < kb).astype(jnp.float32)
    hp = h2g * keep
    partial = lax.dot_general(memb_i, hp, (((0,), (0,)), ((), ())),
                              preferred_element_type=jnp.float32)

    @pl.when(pid == 0)
    def _():
        out_ref[...] = partial

    @pl.when(pid > 0)
    def _():
        out_ref[...] += partial

    @pl.when(pid == NP // BI - 1)
    def _():
        out_ref[...] = out_ref[...] / jnp.maximum(k, 1.0)



def kernel(x, edge_index, batch, W1, b1, W2, b2, pool_w):
    src = edge_index[0].astype(jnp.int32)
    dst = edge_index[1].astype(jnp.int32)
    pad = N + (jnp.arange(EPAD - E, dtype=jnp.int32) % (NP - N))
    src2d = jnp.concatenate([src, pad]).reshape(NWORK * CPT, CHUNK)
    dst2d = jnp.concatenate([dst, pad]).reshape(NWORK * CPT, CHUNK)
    xp = jnp.concatenate([x.astype(jnp.int32),
                          jnp.zeros((NP - N,), jnp.int32)]).reshape(NP, 1)
    bat = jnp.concatenate([batch.astype(jnp.int32),
                           jnp.full((NP - N,), G, jnp.int32)])
    bat_col = bat.reshape(NP, 1)
    bat_row = bat.reshape(1, NP)

    degp = _sc_deg(dst2d)
    degp_t = degp.reshape(2, NP).T

    dinv = pl.pallas_call(
        _a_body,
        grid=(NP // BN,),
        in_specs=[pl.BlockSpec((BN, 2), lambda i: (i, 0))],
        out_specs=pl.BlockSpec((BN, 1), lambda i: (i, 0)),
        out_shape=jax.ShapeDtypeStruct((NP, 1), jnp.float32),
    )(degp_t)

    s_hist = _sc_hist(xp.reshape(NP), dinv.reshape(NP),
                      src2d.reshape(EPAD), dst2d.reshape(EPAD))
    s_hist = s_hist.reshape(2, NP, H)

    hw2p = pl.pallas_call(
        _b1_body,
        grid=(NP // BN,),
        in_specs=[pl.BlockSpec((2, BN, H), lambda i: (0, i, 0)),
                  pl.BlockSpec((BN, 1), lambda i: (i, 0)),
                  pl.BlockSpec((BN, 1), lambda i: (i, 0)),
                  pl.BlockSpec((1, H), lambda i: (0, 0)),
                  pl.BlockSpec((F_IN, H), lambda i: (0, 0)),
                  pl.BlockSpec((H, H), lambda i: (0, 0))],
        out_specs=pl.BlockSpec((BN, H), lambda i: (i, 0)),
        out_shape=jax.ShapeDtypeStruct((NP, H), jnp.float32),
    )(s_hist, xp, dinv, b1.reshape(1, H), W1, W2)

    acc2 = _sc_mp(hw2p, src2d, dst2d)

    graph_emb = pl.pallas_call(
        _bc_body,
        grid=(2 * NSTEPS,),
        in_specs=[
            pl.BlockSpec((2, BN, H),
                         lambda i: (0, jnp.where(i < NSTEPS, i, NSTEPS - 1), 0)),
            pl.BlockSpec((BN, H),
                         lambda i: (jnp.where(i < NSTEPS, i, NSTEPS - 1), 0)),
            pl.BlockSpec((BN, 1),
                         lambda i: (jnp.where(i < NSTEPS, i, NSTEPS - 1), 0)),
            pl.BlockSpec((1, H), lambda i: (0, 0)),
            pl.BlockSpec((H, 1), lambda i: (0, 0)),
            pl.BlockSpec((BI, 1),
                         lambda i: (jnp.where(i < NSTEPS, 0, i - NSTEPS), 0)),
            pl.BlockSpec((1, NP), lambda i: (0, 0)),
        ],
        out_specs=pl.BlockSpec((G, H), lambda i: (0, 0)),
        out_shape=jax.ShapeDtypeStruct((G, H), jnp.float32),
        scratch_shapes=[pltpu.VMEM((1, NP), jnp.float32),
                        pltpu.VMEM((NP, H), jnp.float32)],
    )(acc2, hw2p, dinv, b2.reshape(1, H), pool_w.reshape(H, 1), bat_col, bat_row)

    return graph_emb

# --- scband reference (transcript-rebuilt; emitter-appended) ---
"""Pipeline reference for scband-graph2-vec-25383256719833 (READ-ONLY COPY).

The authoritative reference and input builder live on the scoring server;
editing this copy changes nothing except your own understanding.
"""

import jax, jax.numpy as jnp
import numpy as np

N = 10000
E = 320000
F_IN = 128   # config.num_feature_dim (one-hot node labels)
H = 128      # hidden dim of GCN convs
G = 64       # number of graphs in the batch
RATIO = 0.5  # TopKPooling ratio


def setup_inputs(seed: int = 0) -> dict:
    key = jax.random.key(seed)
    ks = jax.random.split(key, 8)
    x = jax.random.randint(ks[0], (N,), 0, F_IN)
    edge_index = jax.random.randint(ks[1], (2, E), 0, N)
    batch = jnp.sort(jax.random.randint(ks[2], (N,), 0, G))
    W1 = jax.random.normal(ks[3], (F_IN, H), dtype=jnp.float32) / np.sqrt(F_IN)
    b1 = jnp.zeros((H,), dtype=jnp.float32)
    W2 = jax.random.normal(ks[4], (H, H), dtype=jnp.float32) / np.sqrt(H)
    b2 = jnp.zeros((H,), dtype=jnp.float32)
    pool_w = jax.random.normal(ks[5], (H,), dtype=jnp.float32)
    return {"x": x, "edge_index": edge_index, "batch": batch,
            "W1": W1, "b1": b1, "W2": W2, "b2": b2, "pool_w": pool_w}


def _gcn_conv(h, src, dst, W, b):
    # GCNConv with added self-loops and symmetric normalization
    deg = jnp.zeros((N,), dtype=jnp.float32).at[dst].add(1.0) + 1.0
    dinv = jax.lax.rsqrt(deg)
    hw = h @ W
    norm = dinv[src] * dinv[dst]
    msg = hw[src] * norm[:, None]
    out = jnp.zeros_like(hw).at[dst].add(msg)
    out = out + hw * (dinv * dinv)[:, None]  # self-loop term
    return out + b


def reference(x, edge_index, batch, W1, b1, W2, b2, pool_w):
    # embed_graph (eval mode: dropout is identity)
    src, dst = edge_index[0], edge_index[1]
    h = jax.nn.one_hot(x, F_IN, dtype=jnp.float32)
    h = jax.nn.relu(_gcn_conv(h, src, dst, W1, b1))
    h = jax.nn.relu(_gcn_conv(h, src, dst, W2, b2))

    # TopKPooling(ratio=0.5): score = (h . w)/||w||, tanh gate, keep top ceil(r*n_i) per graph
    score = (h @ pool_w) / jnp.linalg.norm(pool_w)
    counts = jax.ops.segment_sum(jnp.ones((N,), dtype=jnp.float32), batch, num_segments=G)
    k = jnp.ceil(RATIO * counts)
    order = jnp.lexsort((-score, batch))  # primary: batch, secondary: descending score
    offsets = jnp.concatenate([jnp.zeros((1,), dtype=jnp.float32), jnp.cumsum(counts)[:-1]])
    rank = jnp.zeros((N,), dtype=jnp.float32).at[order].set(
        jnp.arange(N, dtype=jnp.float32) - offsets[batch[order]])
    keep = (rank < k[batch]).astype(jnp.float32)
    gate = jnp.tanh(score)
    h_p = h * gate[:, None] * keep[:, None]

    # global_mean_pool readout over kept nodes per graph
    summed = jax.ops.segment_sum(h_p, batch, num_segments=G)
    graph_emb = summed / jnp.maximum(k, 1.0)[:, None]
    return graph_emb

if __name__ == "__main__":
    import jax
    _d = setup_inputs()
    print(jax.jit(kernel)(*tuple(_d.values())))

</pallas_src>

<mosaic_0001>
#map = affine_map<(d0, d1) -> (0, 0)>
#map1 = affine_map<(d0, d1) -> (0, 0, 0)>
module attributes {stable_mosaic.version = 14 : i64} {
  func.func @_mp_body(%arg0: i32, %arg1: i32, %arg2: memref<10240x128xf32, #tpu.memory_space<hbm>>, %arg3: memref<2560x128xi32, #tpu.memory_space<hbm>>, %arg4: memref<2560x128xi32, #tpu.memory_space<hbm>>, %arg5: memref<2x10240x128xf32, #tpu.memory_space<hbm>>, %arg6: memref<40x128xi32, #tpu.memory_space<vmem>>, %arg7: memref<40x128xi32, #tpu.memory_space<vmem>>, %arg8: memref<128x128xf32, #tpu.memory_space<vmem>>, %arg9: memref<128x128xf32, #tpu.memory_space<vmem>>, %arg10: memref<10240x128xf32, #tpu.memory_space<vmem_shared>>, %arg11: memref<!tpu.dma_semaphore, #tpu.memory_space<semaphore_mem>>, %arg12: memref<!tpu.dma_semaphore, #tpu.memory_space<semaphore_mem>>, %arg13: memref<!tpu.dma_semaphore, #tpu.memory_space<semaphore_mem>>, %arg14: memref<!tpu.dma_semaphore, #tpu.memory_space<semaphore_mem>>) attributes {dimension_semantics = [#tpu.dimension_semantics<core_parallel>, #tpu.dimension_semantics<subcore_parallel>], iteration_bounds = array<i64: 2, 16>, scalar_prefetch = 0 : i64, scratch_operands = 9 : i64, tpu.core_type = #tpu.core_type<sc_vector_subcore>, window_params = [{transform_indices = #map}, {transform_indices = #map}, {transform_indices = #map}, {transform_indices = #map1}]} {
    %broadcast_in_dim3A = arith.constant 0.000000e+00 : f32
    %broadcast_in_dim3A_0 = vector.broadcast %broadcast_in_dim3A : f32 to vector<16xf32>
    %scan3A = arith.constant 0 : i32
    %scan3A_1 = arith.constant 0 : i32
    %scan3A_2 = arith.constant 128 : i32
    %scan3A_3 = arith.addi %scan3A_1, %scan3A_2 : i32
    %scan3A_4 = arith.constant 1 : i32
    scf.for %scan3A_74 = %scan3A_1 to %scan3A_3 step %scan3A_4  : i32 {
      %swap3A = arith.index_cast %scan3A_74 : i32 to index
      %swap3A_75 = arith.constant 0 : index
      %swap3A_76 = tpu.vector_load %arg8[%swap3A, %swap3A_75] {strides = array<i32>} : memref<128x128xf32, #tpu.memory_space<vmem>>, vector<1x16xf32>,
      %swap3A_77 = vector.shape_cast %swap3A_76 : vector<1x16xf32> to vector<16xf32>
      %swap3A_78 = vector.shape_cast %broadcast_in_dim3A_0 : vector<16xf32> to vector<1x16xf32>
      tpu.vector_store %arg8[%swap3A, %swap3A_75], %swap3A_78 {strides = array<i32>} : memref<128x128xf32, #tpu.memory_space<vmem>>, vector<1x16xf32>,
      %swap3A_79 = arith.index_cast %scan3A_74 : i32 to index
      %swap3A_80 = arith.constant 16 : index
      %swap3A_81 = tpu.vector_load %arg8[%swap3A_79, %swap3A_80] {strides = array<i32>} : memref<128x128xf32, #tpu.memory_space<vmem>>, vector<1x16xf32>,
      %swap3A_82 = vector.shape_cast %swap3A_81 : vector<1x16xf32> to vector<16xf32>
      %swap3A_83 = vector.shape_cast %broadcast_in_dim3A_0 : vector<16xf32> to vector<1x16xf32>
      tpu.vector_store %arg8[%swap3A_79, %swap3A_80], %swap3A_83 {strides = array<i32>} : memref<128x128xf32, #tpu.memory_space<vmem>>, vector<1x16xf32>,
      %swap3A_84 = arith.index_cast %scan3A_74 : i32 to index
      %swap3A_85 = arith.constant 32 : index
      %swap3A_86 = tpu.vector_load %arg8[%swap3A_84, %swap3A_85] {strides = array<i32>} : memref<128x128xf32, #tpu.memory_space<vmem>>, vector<1x16xf32>,
      %swap3A_87 = vector.shape_cast %swap3A_86 : vector<1x16xf32> to vector<16xf32>
      %swap3A_88 = vector.shape_cast %broadcast_in_dim3A_0 : vector<16xf32> to vector<1x16xf32>
      tpu.vector_store %arg8[%swap3A_84, %swap3A_85], %swap3A_88 {strides = array<i32>} : memref<128x128xf32, #tpu.memory_space<vmem>>, vector<1x16xf32>,
      %swap3A_89 = arith.index_cast %scan3A_74 : i32 to index
      %swap3A_90 = arith.constant 48 : index
      %swap3A_91 = tpu.vector_load %arg8[%swap3A_89, %swap3A_90] {strides = array<i32>} : memref<128x128xf32, #tpu.memory_space<vmem>>, vector<1x16xf32>,
      %swap3A_92 = vector.shape_cast %swap3A_91 : vector<1x16xf32> to vector<16xf32>
      %swap3A_93 = vector.shape_cast %broadcast_in_dim3A_0 : vector<16xf32> to vector<1x16xf32>
      tpu.vector_store %arg8[%swap3A_89, %swap3A_90], %swap3A_93 {strides = array<i32>} : memref<128x128xf32, #tpu.memory_space<vmem>>, vector<1x16xf32>,
      %swap3A_94 = arith.index_cast %scan3A_74 : i32 to index
      %swap3A_95 = arith.constant 64 : index
      %swap3A_96 = tpu.vector_load %arg8[%swap3A_94, %swap3A_95] {strides = array<i32>} : memref<128x128xf32, #tpu.memory_space<vmem>>, vector<1x16xf32>,
      %swap3A_97 = vector.shape_cast %swap3A_96 : vector<1x16xf32> to vector<16xf32>
      %swap3A_98 = vector.shape_cast %broadcast_in_dim3A_0 : vector<16xf32> to vector<1x16xf32>
      tpu.vector_store %arg8[%swap3A_94, %swap3A_95], %swap3A_98 {strides = array<i32>} : memref<128x128xf32, #tpu.memory_space<vmem>>, vector<1x16xf32>,
      %swap3A_99 = arith.index_cast %scan3A_74 : i32 to index
      %swap3A_100 = arith.constant 80 : index
      %swap3A_101 = tpu.vector_load %arg8[%swap3A_99, %swap3A_100] {strides = array<i32>} : memref<128x128xf32, #tpu.memory_space<vmem>>, vector<1x16xf32>,
      %swap3A_102 = vector.shape_cast %swap3A_101 : vector<1x16xf32> to vector<16xf32>
      %swap3A_103 = vector.shape_cast %broadcast_in_dim3A_0 : vector<16xf32> to vector<1x16xf32>
      tpu.vector_store %arg8[%swap3A_99, %swap3A_100], %swap3A_103 {strides = array<i32>} : memref<128x128xf32, #tpu.memory_space<vmem>>, vector<1x16xf32>,
      %swap3A_104 = arith.index_cast %scan3A_74 : i32 to index
      %swap3A_105 = arith.constant 96 : index
      %swap3A_106 = tpu.vector_load %arg8[%swap3A_104, %swap3A_105] {strides = array<i32>} : memref<128x128xf32, #tpu.memory_space<vmem>>, vector<1x16xf32>,
      %swap3A_107 = vector.shape_cast %swap3A_106 : vector<1x16xf32> to vector<16xf32>
      %swap3A_108 = vector.shape_cast %broadcast_in_dim3A_0 : vector<16xf32> to vector<1x16xf32>
      tpu.vector_store %arg8[%swap3A_104, %swap3A_105], %swap3A_108 {strides = array<i32>} : memref<128x128xf32, #tpu.memory_space<vmem>>, vector<1x16xf32>,
      %swap3A_109 = arith.index_cast %scan3A_74 : i32 to index
      %swap3A_110 = arith.constant 112 : index
      %swap3A_111 = tpu.vector_load %arg8[%swap3A_109, %swap3A_110] {strides = array<i32>} : memref<128x128xf32, #tpu.memory_space<vmem>>, vector<1x16xf32>,
      %swap3A_112 = vector.shape_cast %swap3A_111 : vector<1x16xf32> to vector<16xf32>
      %swap3A_113 = vector.shape_cast %broadcast_in_dim3A_0 : vector<16xf32> to vector<1x16xf32>
      tpu.vector_store %arg8[%swap3A_109, %swap3A_110], %swap3A_113 {strides = array<i32>} : memref<128x128xf32, #tpu.memory_space<vmem>>, vector<1x16xf32>,
    }
    %scan3A_5 = arith.constant 128 : i32
    %mul3A = arith.constant 640 : i32
    %mul3A_6 = arith.muli %arg1, %mul3A : i32
    %add3A = arith.constant 0 : i32
    %add3A_7 = arith.addi %mul3A_6, %add3A : i32
    "tpu.region"() ({
      %run_scoped3A = tpu.sem_alloc : memref<!tpu.dma_semaphore, #tpu.memory_space<semaphore_mem>>
      %dma_start3A_74 = arith.constant 0 : i32
      %dma_start3A_75 = tpu.memref_slice %arg10[%add3A_7, %dma_start3A_74] : memref<10240x128xf32, #tpu.memory_space<vmem_shared>> -> memref<128x128xf32, #tpu.memory_space<vmem_shared>>
      %dma_start3A_76 = arith.constant 0 : i32
      %dma_start3A_77 = tpu.memref_slice %arg10[%add3A_7, %dma_start3A_76] : memref<10240x128xf32, #tpu.memory_space<vmem_shared>> -> memref<128x128xf32, #tpu.memory_space<vmem_shared>>
      tpu.enqueue_dma source(%arg8 : memref<128x128xf32, #tpu.memory_space<vmem>>) target(%dma_start3A_77 : memref<128x128xf32, #tpu.memory_space<vmem_shared>>) target_semaphore(%run_scoped3A : memref<!tpu.dma_semaphore, #tpu.memory_space<semaphore_mem>>)
      %dma_wait3A_78 = arith.constant 0 : i32
      %dma_wait3A_79 = tpu.memref_slice %arg10[%add3A_7, %dma_wait3A_78] : memref<10240x128xf32, #tpu.memory_space<vmem_shared>> -> memref<128x128xf32, #tpu.memory_space<vmem_shared>>
      %dma_wait3A_80 = arith.constant 0 : i32
      %dma_wait3A_81 = tpu.memref_slice %arg10[%add3A_7, %dma_wait3A_80] : memref<10240x128xf32, #tpu.memory_space<vmem_shared>> -> memref<128x128xf32, #tpu.memory_space<vmem_shared>>
      tpu.wait_dma2 semaphore(%run_scoped3A : memref<!tpu.dma_semaphore, #tpu.memory_space<semaphore_mem>>) src(%arg8 : memref<128x128xf32, #tpu.memory_space<vmem>>) dst(%dma_wait3A_81 : memref<128x128xf32, #tpu.memory_space<vmem_shared>>)
      tpu.yield
    }) : () -> ()
    %mul3A_8 = arith.constant 640 : i32
    %mul3A_9 = arith.muli %arg1, %mul3A_8 : i32
    %add3A_10 = arith.constant 128 : i32
    %add3A_11 = arith.addi %mul3A_9, %add3A_10 : i32
    "tpu.region"() ({
      %run_scoped3A = tpu.sem_alloc : memref<!tpu.dma_semaphore, #tpu.memory_space<semaphore_mem>>
      %dma_start3A_74 = arith.constant 0 : i32
      %dma_start3A_75 = tpu.memref_slice %arg10[%add3A_11, %dma_start3A_74] : memref<10240x128xf32, #tpu.memory_space<vmem_shared>> -> memref<128x128xf32, #tpu.memory_space<vmem_shared>>
      %dma_start3A_76 = arith.constant 0 : i32
      %dma_start3A_77 = tpu.memref_slice %arg10[%add3A_11, %dma_start3A_76] : memref<10240x128xf32, #tpu.memory_space<vmem_shared>> -> memref<128x128xf32, #tpu.memory_space<vmem_shared>>
      tpu.enqueue_dma source(%arg8 : memref<128x128xf32, #tpu.memory_space<vmem>>) target(%dma_start3A_77 : memref<128x128xf32, #tpu.memory_space<vmem_shared>>) target_semaphore(%run_scoped3A : memref<!tpu.dma_semaphore, #tpu.memory_space<semaphore_mem>>)
      %dma_wait3A_78 = arith.constant 0 : i32
      %dma_wait3A_79 = tpu.memref_slice %arg10[%add3A_11, %dma_wait3A_78] : memref<10240x128xf32, #tpu.memory_space<vmem_shared>> -> memref<128x128xf32, #tpu.memory_space<vmem_shared>>
      %dma_wait3A_80 = arith.constant 0 : i32
      %dma_wait3A_81 = tpu.memref_slice %arg10[%add3A_11, %dma_wait3A_80] : memref<10240x128xf32, #tpu.memory_space<vmem_shared>> -> memref<128x128xf32, #tpu.memory_space<vmem_shared>>
      tpu.wait_dma2 semaphore(%run_scoped3A : memref<!tpu.dma_semaphore, #tpu.memory_space<semaphore_mem>>) src(%arg8 : memref<128x128xf32, #tpu.memory_space<vmem>>) dst(%dma_wait3A_81 : memref<128x128xf32, #tpu.memory_space<vmem_shared>>)
      tpu.yield
    }) : () -> ()
    %mul3A_12 = arith.constant 640 : i32
    %mul3A_13 = arith.muli %arg1, %mul3A_12 : i32
    %add3A_14 = arith.constant 256 : i32
    %add3A_15 = arith.addi %mul3A_13, %add3A_14 : i32
    "tpu.region"() ({
      %run_scoped3A = tpu.sem_alloc : memref<!tpu.dma_semaphore, #tpu.memory_space<semaphore_mem>>
      %dma_start3A_74 = arith.constant 0 : i32
      %dma_start3A_75 = tpu.memref_slice %arg10[%add3A_15, %dma_start3A_74] : memref<10240x128xf32, #tpu.memory_space<vmem_shared>> -> memref<128x128xf32, #tpu.memory_space<vmem_shared>>
      %dma_start3A_76 = arith.constant 0 : i32
      %dma_start3A_77 = tpu.memref_slice %arg10[%add3A_15, %dma_start3A_76] : memref<10240x128xf32, #tpu.memory_space<vmem_shared>> -> memref<128x128xf32, #tpu.memory_space<vmem_shared>>
      tpu.enqueue_dma source(%arg8 : memref<128x128xf32, #tpu.memory_space<vmem>>) target(%dma_start3A_77 : memref<128x128xf32, #tpu.memory_space<vmem_shared>>) target_semaphore(%run_scoped3A : memref<!tpu.dma_semaphore, #tpu.memory_space<semaphore_mem>>)
      %dma_wait3A_78 = arith.constant 0 : i32
      %dma_wait3A_79 = tpu.memref_slice %arg10[%add3A_15, %dma_wait3A_78] : memref<10240x128xf32, #tpu.memory_space<vmem_shared>> -> memref<128x128xf32, #tpu.memory_space<vmem_shared>>
      %dma_wait3A_80 = arith.constant 0 : i32
      %dma_wait3A_81 = tpu.memref_slice %arg10[%add3A_15, %dma_wait3A_80] : memref<10240x128xf32, #tpu.memory_space<vmem_shared>> -> memref<128x128xf32, #tpu.memory_space<vmem_shared>>
      tpu.wait_dma2 semaphore(%run_scoped3A : memref<!tpu.dma_semaphore, #tpu.memory_space<semaphore_mem>>) src(%arg8 : memref<128x128xf32, #tpu.memory_space<vmem>>) dst(%dma_wait3A_81 : memref<128x128xf32, #tpu.memory_space<vmem_shared>>)
      tpu.yield
    }) : () -> ()
    %mul3A_16 = arith.constant 640 : i32
    %mul3A_17 = arith.muli %arg1, %mul3A_16 : i32
    %add3A_18 = arith.constant 384 : i32
    %add3A_19 = arith.addi %mul3A_17, %add3A_18 : i32
    "tpu.region"() ({
      %run_scoped3A = tpu.sem_alloc : memref<!tpu.dma_semaphore, #tpu.memory_space<semaphore_mem>>
      %dma_start3A_74 = arith.constant 0 : i32
      %dma_start3A_75 = tpu.memref_slice %arg10[%add3A_19, %dma_start3A_74] : memref<10240x128xf32, #tpu.memory_space<vmem_shared>> -> memref<128x128xf32, #tpu.memory_space<vmem_shared>>
      %dma_start3A_76 = arith.constant 0 : i32
      %dma_start3A_77 = tpu.memref_slice %arg10[%add3A_19, %dma_start3A_76] : memref<10240x128xf32, #tpu.memory_space<vmem_shared>> -> memref<128x128xf32, #tpu.memory_space<vmem_shared>>
      tpu.enqueue_dma source(%arg8 : memref<128x128xf32, #tpu.memory_space<vmem>>) target(%dma_start3A_77 : memref<128x128xf32, #tpu.memory_space<vmem_shared>>) target_semaphore(%run_scoped3A : memref<!tpu.dma_semaphore, #tpu.memory_space<semaphore_mem>>)
      %dma_wait3A_78 = arith.constant 0 : i32
      %dma_wait3A_79 = tpu.memref_slice %arg10[%add3A_19, %dma_wait3A_78] : memref<10240x128xf32, #tpu.memory_space<vmem_shared>> -> memref<128x128xf32, #tpu.memory_space<vmem_shared>>
      %dma_wait3A_80 = arith.constant 0 : i32
      %dma_wait3A_81 = tpu.memref_slice %arg10[%add3A_19, %dma_wait3A_80] : memref<10240x128xf32, #tpu.memory_space<vmem_shared>> -> memref<128x128xf32, #tpu.memory_space<vmem_shared>>
      tpu.wait_dma2 semaphore(%run_scoped3A : memref<!tpu.dma_semaphore, #tpu.memory_space<semaphore_mem>>) src(%arg8 : memref<128x128xf32, #tpu.memory_space<vmem>>) dst(%dma_wait3A_81 : memref<128x128xf32, #tpu.memory_space<vmem_shared>>)
      tpu.yield
    }) : () -> ()
    %mul3A_20 = arith.constant 640 : i32
    %mul3A_21 = arith.muli %arg1, %mul3A_20 : i32
    %add3A_22 = arith.constant 512 : i32
    %add3A_23 = arith.addi %mul3A_21, %add3A_22 : i32
    "tpu.region"() ({
      %run_scoped3A = tpu.sem_alloc : memref<!tpu.dma_semaphore, #tpu.memory_space<semaphore_mem>>
      %dma_start3A_74 = arith.constant 0 : i32
      %dma_start3A_75 = tpu.memref_slice %arg10[%add3A_23, %dma_start3A_74] : memref<10240x128xf32, #tpu.memory_space<vmem_shared>> -> memref<128x128xf32, #tpu.memory_space<vmem_shared>>
      %dma_start3A_76 = arith.constant 0 : i32
      %dma_start3A_77 = tpu.memref_slice %arg10[%add3A_23, %dma_start3A_76] : memref<10240x128xf32, #tpu.memory_space<vmem_shared>> -> memref<128x128xf32, #tpu.memory_space<vmem_shared>>
      tpu.enqueue_dma source(%arg8 : memref<128x128xf32, #tpu.memory_space<vmem>>) target(%dma_start3A_77 : memref<128x128xf32, #tpu.memory_space<vmem_shared>>) target_semaphore(%run_scoped3A : memref<!tpu.dma_semaphore, #tpu.memory_space<semaphore_mem>>)
      %dma_wait3A_78 = arith.constant 0 : i32
      %dma_wait3A_79 = tpu.memref_slice %arg10[%add3A_23, %dma_wait3A_78] : memref<10240x128xf32, #tpu.memory_space<vmem_shared>> -> memref<128x128xf32, #tpu.memory_space<vmem_shared>>
      %dma_wait3A_80 = arith.constant 0 : i32
      %dma_wait3A_81 = tpu.memref_slice %arg10[%add3A_23, %dma_wait3A_80] : memref<10240x128xf32, #tpu.memory_space<vmem_shared>> -> memref<128x128xf32, #tpu.memory_space<vmem_shared>>
      tpu.wait_dma2 semaphore(%run_scoped3A : memref<!tpu.dma_semaphore, #tpu.memory_space<semaphore_mem>>) src(%arg8 : memref<128x128xf32, #tpu.memory_space<vmem>>) dst(%dma_wait3A_81 : memref<128x128xf32, #tpu.memory_space<vmem_shared>>)
      tpu.yield
    }) : () -> ()
    %mul3A_24 = arith.constant 16 : i32
    %mul3A_25 = arith.muli %arg0, %mul3A_24 : i32
    %add3A_26 = arith.addi %mul3A_25, %arg1 : i32
    %mul3A_27 = arith.constant 80 : i32
    %mul3A_28 = arith.muli %add3A_26, %mul3A_27 : i32
    %add3A_29 = arith.constant 0 : i32
    %add3A_30 = arith.addi %mul3A_28, %add3A_29 : i32
    "tpu.region"() ({
      %run_scoped3A = tpu.sem_alloc : memref<!tpu.dma_semaphore, #tpu.memory_space<semaphore_mem>>
      %dma_start3A_74 = arith.constant 0 : i32
      %dma_start3A_75 = tpu.memref_slice %arg3[%add3A_30, %dma_start3A_74] : memref<2560x128xi32, #tpu.memory_space<hbm>> -> memref<40x128xi32, #tpu.memory_space<hbm>>
      %dma_start3A_76 = arith.constant 0 : i32
      %dma_start3A_77 = tpu.memref_slice %arg3[%add3A_30, %dma_start3A_76] : memref<2560x128xi32, #tpu.memory_space<hbm>> -> memref<40x128xi32, #tpu.memory_space<hbm>>
      tpu.enqueue_dma source(%dma_start3A_77 : memref<40x128xi32, #tpu.memory_space<hbm>>) target(%arg6 : memref<40x128xi32, #tpu.memory_space<vmem>>) target_semaphore(%run_scoped3A : memref<!tpu.dma_semaphore, #tpu.memory_space<semaphore_mem>>)
      %dma_wait3A_78 = arith.constant 0 : i32
      %dma_wait3A_79 = tpu.memref_slice %arg3[%add3A_30, %dma_wait3A_78] : memref<2560x128xi32, #tpu.memory_space<hbm>> -> memref<40x128xi32, #tpu.memory_space<hbm>>
      %dma_wait3A_80 = arith.constant 0 : i32
      %dma_wait3A_81 = tpu.memref_slice %arg3[%add3A_30, %dma_wait3A_80] : memref<2560x128xi32, #tpu.memory_space<hbm>> -> memref<40x128xi32, #tpu.memory_space<hbm>>
      tpu.wait_dma2 semaphore(%run_scoped3A : memref<!tpu.dma_semaphore, #tpu.memory_space<semaphore_mem>>) src(%dma_wait3A_81 : memref<40x128xi32, #tpu.memory_space<hbm>>) dst(%arg6 : memref<40x128xi32, #tpu.memory_space<vmem>>)
      tpu.yield
    }) : () -> ()
    "tpu.region"() ({
      %run_scoped3A = tpu.sem_alloc : memref<!tpu.dma_semaphore, #tpu.memory_space<semaphore_mem>>
      %dma_start3A_74 = arith.constant 0 : i32
      %dma_start3A_75 = tpu.memref_slice %arg4[%add3A_30, %dma_start3A_74] : memref<2560x128xi32, #tpu.memory_space<hbm>> -> memref<40x128xi32, #tpu.memory_space<hbm>>
      %dma_start3A_76 = arith.constant 0 : i32
      %dma_start3A_77 = tpu.memref_slice %arg4[%add3A_30, %dma_start3A_76] : memref<2560x128xi32, #tpu.memory_space<hbm>> -> memref<40x128xi32, #tpu.memory_space<hbm>>
      tpu.enqueue_dma source(%dma_start3A_77 : memref<40x128xi32, #tpu.memory_space<hbm>>) target(%arg7 : memref<40x128xi32, #tpu.memory_space<vmem>>) target_semaphore(%run_scoped3A : memref<!tpu.dma_semaphore, #tpu.memory_space<semaphore_mem>>)
      %dma_wait3A_78 = arith.constant 0 : i32
      %dma_wait3A_79 = tpu.memref_slice %arg4[%add3A_30, %dma_wait3A_78] : memref<2560x128xi32, #tpu.memory_space<hbm>> -> memref<40x128xi32, #tpu.memory_space<hbm>>
      %dma_wait3A_80 = arith.constant 0 : i32
      %dma_wait3A_81 = tpu.memref_slice %arg4[%add3A_30, %dma_wait3A_80] : memref<2560x128xi32, #tpu.memory_space<hbm>> -> memref<40x128xi32, #tpu.memory_space<hbm>>
      tpu.wait_dma2 semaphore(%run_scoped3A : memref<!tpu.dma_semaphore, #tpu.memory_space<semaphore_mem>>) src(%dma_wait3A_81 : memref<40x128xi32, #tpu.memory_space<hbm>>) dst(%arg7 : memref<40x128xi32, #tpu.memory_space<vmem>>)
      tpu.yield
    }) : () -> ()
    %dma_start3A = arith.constant 0 : i32
    %dma_start3A_31 = arith.constant 0 : i32
    %dma_start3A_32 = tpu.memref_slice %arg6[%dma_start3A, %dma_start3A_31] : memref<40x128xi32, #tpu.memory_space<vmem>> -> memref<1x128xi32, #tpu.memory_space<vmem>>
    %dma_start3A_33 = tpu.memref_squeeze %dma_start3A_32 : memref<1x128xi32, #tpu.memory_space<vmem>> -> memref<128xi32, #tpu.memory_space<vmem>>
    %dma_start3A_34 = arith.constant 0 : i32
    %dma_start3A_35 = arith.constant 0 : i32
    %dma_start3A_36 = tpu.memref_slice %arg2[%dma_start3A_34, %dma_start3A_35] : memref<10240x128xf32, #tpu.memory_space<hbm>> -> memref<10240x128xf32, #tpu.memory_space<hbm>>
    tpu.enqueue_indirect_dma source(%dma_start3A_36 : memref<10240x128xf32, #tpu.memory_space<hbm>>) target(%arg8 : memref<128x128xf32, #tpu.memory_space<vmem>>) offsets(%dma_start3A_33 : memref<128xi32, #tpu.memory_space<vmem>>) semaphore(%arg11 : memref<!tpu.dma_semaphore, #tpu.memory_space<semaphore_mem>>)
    %barrier3A = arith.constant 0 : index
    tpu.barrier barrier_id(%barrier3A)
    %scan3A_37 = arith.constant 0 : i32
    %scan3A_38 = arith.constant 20 : i32
    %scan3A_39 = arith.addi %scan3A_37, %scan3A_38 : i32
    %scan3A_40 = arith.constant 1 : i32
    scf.for %scan3A_74 = %scan3A_37 to %scan3A_39 step %scan3A_40  : i32 {
      %mul3A_75 = arith.constant 2 : i32
      %mul3A_76 = arith.muli %scan3A_74, %mul3A_75 : i32
      %add3A_77 = arith.constant 0 : i32
      %add3A_78 = arith.addi %add3A_77, %mul3A_76 : i32
      %gt3A = arith.constant 0 : i32
      %gt3A_79 = arith.cmpi sgt, %add3A_78, %gt3A : i32
      %convert_element_type3A = arith.extui %gt3A_79 : i1 to i32
      %cond3A = arith.constant 0 : i32
      %cond3A_80 = arith.cmpi ne, %convert_element_type3A, %cond3A : i32
      scf.if %cond3A_80 {
        %sub3A = arith.constant 1 : i32
        %sub3A_129 = arith.subi %add3A_78, %sub3A : i32
        %dma_wait3A_130 = arith.constant 0 : i32
        %dma_wait3A_131 = tpu.memref_slice %arg7[%sub3A_129, %dma_wait3A_130] : memref<40x128xi32, #tpu.memory_space<vmem>> -> memref<1x128xi32, #tpu.memory_space<vmem>>
        %dma_wait3A_132 = tpu.memref_squeeze %dma_wait3A_131 : memref<1x128xi32, #tpu.memory_space<vmem>> -> memref<128xi32, #tpu.memory_space<vmem>>
        %dma_wait3A_133 = arith.constant 0 : i32
        %dma_wait3A_134 = arith.constant 0 : i32
        %dma_wait3A_135 = tpu.memref_slice %arg10[%dma_wait3A_133, %dma_wait3A_134] : memref<10240x128xf32, #tpu.memory_space<vmem_shared>> -> memref<10240x128xf32, #tpu.memory_space<vmem_shared>>
        tpu.wait_indirect_dma semaphore(%arg14 : memref<!tpu.dma_semaphore, #tpu.memory_space<semaphore_mem>>) src(%arg9 : memref<128x128xf32, #tpu.memory_space<vmem>>) dst(%dma_wait3A_135 : memref<10240x128xf32, #tpu.memory_space<vmem_shared>>)
      } else {
      }
      %add3A_81 = arith.constant 1 : i32
      %add3A_82 = arith.addi %add3A_78, %add3A_81 : i32
      %dma_start3A_83 = arith.constant 0 : i32
      %dma_start3A_84 = tpu.memref_slice %arg6[%add3A_82, %dma_start3A_83] : memref<40x128xi32, #tpu.memory_space<vmem>> -> memref<1x128xi32, #tpu.memory_space<vmem>>
      %dma_start3A_85 = tpu.memref_squeeze %dma_start3A_84 : memref<1x128xi32, #tpu.memory_space<vmem>> -> memref<128xi32, #tpu.memory_space<vmem>>
      %dma_start3A_86 = arith.constant 0 : i32
      %dma_start3A_87 = arith.constant 0 : i32
      %dma_start3A_88 = tpu.memref_slice %arg2[%dma_start3A_86, %dma_start3A_87] : memref<10240x128xf32, #tpu.memory_space<hbm>> -> memref<10240x128xf32, #tpu.memory_space<hbm>>
      tpu.enqueue_indirect_dma source(%dma_start3A_88 : memref<10240x128xf32, #tpu.memory_space<hbm>>) target(%arg9 : memref<128x128xf32, #tpu.memory_space<vmem>>) offsets(%dma_start3A_85 : memref<128xi32, #tpu.memory_space<vmem>>) semaphore(%arg12 : memref<!tpu.dma_semaphore, #tpu.memory_space<semaphore_mem>>)
      %dma_wait3A_89 = arith.constant 0 : i32
      %dma_wait3A_90 = tpu.memref_slice %arg6[%add3A_78, %dma_wait3A_89] : memref<40x128xi32, #tpu.memory_space<vmem>> -> memref<1x128xi32, #tpu.memory_space<vmem>>
      %dma_wait3A_91 = tpu.memref_squeeze %dma_wait3A_90 : memref<1x128xi32, #tpu.memory_space<vmem>> -> memref<128xi32, #tpu.memory_space<vmem>>
      %dma_wait3A_92 = arith.constant 0 : i32
      %dma_wait3A_93 = arith.constant 0 : i32
      %dma_wait3A_94 = tpu.memref_slice %arg2[%dma_wait3A_92, %dma_wait3A_93] : memref<10240x128xf32, #tpu.memory_space<hbm>> -> memref<10240x128xf32, #tpu.memory_space<hbm>>
      tpu.wait_indirect_dma semaphore(%arg11 : memref<!tpu.dma_semaphore, #tpu.memory_space<semaphore_mem>>) src(%dma_wait3A_94 : memref<10240x128xf32, #tpu.memory_space<hbm>>) dst(%arg8 : memref<128x128xf32, #tpu.memory_space<vmem>>)
      %dma_start3A_95 = arith.constant 0 : i32
      %dma_start3A_96 = tpu.memref_slice %arg7[%add3A_78, %dma_start3A_95] : memref<40x128xi32, #tpu.memory_space<vmem>> -> memref<1x128xi32, #tpu.memory_space<vmem>>
      %dma_start3A_97 = tpu.memref_squeeze %dma_start3A_96 : memref<1x128xi32, #tpu.memory_space<vmem>> -> memref<128xi32, #tpu.memory_space<vmem>>
      %dma_start3A_98 = arith.constant 0 : i32
      %dma_start3A_99 = arith.constant 0 : i32
      %dma_start3A_100 = tpu.memref_slice %arg10[%dma_start3A_98, %dma_start3A_99] : memref<10240x128xf32, #tpu.memory_space<vmem_shared>> -> memref<10240x128xf32, #tpu.memory_space<vmem_shared>>
      tpu.enqueue_indirect_dma source(%arg8 : memref<128x128xf32, #tpu.memory_space<vmem>>) target(%dma_start3A_100 : memref<10240x128xf32, #tpu.memory_space<vmem_shared>>) offsets(%dma_start3A_97 : memref<128xi32, #tpu.memory_space<vmem>>) semaphore(%arg13 : memref<!tpu.dma_semaphore, #tpu.memory_space<semaphore_mem>>) {add = true}
      %add3A_101 = arith.constant 1 : i32
      %add3A_102 = arith.addi %add3A_78, %add3A_101 : i32
      %dma_wait3A_103 = arith.constant 0 : i32
      %dma_wait3A_104 = tpu.memref_slice %arg6[%add3A_102, %dma_wait3A_103] : memref<40x128xi32, #tpu.memory_space<vmem>> -> memref<1x128xi32, #tpu.memory_space<vmem>>
      %dma_wait3A_105 = tpu.memref_squeeze %dma_wait3A_104 : memref<1x128xi32, #tpu.memory_space<vmem>> -> memref<128xi32, #tpu.memory_space<vmem>>
      %dma_wait3A_106 = arith.constant 0 : i32
      %dma_wait3A_107 = arith.constant 0 : i32
      %dma_wait3A_108 = tpu.memref_slice %arg2[%dma_wait3A_106, %dma_wait3A_107] : memref<10240x128xf32, #tpu.memory_space<hbm>> -> memref<10240x128xf32, #tpu.memory_space<hbm>>
      tpu.wait_indirect_dma semaphore(%arg12 : memref<!tpu.dma_semaphore, #tpu.memory_space<semaphore_mem>>) src(%dma_wait3A_108 : memref<10240x128xf32, #tpu.memory_space<hbm>>) dst(%arg9 : memref<128x128xf32, #tpu.memory_space<vmem>>)
      %dma_wait3A_109 = arith.constant 0 : i32
      %dma_wait3A_110 = tpu.memref_slice %arg7[%add3A_78, %dma_wait3A_109] : memref<40x128xi32, #tpu.memory_space<vmem>> -> memref<1x128xi32, #tpu.memory_space<vmem>>
      %dma_wait3A_111 = tpu.memref_squeeze %dma_wait3A_110 : memref<1x128xi32, #tpu.memory_space<vmem>> -> memref<128xi32, #tpu.memory_space<vmem>>
      %dma_wait3A_112 = arith.constant 0 : i32
      %dma_wait3A_113 = arith.constant 0 : i32
      %dma_wait3A_114 = tpu.memref_slice %arg10[%dma_wait3A_112, %dma_wait3A_113] : memref<10240x128xf32, #tpu.memory_space<vmem_shared>> -> memref<10240x128xf32, #tpu.memory_space<vmem_shared>>
      tpu.wait_indirect_dma semaphore(%arg13 : memref<!tpu.dma_semaphore, #tpu.memory_space<semaphore_mem>>) src(%arg8 : memref<128x128xf32, #tpu.memory_space<vmem>>) dst(%dma_wait3A_114 : memref<10240x128xf32, #tpu.memory_space<vmem_shared>>)
      %add3A_115 = arith.constant 2 : i32
      %add3A_116 = arith.addi %add3A_78, %add3A_115 : i32
      %lt3A = arith.constant 40 : i32
      %lt3A_117 = arith.cmpi slt, %add3A_116, %lt3A : i32
      %convert_element_type3A_118 = arith.extui %lt3A_117 : i1 to i32
      %cond3A_119 = arith.constant 0 : i32
      %cond3A_120 = arith.cmpi ne, %convert_element_type3A_118, %cond3A_119 : i32
      scf.if %cond3A_120 {
        %add3A_129 = arith.constant 2 : i32
        %add3A_130 = arith.addi %add3A_78, %add3A_129 : i32
        %dma_start3A_131 = arith.constant 0 : i32
        %dma_start3A_132 = tpu.memref_slice %arg6[%add3A_130, %dma_start3A_131] : memref<40x128xi32, #tpu.memory_space<vmem>> -> memref<1x128xi32, #tpu.memory_space<vmem>>
        %dma_start3A_133 = tpu.memref_squeeze %dma_start3A_132 : memref<1x128xi32, #tpu.memory_space<vmem>> -> memref<128xi32, #tpu.memory_space<vmem>>
        %dma_start3A_134 = arith.constant 0 : i32
        %dma_start3A_135 = arith.constant 0 : i32
        %dma_start3A_136 = tpu.memref_slice %arg2[%dma_start3A_134, %dma_start3A_135] : memref<10240x128xf32, #tpu.memory_space<hbm>> -> memref<10240x128xf32, #tpu.memory_space<hbm>>
        tpu.enqueue_indirect_dma source(%dma_start3A_136 : memref<10240x128xf32, #tpu.memory_space<hbm>>) target(%arg8 : memref<128x128xf32, #tpu.memory_space<vmem>>) offsets(%dma_start3A_133 : memref<128xi32, #tpu.memory_space<vmem>>) semaphore(%arg11 : memref<!tpu.dma_semaphore, #tpu.memory_space<semaphore_mem>>)
      } else {
      }
      %add3A_121 = arith.constant 1 : i32
      %add3A_122 = arith.addi %add3A_78, %add3A_121 : i32
      %dma_start3A_123 = arith.constant 0 : i32
      %dma_start3A_124 = tpu.memref_slice %arg7[%add3A_122, %dma_start3A_123] : memref<40x128xi32, #tpu.memory_space<vmem>> -> memref<1x128xi32, #tpu.memory_space<vmem>>
      %dma_start3A_125 = tpu.memref_squeeze %dma_start3A_124 : memref<1x128xi32, #tpu.memory_space<vmem>> -> memref<128xi32, #tpu.memory_space<vmem>>
      %dma_start3A_126 = arith.constant 0 : i32
      %dma_start3A_127 = arith.constant 0 : i32
      %dma_start3A_128 = tpu.memref_slice %arg10[%dma_start3A_126, %dma_start3A_127] : memref<10240x128xf32, #tpu.memory_space<vmem_shared>> -> memref<10240x128xf32, #tpu.memory_space<vmem_shared>>
      tpu.enqueue_indirect_dma source(%arg9 : memref<128x128xf32, #tpu.memory_space<vmem>>) target(%dma_start3A_128 : memref<10240x128xf32, #tpu.memory_space<vmem_shared>>) offsets(%dma_start3A_125 : memref<128xi32, #tpu.memory_space<vmem>>) semaphore(%arg14 : memref<!tpu.dma_semaphore, #tpu.memory_space<semaphore_mem>>) {add = true}
    }
    %scan3A_41 = arith.constant 20 : i32
    %dma_wait3A = arith.constant 39 : i32
    %dma_wait3A_42 = arith.constant 0 : i32
    %dma_wait3A_43 = tpu.memref_slice %arg7[%dma_wait3A, %dma_wait3A_42] : memref<40x128xi32, #tpu.memory_space<vmem>> -> memref<1x128xi32, #tpu.memory_space<vmem>>
    %dma_wait3A_44 = tpu.memref_squeeze %dma_wait3A_43 : memref<1x128xi32, #tpu.memory_space<vmem>> -> memref<128xi32, #tpu.memory_space<vmem>>
    %dma_wait3A_45 = arith.constant 0 : i32
    %dma_wait3A_46 = arith.constant 0 : i32
    %dma_wait3A_47 = tpu.memref_slice %arg10[%dma_wait3A_45, %dma_wait3A_46] : memref<10240x128xf32, #tpu.memory_space<vmem_shared>> -> memref<10240x128xf32, #tpu.memory_space<vmem_shared>>
    tpu.wait_indirect_dma semaphore(%arg14 : memref<!tpu.dma_semaphore, #tpu.memory_space<semaphore_mem>>) src(%arg9 : memref<128x128xf32, #tpu.memory_space<vmem>>) dst(%dma_wait3A_47 : memref<10240x128xf32, #tpu.memory_space<vmem_shared>>)
    %add3A_48 = arith.constant 40 : i32
    %add3A_49 = arith.addi %mul3A_28, %add3A_48 : i32
    "tpu.region"() ({
      %run_scoped3A = tpu.sem_alloc : memref<!tpu.dma_semaphore, #tpu.memory_space<semaphore_mem>>
      %dma_start3A_74 = arith.constant 0 : i32
      %dma_start3A_75 = tpu.memref_slice %arg3[%add3A_49, %dma_start3A_74] : memref<2560x128xi32, #tpu.memory_space<hbm>> -> memref<40x128xi32, #tpu.memory_space<hbm>>
      %dma_start3A_76 = arith.constant 0 : i32
      %dma_start3A_77 = tpu.memref_slice %arg3[%add3A_49, %dma_start3A_76] : memref<2560x128xi32, #tpu.memory_space<hbm>> -> memref<40x128xi32, #tpu.memory_space<hbm>>
      tpu.enqueue_dma source(%dma_start3A_77 : memref<40x128xi32, #tpu.memory_space<hbm>>) target(%arg6 : memref<40x128xi32, #tpu.memory_space<vmem>>) target_semaphore(%run_scoped3A : memref<!tpu.dma_semaphore, #tpu.memory_space<semaphore_mem>>)
      %dma_wait3A_78 = arith.constant 0 : i32
      %dma_wait3A_79 = tpu.memref_slice %arg3[%add3A_49, %dma_wait3A_78] : memref<2560x128xi32, #tpu.memory_space<hbm>> -> memref<40x128xi32, #tpu.memory_space<hbm>>
      %dma_wait3A_80 = arith.constant 0 : i32
      %dma_wait3A_81 = tpu.memref_slice %arg3[%add3A_49, %dma_wait3A_80] : memref<2560x128xi32, #tpu.memory_space<hbm>> -> memref<40x128xi32, #tpu.memory_space<hbm>>
      tpu.wait_dma2 semaphore(%run_scoped3A : memref<!tpu.dma_semaphore, #tpu.memory_space<semaphore_mem>>) src(%dma_wait3A_81 : memref<40x128xi32, #tpu.memory_space<hbm>>) dst(%arg6 : memref<40x128xi32, #tpu.memory_space<vmem>>)
      tpu.yield
    }) : () -> ()
    "tpu.region"() ({
      %run_scoped3A = tpu.sem_alloc : memref<!tpu.dma_semaphore, #tpu.memory_space<semaphore_mem>>
      %dma_start3A_74 = arith.constant 0 : i32
      %dma_start3A_75 = tpu.memref_slice %arg4[%add3A_49, %dma_start3A_74] : memref<2560x128xi32, #tpu.memory_space<hbm>> -> memref<40x128xi32, #tpu.memory_space<hbm>>
      %dma_start3A_76 = arith.constant 0 : i32
      %dma_start3A_77 = tpu.memref_slice %arg4[%add3A_49, %dma_start3A_76] : memref<2560x128xi32, #tpu.memory_space<hbm>> -> memref<40x128xi32, #tpu.memory_space<hbm>>
      tpu.enqueue_dma source(%dma_start3A_77 : memref<40x128xi32, #tpu.memory_space<hbm>>) target(%arg7 : memref<40x128xi32, #tpu.memory_space<vmem>>) target_semaphore(%run_scoped3A : memref<!tpu.dma_semaphore, #tpu.memory_space<semaphore_mem>>)
      %dma_wait3A_78 = arith.constant 0 : i32
      %dma_wait3A_79 = tpu.memref_slice %arg4[%add3A_49, %dma_wait3A_78] : memref<2560x128xi32, #tpu.memory_space<hbm>> -> memref<40x128xi32, #tpu.memory_space<hbm>>
      %dma_wait3A_80 = arith.constant 0 : i32
      %dma_wait3A_81 = tpu.memref_slice %arg4[%add3A_49, %dma_wait3A_80] : memref<2560x128xi32, #tpu.memory_space<hbm>> -> memref<40x128xi32, #tpu.memory_space<hbm>>
      tpu.wait_dma2 semaphore(%run_scoped3A : memref<!tpu.dma_semaphore, #tpu.memory_space<semaphore_mem>>) src(%dma_wait3A_81 : memref<40x128xi32, #tpu.memory_space<hbm>>) dst(%arg7 : memref<40x128xi32, #tpu.memory_space<vmem>>)
      tpu.yield
    }) : () -> ()
    %dma_start3A_50 = arith.constant 0 : i32
    %dma_start3A_51 = arith.constant 0 : i32
    %dma_start3A_52 = tpu.memref_slice %arg6[%dma_start3A_50, %dma_start3A_51] : memref<40x128xi32, #tpu.memory_space<vmem>> -> memref<1x128xi32, #tpu.memory_space<vmem>>
    %dma_start3A_53 = tpu.memref_squeeze %dma_start3A_52 : memref<1x128xi32, #tpu.memory_space<vmem>> -> memref<128xi32, #tpu.memory_space<vmem>>
    %dma_start3A_54 = arith.constant 0 : i32
    %dma_start3A_55 = arith.constant 0 : i32
    %dma_start3A_56 = tpu.memref_slice %arg2[%dma_start3A_54, %dma_start3A_55] : memref<10240x128xf32, #tpu.memory_space<hbm>> -> memref<10240x128xf32, #tpu.memory_space<hbm>>
    tpu.enqueue_indirect_dma source(%dma_start3A_56 : memref<10240x128xf32, #tpu.memory_space<hbm>>) target(%arg8 : memref<128x128xf32, #tpu.memory_space<vmem>>) offsets(%dma_start3A_53 : memref<128xi32, #tpu.memory_space<vmem>>) semaphore(%arg11 : memref<!tpu.dma_semaphore, #tpu.memory_space<semaphore_mem>>)
    %scan3A_57 = arith.constant 0 : i32
    %scan3A_58 = arith.constant 20 : i32
    %scan3A_59 = arith.addi %scan3A_57, %scan3A_58 : i32
    %scan3A_60 = arith.constant 1 : i32
    scf.for %scan3A_74 = %scan3A_57 to %scan3A_59 step %scan3A_60  : i32 {
      %mul3A_75 = arith.constant 2 : i32
      %mul3A_76 = arith.muli %scan3A_74, %mul3A_75 : i32
      %add3A_77 = arith.constant 0 : i32
      %add3A_78 = arith.addi %add3A_77, %mul3A_76 : i32
      %gt3A = arith.constant 0 : i32
      %gt3A_79 = arith.cmpi sgt, %add3A_78, %gt3A : i32
      %convert_element_type3A = arith.extui %gt3A_79 : i1 to i32
      %cond3A = arith.constant 0 : i32
      %cond3A_80 = arith.cmpi ne, %convert_element_type3A, %cond3A : i32
      scf.if %cond3A_80 {
        %sub3A = arith.constant 1 : i32
        %sub3A_129 = arith.subi %add3A_78, %sub3A : i32
        %dma_wait3A_130 = arith.constant 0 : i32
        %dma_wait3A_131 = tpu.memref_slice %arg7[%sub3A_129, %dma_wait3A_130] : memref<40x128xi32, #tpu.memory_space<vmem>> -> memref<1x128xi32, #tpu.memory_space<vmem>>
        %dma_wait3A_132 = tpu.memref_squeeze %dma_wait3A_131 : memref<1x128xi32, #tpu.memory_space<vmem>> -> memref<128xi32, #tpu.memory_space<vmem>>
        %dma_wait3A_133 = arith.constant 0 : i32
        %dma_wait3A_134 = arith.constant 0 : i32
        %dma_wait3A_135 = tpu.memref_slice %arg10[%dma_wait3A_133, %dma_wait3A_134] : memref<10240x128xf32, #tpu.memory_space<vmem_shared>> -> memref<10240x128xf32, #tpu.memory_space<vmem_shared>>
        tpu.wait_indirect_dma semaphore(%arg14 : memref<!tpu.dma_semaphore, #tpu.memory_space<semaphore_mem>>) src(%arg9 : memref<128x128xf32, #tpu.memory_space<vmem>>) dst(%dma_wait3A_135 : memref<10240x128xf32, #tpu.memory_space<vmem_shared>>)
      } else {
      }
      %add3A_81 = arith.constant 1 : i32
      %add3A_82 = arith.addi %add3A_78, %add3A_81 : i32
      %dma_start3A_83 = arith.constant 0 : i32
      %dma_start3A_84 = tpu.memref_slice %arg6[%add3A_82, %dma_start3A_83] : memref<40x128xi32, #tpu.memory_space<vmem>> -> memref<1x128xi32, #tpu.memory_space<vmem>>
      %dma_start3A_85 = tpu.memref_squeeze %dma_start3A_84 : memref<1x128xi32, #tpu.memory_space<vmem>> -> memref<128xi32, #tpu.memory_space<vmem>>
      %dma_start3A_86 = arith.constant 0 : i32
      %dma_start3A_87 = arith.constant 0 : i32
      %dma_start3A_88 = tpu.memref_slice %arg2[%dma_start3A_86, %dma_start3A_87] : memref<10240x128xf32, #tpu.memory_space<hbm>> -> memref<10240x128xf32, #tpu.memory_space<hbm>>
      tpu.enqueue_indirect_dma source(%dma_start3A_88 : memref<10240x128xf32, #tpu.memory_space<hbm>>) target(%arg9 : memref<128x128xf32, #tpu.memory_space<vmem>>) offsets(%dma_start3A_85 : memref<128xi32, #tpu.memory_space<vmem>>) semaphore(%arg12 : memref<!tpu.dma_semaphore, #tpu.memory_space<semaphore_mem>>)
      %dma_wait3A_89 = arith.constant 0 : i32
      %dma_wait3A_90 = tpu.memref_slice %arg6[%add3A_78, %dma_wait3A_89] : memref<40x128xi32, #tpu.memory_space<vmem>> -> memref<1x128xi32, #tpu.memory_space<vmem>>
      %dma_wait3A_91 = tpu.memref_squeeze %dma_wait3A_90 : memref<1x128xi32, #tpu.memory_space<vmem>> -> memref<128xi32, #tpu.memory_space<vmem>>
      %dma_wait3A_92 = arith.constant 0 : i32
      %dma_wait3A_93 = arith.constant 0 : i32
      %dma_wait3A_94 = tpu.memref_slice %arg2[%dma_wait3A_92, %dma_wait3A_93] : memref<10240x128xf32, #tpu.memory_space<hbm>> -> memref<10240x128xf32, #tpu.memory_space<hbm>>
      tpu.wait_indirect_dma semaphore(%arg11 : memref<!tpu.dma_semaphore, #tpu.memory_space<semaphore_mem>>) src(%dma_wait3A_94 : memref<10240x128xf32, #tpu.memory_space<hbm>>) dst(%arg8 : memref<128x128xf32, #tpu.memory_space<vmem>>)
      %dma_start3A_95 = arith.constant 0 : i32
      %dma_start3A_96 = tpu.memref_slice %arg7[%add3A_78, %dma_start3A_95] : memref<40x128xi32, #tpu.memory_space<vmem>> -> memref<1x128xi32, #tpu.memory_space<vmem>>
      %dma_start3A_97 = tpu.memref_squeeze %dma_start3A_96 : memref<1x128xi32, #tpu.memory_space<vmem>> -> memref<128xi32, #tpu.memory_space<vmem>>
      %dma_start3A_98 = arith.constant 0 : i32
      %dma_start3A_99 = arith.constant 0 : i32
      %dma_start3A_100 = tpu.memref_slice %arg10[%dma_start3A_98, %dma_start3A_99] : memref<10240x128xf32, #tpu.memory_space<vmem_shared>> -> memref<10240x128xf32, #tpu.memory_space<vmem_shared>>
      tpu.enqueue_indirect_dma source(%arg8 : memref<128x128xf32, #tpu.memory_space<vmem>>) target(%dma_start3A_100 : memref<10240x128xf32, #tpu.memory_space<vmem_shared>>) offsets(%dma_start3A_97 : memref<128xi32, #tpu.memory_space<vmem>>) semaphore(%arg13 : memref<!tpu.dma_semaphore, #tpu.memory_space<semaphore_mem>>) {add = true}
      %add3A_101 = arith.constant 1 : i32
      %add3A_102 = arith.addi %add3A_78, %add3A_101 : i32
      %dma_wait3A_103 = arith.constant 0 : i32
      %dma_wait3A_104 = tpu.memref_slice %arg6[%add3A_102, %dma_wait3A_103] : memref<40x128xi32, #tpu.memory_space<vmem>> -> memref<1x128xi32, #tpu.memory_space<vmem>>
      %dma_wait3A_105 = tpu.memref_squeeze %dma_wait3A_104 : memref<1x128xi32, #tpu.memory_space<vmem>> -> memref<128xi32, #tpu.memory_space<vmem>>
      %dma_wait3A_106 = arith.constant 0 : i32
      %dma_wait3A_107 = arith.constant 0 : i32
      %dma_wait3A_108 = tpu.memref_slice %arg2[%dma_wait3A_106, %dma_wait3A_107] : memref<10240x128xf32, #tpu.memory_space<hbm>> -> memref<10240x128xf32, #tpu.memory_space<hbm>>
      tpu.wait_indirect_dma semaphore(%arg12 : memref<!tpu.dma_semaphore, #tpu.memory_space<semaphore_mem>>) src(%dma_wait3A_108 : memref<10240x128xf32, #tpu.memory_space<hbm>>) dst(%arg9 : memref<128x128xf32, #tpu.memory_space<vmem>>)
      %dma_wait3A_109 = arith.constant 0 : i32
      %dma_wait3A_110 = tpu.memref_slice %arg7[%add3A_78, %dma_wait3A_109] : memref<40x128xi32, #tpu.memory_space<vmem>> -> memref<1x128xi32, #tpu.memory_space<vmem>>
      %dma_wait3A_111 = tpu.memref_squeeze %dma_wait3A_110 : memref<1x128xi32, #tpu.memory_space<vmem>> -> memref<128xi32, #tpu.memory_space<vmem>>
      %dma_wait3A_112 = arith.constant 0 : i32
      %dma_wait3A_113 = arith.constant 0 : i32
      %dma_wait3A_114 = tpu.memref_slice %arg10[%dma_wait3A_112, %dma_wait3A_113] : memref<10240x128xf32, #tpu.memory_space<vmem_shared>> -> memref<10240x128xf32, #tpu.memory_space<vmem_shared>>
      tpu.wait_indirect_dma semaphore(%arg13 : memref<!tpu.dma_semaphore, #tpu.memory_space<semaphore_mem>>) src(%arg8 : memref<128x128xf32, #tpu.memory_space<vmem>>) dst(%dma_wait3A_114 : memref<10240x128xf32, #tpu.memory_space<vmem_shared>>)
      %add3A_115 = arith.constant 2 : i32
      %add3A_116 = arith.addi %add3A_78, %add3A_115 : i32
      %lt3A = arith.constant 40 : i32
      %lt3A_117 = arith.cmpi slt, %add3A_116, %lt3A : i32
      %convert_element_type3A_118 = arith.extui %lt3A_117 : i1 to i32
      %cond3A_119 = arith.constant 0 : i32
      %cond3A_120 = arith.cmpi ne, %convert_element_type3A_118, %cond3A_119 : i32
      scf.if %cond3A_120 {
        %add3A_129 = arith.constant 2 : i32
        %add3A_130 = arith.addi %add3A_78, %add3A_129 : i32
        %dma_start3A_131 = arith.constant 0 : i32
        %dma_start3A_132 = tpu.memref_slice %arg6[%add3A_130, %dma_start3A_131] : memref<40x128xi32, #tpu.memory_space<vmem>> -> memref<1x128xi32, #tpu.memory_space<vmem>>
        %dma_start3A_133 = tpu.memref_squeeze %dma_start3A_132 : memref<1x128xi32, #tpu.memory_space<vmem>> -> memref<128xi32, #tpu.memory_space<vmem>>
        %dma_start3A_134 = arith.constant 0 : i32
        %dma_start3A_135 = arith.constant 0 : i32
        %dma_start3A_136 = tpu.memref_slice %arg2[%dma_start3A_134, %dma_start3A_135] : memref<10240x128xf32, #tpu.memory_space<hbm>> -> memref<10240x128xf32, #tpu.memory_space<hbm>>
        tpu.enqueue_indirect_dma source(%dma_start3A_136 : memref<10240x128xf32, #tpu.memory_space<hbm>>) target(%arg8 : memref<128x128xf32, #tpu.memory_space<vmem>>) offsets(%dma_start3A_133 : memref<128xi32, #tpu.memory_space<vmem>>) semaphore(%arg11 : memref<!tpu.dma_semaphore, #tpu.memory_space<semaphore_mem>>)
      } else {
      }
      %add3A_121 = arith.constant 1 : i32
      %add3A_122 = arith.addi %add3A_78, %add3A_121 : i32
      %dma_start3A_123 = arith.constant 0 : i32
      %dma_start3A_124 = tpu.memref_slice %arg7[%add3A_122, %dma_start3A_123] : memref<40x128xi32, #tpu.memory_space<vmem>> -> memref<1x128xi32, #tpu.memory_space<vmem>>
      %dma_start3A_125 = tpu.memref_squeeze %dma_start3A_124 : memref<1x128xi32, #tpu.memory_space<vmem>> -> memref<128xi32, #tpu.memory_space<vmem>>
      %dma_start3A_126 = arith.constant 0 : i32
      %dma_start3A_127 = arith.constant 0 : i32
      %dma_start3A_128 = tpu.memref_slice %arg10[%dma_start3A_126, %dma_start3A_127] : memref<10240x128xf32, #tpu.memory_space<vmem_shared>> -> memref<10240x128xf32, #tpu.memory_space<vmem_shared>>
      tpu.enqueue_indirect_dma source(%arg9 : memref<128x128xf32, #tpu.memory_space<vmem>>) target(%dma_start3A_128 : memref<10240x128xf32, #tpu.memory_space<vmem_shared>>) offsets(%dma_start3A_125 : memref<128xi32, #tpu.memory_space<vmem>>) semaphore(%arg14 : memref<!tpu.dma_semaphore, #tpu.memory_space<semaphore_mem>>) {add = true}
    }
    %scan3A_61 = arith.constant 20 : i32
    %dma_wait3A_62 = arith.constant 39 : i32
    %dma_wait3A_63 = arith.constant 0 : i32
    %dma_wait3A_64 = tpu.memref_slice %arg7[%dma_wait3A_62, %dma_wait3A_63] : memref<40x128xi32, #tpu.memory_space<vmem>> -> memref<1x128xi32, #tpu.memory_space<vmem>>
    %dma_wait3A_65 = tpu.memref_squeeze %dma_wait3A_64 : memref<1x128xi32, #tpu.memory_space<vmem>> -> memref<128xi32, #tpu.memory_space<vmem>>
    %dma_wait3A_66 = arith.constant 0 : i32
    %dma_wait3A_67 = arith.constant 0 : i32
    %dma_wait3A_68 = tpu.memref_slice %arg10[%dma_wait3A_66, %dma_wait3A_67] : memref<10240x128xf32, #tpu.memory_space<vmem_shared>> -> memref<10240x128xf32, #tpu.memory_space<vmem_shared>>
    tpu.wait_indirect_dma semaphore(%arg14 : memref<!tpu.dma_semaphore, #tpu.memory_space<semaphore_mem>>) src(%arg9 : memref<128x128xf32, #tpu.memory_space<vmem>>) dst(%dma_wait3A_68 : memref<10240x128xf32, #tpu.memory_space<vmem_shared>>)
    %barrier3A_69 = arith.constant 0 : index
    tpu.barrier barrier_id(%barrier3A_69)
    %mul3A_70 = arith.constant 640 : i32
    %mul3A_71 = arith.muli %arg1, %mul3A_70 : i32
    %mul3A_72 = arith.constant 640 : i32
    %mul3A_73 = arith.muli %arg1, %mul3A_72 : i32
    "tpu.region"() ({
      %run_scoped3A = tpu.sem_alloc : memref<!tpu.dma_semaphore, #tpu.memory_space<semaphore_mem>>
      %dma_start3A_74 = arith.constant 0 : i32
      %dma_start3A_75 = tpu.memref_slice %arg5[%arg0, %mul3A_73, %dma_start3A_74] : memref<2x10240x128xf32, #tpu.memory_space<hbm>> -> memref<1x640x128xf32, #tpu.memory_space<hbm>>
      %dma_start3A_76 = tpu.memref_squeeze %dma_start3A_75 : memref<1x640x128xf32, #tpu.memory_space<hbm>> -> memref<640x128xf32, #tpu.memory_space<hbm>>
      %dma_start3A_77 = arith.constant 0 : i32
      %dma_start3A_78 = tpu.memref_slice %arg10[%mul3A_71, %dma_start3A_77] : memref<10240x128xf32, #tpu.memory_space<vmem_shared>> -> memref<640x128xf32, #tpu.memory_space<vmem_shared>>
      tpu.enqueue_dma source(%dma_start3A_78 : memref<640x128xf32, #tpu.memory_space<vmem_shared>>) target(%dma_start3A_76 : memref<640x128xf32, #tpu.memory_space<hbm>>) target_semaphore(%run_scoped3A : memref<!tpu.dma_semaphore, #tpu.memory_space<semaphore_mem>>)
      %dma_wait3A_79 = arith.constant 0 : i32
      %dma_wait3A_80 = tpu.memref_slice %arg5[%arg0, %mul3A_73, %dma_wait3A_79] : memref<2x10240x128xf32, #tpu.memory_space<hbm>> -> memref<1x640x128xf32, #tpu.memory_space<hbm>>
      %dma_wait3A_81 = tpu.memref_squeeze %dma_wait3A_80 : memref<1x640x128xf32, #tpu.memory_space<hbm>> -> memref<640x128xf32, #tpu.memory_space<hbm>>
      %dma_wait3A_82 = arith.constant 0 : i32
      %dma_wait3A_83 = tpu.memref_slice %arg10[%mul3A_71, %dma_wait3A_82] : memref<10240x128xf32, #tpu.memory_space<vmem_shared>> -> memref<640x128xf32, #tpu.memory_space<vmem_shared>>
      tpu.wait_dma2 semaphore(%run_scoped3A : memref<!tpu.dma_semaphore, #tpu.memory_space<semaphore_mem>>) src(%dma_wait3A_83 : memref<640x128xf32, #tpu.memory_space<vmem_shared>>) dst(%dma_wait3A_81 : memref<640x128xf32, #tpu.memory_space<hbm>>)
      tpu.yield
    }) : () -> ()
    return
  }
}

#map = affine_map<(d0, d1) -> (0, 0)>
#map1 = affine_map<(d0, d1) -> (0, 0, 0)>
module attributes {stable_mosaic.version = 14 : i64} {
  func.func @_deg_body(%arg0: i32, %arg1: i32, %arg2: memref<2560x128xi32, #tpu.memory_space<hbm>>, %arg3: memref<2x1x10240xf32, #tpu.memory_space<hbm>>, %arg4: memref<80x128xi32, #tpu.memory_space<vmem>>, %arg5: memref<128xf32, #tpu.memory_space<vmem>>, %arg6: memref<640xf32, #tpu.memory_space<vmem>>, %arg7: memref<10240xf32, #tpu.memory_space<vmem_shared>>) attributes {dimension_semantics = [#tpu.dimension_semantics<core_parallel>, #tpu.dimension_semantics<subcore_parallel>], iteration_bounds = array<i64: 2, 16>, scalar_prefetch = 0 : i64, scratch_operands = 4 : i64, tpu.core_type = #tpu.core_type<sc_vector_subcore>, window_params = [{transform_indices = #map}, {transform_indices = #map1}]} {
    %broadcast_in_dim3A = arith.constant 0.000000e+00 : f32
    %broadcast_in_dim3A_0 = vector.broadcast %broadcast_in_dim3A : f32 to vector<16xf32>
    %broadcast_in_dim3A_1 = arith.constant 1.000000e+00 : f32
    %broadcast_in_dim3A_2 = vector.broadcast %broadcast_in_dim3A_1 : f32 to vector<16xf32>
    %scan3A = arith.constant 0 : i32
    %scan3A_3 = arith.constant 0 : i32
    %scan3A_4 = arith.constant 40 : i32
    %scan3A_5 = arith.addi %scan3A_3, %scan3A_4 : i32
    %scan3A_6 = arith.constant 1 : i32
    scf.for %scan3A_55 = %scan3A_3 to %scan3A_5 step %scan3A_6  : i32 {
      %mul3A_56 = arith.constant 16 : i32
      %mul3A_57 = arith.muli %scan3A_55, %mul3A_56 : i32
      %swap3A_58 = arith.index_cast %mul3A_57 : i32 to index
      %swap3A_59 = tpu.vector_load %arg6[%swap3A_58] {strides = array<i32>} : memref<640xf32, #tpu.memory_space<vmem>>, vector<16xf32>,
      %swap3A_60 = vector.shape_cast %swap3A_59 : vector<16xf32> to vector<16xf32>
      %swap3A_61 = vector.shape_cast %broadcast_in_dim3A_0 : vector<16xf32> to vector<16xf32>
      tpu.vector_store %arg6[%swap3A_58], %swap3A_61 {strides = array<i32>} : memref<640xf32, #tpu.memory_space<vmem>>, vector<16xf32>,
    }
    %scan3A_7 = arith.constant 40 : i32
    %swap3A = arith.constant 0 : index
    %swap3A_8 = tpu.vector_load %arg5[%swap3A] {strides = array<i32>} : memref<128xf32, #tpu.memory_space<vmem>>, vector<16xf32>,
    %swap3A_9 = vector.shape_cast %swap3A_8 : vector<16xf32> to vector<16xf32>
    %swap3A_10 = vector.shape_cast %broadcast_in_dim3A_2 : vector<16xf32> to vector<16xf32>
    tpu.vector_store %arg5[%swap3A], %swap3A_10 {strides = array<i32>} : memref<128xf32, #tpu.memory_space<vmem>>, vector<16xf32>,
    %swap3A_11 = arith.constant 16 : index
    %swap3A_12 = tpu.vector_load %arg5[%swap3A_11] {strides = array<i32>} : memref<128xf32, #tpu.memory_space<vmem>>, vector<16xf32>,
    %swap3A_13 = vector.shape_cast %swap3A_12 : vector<16xf32> to vector<16xf32>
    %swap3A_14 = vector.shape_cast %broadcast_in_dim3A_2 : vector<16xf32> to vector<16xf32>
    tpu.vector_store %arg5[%swap3A_11], %swap3A_14 {strides = array<i32>} : memref<128xf32, #tpu.memory_space<vmem>>, vector<16xf32>,
    %swap3A_15 = arith.constant 32 : index
    %swap3A_16 = tpu.vector_load %arg5[%swap3A_15] {strides = array<i32>} : memref<128xf32, #tpu.memory_space<vmem>>, vector<16xf32>,
    %swap3A_17 = vector.shape_cast %swap3A_16 : vector<16xf32> to vector<16xf32>
    %swap3A_18 = vector.shape_cast %broadcast_in_dim3A_2 : vector<16xf32> to vector<16xf32>
    tpu.vector_store %arg5[%swap3A_15], %swap3A_18 {strides = array<i32>} : memref<128xf32, #tpu.memory_space<vmem>>, vector<16xf32>,
    %swap3A_19 = arith.constant 48 : index
    %swap3A_20 = tpu.vector_load %arg5[%swap3A_19] {strides = array<i32>} : memref<128xf32, #tpu.memory_space<vmem>>, vector<16xf32>,
    %swap3A_21 = vector.shape_cast %swap3A_20 : vector<16xf32> to vector<16xf32>
    %swap3A_22 = vector.shape_cast %broadcast_in_dim3A_2 : vector<16xf32> to vector<16xf32>
    tpu.vector_store %arg5[%swap3A_19], %swap3A_22 {strides = array<i32>} : memref<128xf32, #tpu.memory_space<vmem>>, vector<16xf32>,
    %swap3A_23 = arith.constant 64 : index
    %swap3A_24 = tpu.vector_load %arg5[%swap3A_23] {strides = array<i32>} : memref<128xf32, #tpu.memory_space<vmem>>, vector<16xf32>,
    %swap3A_25 = vector.shape_cast %swap3A_24 : vector<16xf32> to vector<16xf32>
    %swap3A_26 = vector.shape_cast %broadcast_in_dim3A_2 : vector<16xf32> to vector<16xf32>
    tpu.vector_store %arg5[%swap3A_23], %swap3A_26 {strides = array<i32>} : memref<128xf32, #tpu.memory_space<vmem>>, vector<16xf32>,
    %swap3A_27 = arith.constant 80 : index
    %swap3A_28 = tpu.vector_load %arg5[%swap3A_27] {strides = array<i32>} : memref<128xf32, #tpu.memory_space<vmem>>, vector<16xf32>,
    %swap3A_29 = vector.shape_cast %swap3A_28 : vector<16xf32> to vector<16xf32>
    %swap3A_30 = vector.shape_cast %broadcast_in_dim3A_2 : vector<16xf32> to vector<16xf32>
    tpu.vector_store %arg5[%swap3A_27], %swap3A_30 {strides = array<i32>} : memref<128xf32, #tpu.memory_space<vmem>>, vector<16xf32>,
    %swap3A_31 = arith.constant 96 : index
    %swap3A_32 = tpu.vector_load %arg5[%swap3A_31] {strides = array<i32>} : memref<128xf32, #tpu.memory_space<vmem>>, vector<16xf32>,
    %swap3A_33 = vector.shape_cast %swap3A_32 : vector<16xf32> to vector<16xf32>
    %swap3A_34 = vector.shape_cast %broadcast_in_dim3A_2 : vector<16xf32> to vector<16xf32>
    tpu.vector_store %arg5[%swap3A_31], %swap3A_34 {strides = array<i32>} : memref<128xf32, #tpu.memory_space<vmem>>, vector<16xf32>,
    %swap3A_35 = arith.constant 112 : index
    %swap3A_36 = tpu.vector_load %arg5[%swap3A_35] {strides = array<i32>} : memref<128xf32, #tpu.memory_space<vmem>>, vector<16xf32>,
    %swap3A_37 = vector.shape_cast %swap3A_36 : vector<16xf32> to vector<16xf32>
    %swap3A_38 = vector.shape_cast %broadcast_in_dim3A_2 : vector<16xf32> to vector<16xf32>
    tpu.vector_store %arg5[%swap3A_35], %swap3A_38 {strides = array<i32>} : memref<128xf32, #tpu.memory_space<vmem>>, vector<16xf32>,
    %mul3A = arith.constant 640 : i32
    %mul3A_39 = arith.muli %arg1, %mul3A : i32
    "tpu.region"() ({
      %run_scoped3A_55 = tpu.sem_alloc : memref<!tpu.dma_semaphore, #tpu.memory_space<semaphore_mem>>
      %dma_start3A = tpu.memref_slice %arg7[%mul3A_39] : memref<10240xf32, #tpu.memory_space<vmem_shared>> -> memref<640xf32, #tpu.memory_space<vmem_shared>>
      %dma_start3A_56 = tpu.memref_slice %arg7[%mul3A_39] : memref<10240xf32, #tpu.memory_space<vmem_shared>> -> memref<640xf32, #tpu.memory_space<vmem_shared>>
      tpu.enqueue_dma source(%arg6 : memref<640xf32, #tpu.memory_space<vmem>>) target(%dma_start3A_56 : memref<640xf32, #tpu.memory_space<vmem_shared>>) target_semaphore(%run_scoped3A_55 : memref<!tpu.dma_semaphore, #tpu.memory_space<semaphore_mem>>)
      %dma_wait3A = tpu.memref_slice %arg7[%mul3A_39] : memref<10240xf32, #tpu.memory_space<vmem_shared>> -> memref<640xf32, #tpu.memory_space<vmem_shared>>
      %dma_wait3A_57 = tpu.memref_slice %arg7[%mul3A_39] : memref<10240xf32, #tpu.memory_space<vmem_shared>> -> memref<640xf32, #tpu.memory_space<vmem_shared>>
      tpu.wait_dma2 semaphore(%run_scoped3A_55 : memref<!tpu.dma_semaphore, #tpu.memory_space<semaphore_mem>>) src(%arg6 : memref<640xf32, #tpu.memory_space<vmem>>) dst(%dma_wait3A_57 : memref<640xf32, #tpu.memory_space<vmem_shared>>)
      tpu.yield
    }) : () -> ()
    %barrier3A = arith.constant 0 : index
    tpu.barrier barrier_id(%barrier3A)
    %mul3A_40 = arith.constant 16 : i32
    %mul3A_41 = arith.muli %arg0, %mul3A_40 : i32
    %add3A = arith.addi %mul3A_41, %arg1 : i32
    %mul3A_42 = arith.constant 80 : i32
    %mul3A_43 = arith.muli %add3A, %mul3A_42 : i32
    "tpu.region"() ({
      %run_scoped3A_55 = tpu.sem_alloc : memref<!tpu.dma_semaphore, #tpu.memory_space<semaphore_mem>>
      %dma_start3A = arith.constant 0 : i32
      %dma_start3A_56 = tpu.memref_slice %arg2[%mul3A_43, %dma_start3A] : memref<2560x128xi32, #tpu.memory_space<hbm>> -> memref<80x128xi32, #tpu.memory_space<hbm>>
      %dma_start3A_57 = arith.constant 0 : i32
      %dma_start3A_58 = tpu.memref_slice %arg2[%mul3A_43, %dma_start3A_57] : memref<2560x128xi32, #tpu.memory_space<hbm>> -> memref<80x128xi32, #tpu.memory_space<hbm>>
      tpu.enqueue_dma source(%dma_start3A_58 : memref<80x128xi32, #tpu.memory_space<hbm>>) target(%arg4 : memref<80x128xi32, #tpu.memory_space<vmem>>) target_semaphore(%run_scoped3A_55 : memref<!tpu.dma_semaphore, #tpu.memory_space<semaphore_mem>>)
      %dma_wait3A = arith.constant 0 : i32
      %dma_wait3A_59 = tpu.memref_slice %arg2[%mul3A_43, %dma_wait3A] : memref<2560x128xi32, #tpu.memory_space<hbm>> -> memref<80x128xi32, #tpu.memory_space<hbm>>
      %dma_wait3A_60 = arith.constant 0 : i32
      %dma_wait3A_61 = tpu.memref_slice %arg2[%mul3A_43, %dma_wait3A_60] : memref<2560x128xi32, #tpu.memory_space<hbm>> -> memref<80x128xi32, #tpu.memory_space<hbm>>
      tpu.wait_dma2 semaphore(%run_scoped3A_55 : memref<!tpu.dma_semaphore, #tpu.memory_space<semaphore_mem>>) src(%dma_wait3A_61 : memref<80x128xi32, #tpu.memory_space<hbm>>) dst(%arg4 : memref<80x128xi32, #tpu.memory_space<vmem>>)
      tpu.yield
    }) : () -> ()
    %scan3A_44 = arith.constant 0 : i32
    %scan3A_45 = arith.constant 0 : i32
    %scan3A_46 = arith.constant 80 : i32
    %scan3A_47 = arith.addi %scan3A_45, %scan3A_46 : i32
    %scan3A_48 = arith.constant 1 : i32
    scf.for %scan3A_55 = %scan3A_45 to %scan3A_47 step %scan3A_48  : i32 {
      "tpu.region"() ({
        %run_scoped3A_56 = tpu.sem_alloc : memref<!tpu.dma_semaphore, #tpu.memory_space<semaphore_mem>>
        %dma_start3A = arith.constant 0 : i32
        %dma_start3A_57 = tpu.memref_slice %arg4[%scan3A_55, %dma_start3A] : memref<80x128xi32, #tpu.memory_space<vmem>> -> memref<1x128xi32, #tpu.memory_space<vmem>>
        %dma_start3A_58 = tpu.memref_squeeze %dma_start3A_57 : memref<1x128xi32, #tpu.memory_space<vmem>> -> memref<128xi32, #tpu.memory_space<vmem>>
        %dma_start3A_59 = arith.constant 0 : i32
        %dma_start3A_60 = tpu.memref_slice %arg7[%dma_start3A_59] : memref<10240xf32, #tpu.memory_space<vmem_shared>> -> memref<10240xf32, #tpu.memory_space<vmem_shared>>
        tpu.enqueue_indirect_dma source(%arg5 : memref<128xf32, #tpu.memory_space<vmem>>) target(%dma_start3A_60 : memref<10240xf32, #tpu.memory_space<vmem_shared>>) offsets(%dma_start3A_58 : memref<128xi32, #tpu.memory_space<vmem>>) semaphore(%run_scoped3A_56 : memref<!tpu.dma_semaphore, #tpu.memory_space<semaphore_mem>>) {add = true}
        %dma_wait3A = arith.constant 0 : i32
        %dma_wait3A_61 = tpu.memref_slice %arg4[%scan3A_55, %dma_wait3A] : memref<80x128xi32, #tpu.memory_space<vmem>> -> memref<1x128xi32, #tpu.memory_space<vmem>>
        %dma_wait3A_62 = tpu.memref_squeeze %dma_wait3A_61 : memref<1x128xi32, #tpu.memory_space<vmem>> -> memref<128xi32, #tpu.memory_space<vmem>>
        %dma_wait3A_63 = arith.constant 0 : i32
        %dma_wait3A_64 = tpu.memref_slice %arg7[%dma_wait3A_63] : memref<10240xf32, #tpu.memory_space<vmem_shared>> -> memref<10240xf32, #tpu.memory_space<vmem_shared>>
        tpu.wait_indirect_dma semaphore(%run_scoped3A_56 : memref<!tpu.dma_semaphore, #tpu.memory_space<semaphore_mem>>) src(%arg5 : memref<128xf32, #tpu.memory_space<vmem>>) dst(%dma_wait3A_64 : memref<10240xf32, #tpu.memory_space<vmem_shared>>)
        tpu.yield
      }) : () -> ()
    }
    %scan3A_49 = arith.constant 80 : i32
    %barrier3A_50 = arith.constant 0 : index
    tpu.barrier barrier_id(%barrier3A_50)
    %mul3A_51 = arith.constant 640 : i32
    %mul3A_52 = arith.muli %arg1, %mul3A_51 : i32
    %mul3A_53 = arith.constant 640 : i32
    %mul3A_54 = arith.muli %arg1, %mul3A_53 : i32
    %run_scoped3A = arith.constant 0 : i32
    "tpu.region"() ({
      %run_scoped3A_55 = tpu.sem_alloc : memref<!tpu.dma_semaphore, #tpu.memory_space<semaphore_mem>>
      %dma_start3A = tpu.memref_slice %arg3[%arg0, %run_scoped3A, %mul3A_54] : memref<2x1x10240xf32, #tpu.memory_space<hbm>> -> memref<1x1x640xf32, #tpu.memory_space<hbm>>
      %dma_start3A_56 = tpu.memref_squeeze %dma_start3A : memref<1x1x640xf32, #tpu.memory_space<hbm>> -> memref<640xf32, #tpu.memory_space<hbm>>
      %dma_start3A_57 = tpu.memref_slice %arg7[%mul3A_52] : memref<10240xf32, #tpu.memory_space<vmem_shared>> -> memref<640xf32, #tpu.memory_space<vmem_shared>>
      tpu.enqueue_dma source(%dma_start3A_57 : memref<640xf32, #tpu.memory_space<vmem_shared>>) target(%dma_start3A_56 : memref<640xf32, #tpu.memory_space<hbm>>) target_semaphore(%run_scoped3A_55 : memref<!tpu.dma_semaphore, #tpu.memory_space<semaphore_mem>>)
      %dma_wait3A = tpu.memref_slice %arg3[%arg0, %run_scoped3A, %mul3A_54] : memref<2x1x10240xf32, #tpu.memory_space<hbm>> -> memref<1x1x640xf32, #tpu.memory_space<hbm>>
      %dma_wait3A_58 = tpu.memref_squeeze %dma_wait3A : memref<1x1x640xf32, #tpu.memory_space<hbm>> -> memref<640xf32, #tpu.memory_space<hbm>>
      %dma_wait3A_59 = tpu.memref_slice %arg7[%mul3A_52] : memref<10240xf32, #tpu.memory_space<vmem_shared>> -> memref<640xf32, #tpu.memory_space<vmem_shared>>
      tpu.wait_dma2 semaphore(%run_scoped3A_55 : memref<!tpu.dma_semaphore, #tpu.memory_space<semaphore_mem>>) src(%dma_wait3A_59 : memref<640xf32, #tpu.memory_space<vmem_shared>>) dst(%dma_wait3A_58 : memref<640xf32, #tpu.memory_space<hbm>>)
      tpu.yield
    }) : () -> ()
    return
  }
}

#map = affine_map<(d0, d1) -> (0)>
#map1 = affine_map<(d0, d1) -> (0, 0, 0)>
module attributes {stable_mosaic.version = 14 : i64} {
  func.func @_hist_body(%arg0: i32, %arg1: i32, %arg2: memref<10240xi32, #tpu.memory_space<hbm>>, %arg3: memref<10240xf32, #tpu.memory_space<hbm>>, %arg4: memref<327680xi32, #tpu.memory_space<hbm>>, %arg5: memref<327680xi32, #tpu.memory_space<hbm>>, %arg6: memref<2x1x1310720xf32, #tpu.memory_space<hbm>>, %arg7: memref<10240xi32, #tpu.memory_space<vmem_shared>>, %arg8: memref<10240xf32, #tpu.memory_space<vmem_shared>>, %arg9: memref<5120xi32, #tpu.memory_space<vmem>>, %arg10: memref<5120xi32, #tpu.memory_space<vmem>>, %arg11: memref<128xi32, #tpu.memory_space<vmem>>, %arg12: memref<128xi32, #tpu.memory_space<vmem>>, %arg13: memref<128xf32, #tpu.memory_space<vmem>>, %arg14: memref<128xf32, #tpu.memory_space<vmem>>, %arg15: memref<128xi32, #tpu.memory_space<vmem>>, %arg16: memref<4096xf32, #tpu.memory_space<vmem>>, %arg17: memref<1310720xf32, #tpu.memory_space<vmem_shared>>, %arg18: memref<!tpu.dma_semaphore, #tpu.memory_space<semaphore_mem>>, %arg19: memref<!tpu.dma_semaphore, #tpu.memory_space<semaphore_mem>>) attributes {dimension_semantics = [#tpu.dimension_semantics<core_parallel>, #tpu.dimension_semantics<subcore_parallel>], iteration_bounds = array<i64: 2, 16>, scalar_prefetch = 0 : i64, scratch_operands = 13 : i64, tpu.core_type = #tpu.core_type<sc_vector_subcore>, window_params = [{transform_indices = #map}, {transform_indices = #map}, {transform_indices = #map}, {transform_indices = #map}, {transform_indices = #map1}]} {
    %broadcast_in_dim3A = arith.constant 0.000000e+00 : f32
    %broadcast_in_dim3A_0 = vector.broadcast %broadcast_in_dim3A : f32 to vector<16xf32>
    %scan3A = arith.constant 0 : i32
    %scan3A_1 = arith.constant 0 : i32
    %scan3A_2 = arith.constant 256 : i32
    %scan3A_3 = arith.addi %scan3A_1, %scan3A_2 : i32
    %scan3A_4 = arith.constant 1 : i32
    scf.for %scan3A_127 = %scan3A_1 to %scan3A_3 step %scan3A_4  : i32 {
      %mul3A_128 = arith.constant 16 : i32
      %mul3A_129 = arith.muli %scan3A_127, %mul3A_128 : i32
      %swap3A = arith.index_cast %mul3A_129 : i32 to index
      %swap3A_130 = tpu.vector_load %arg16[%swap3A] {strides = array<i32>} : memref<4096xf32, #tpu.memory_space<vmem>>, vector<16xf32>,
      %swap3A_131 = vector.shape_cast %swap3A_130 : vector<16xf32> to vector<16xf32>
      %swap3A_132 = vector.shape_cast %broadcast_in_dim3A_0 : vector<16xf32> to vector<16xf32>
      tpu.vector_store %arg16[%swap3A], %swap3A_132 {strides = array<i32>} : memref<4096xf32, #tpu.memory_space<vmem>>, vector<16xf32>,
    }
    %scan3A_5 = arith.constant 256 : i32
    %mul3A = arith.constant 81920 : i32
    %mul3A_6 = arith.muli %arg1, %mul3A : i32
    %add3A = arith.constant 0 : i32
    %add3A_7 = arith.addi %mul3A_6, %add3A : i32
    "tpu.region"() ({
      %run_scoped3A_127 = tpu.sem_alloc : memref<!tpu.dma_semaphore, #tpu.memory_space<semaphore_mem>>
      %dma_start3A_128 = tpu.memref_slice %arg17[%add3A_7] : memref<1310720xf32, #tpu.memory_space<vmem_shared>> -> memref<4096xf32, #tpu.memory_space<vmem_shared>>
      %dma_start3A_129 = tpu.memref_slice %arg17[%add3A_7] : memref<1310720xf32, #tpu.memory_space<vmem_shared>> -> memref<4096xf32, #tpu.memory_space<vmem_shared>>
      tpu.enqueue_dma source(%arg16 : memref<4096xf32, #tpu.memory_space<vmem>>) target(%dma_start3A_129 : memref<4096xf32, #tpu.memory_space<vmem_shared>>) target_semaphore(%run_scoped3A_127 : memref<!tpu.dma_semaphore, #tpu.memory_space<semaphore_mem>>)
      %dma_wait3A = tpu.memref_slice %arg17[%add3A_7] : memref<1310720xf32, #tpu.memory_space<vmem_shared>> -> memref<4096xf32, #tpu.memory_space<vmem_shared>>
      %dma_wait3A_130 = tpu.memref_slice %arg17[%add3A_7] : memref<1310720xf32, #tpu.memory_space<vmem_shared>> -> memref<4096xf32, #tpu.memory_space<vmem_shared>>
      tpu.wait_dma2 semaphore(%run_scoped3A_127 : memref<!tpu.dma_semaphore, #tpu.memory_space<semaphore_mem>>) src(%arg16 : memref<4096xf32, #tpu.memory_space<vmem>>) dst(%dma_wait3A_130 : memref<4096xf32, #tpu.memory_space<vmem_shared>>)
      tpu.yield
    }) : () -> ()
    %mul3A_8 = arith.constant 81920 : i32
    %mul3A_9 = arith.muli %arg1, %mul3A_8 : i32
    %add3A_10 = arith.constant 4096 : i32
    %add3A_11 = arith.addi %mul3A_9, %add3A_10 : i32
    "tpu.region"() ({
      %run_scoped3A_127 = tpu.sem_alloc : memref<!tpu.dma_semaphore, #tpu.memory_space<semaphore_mem>>
      %dma_start3A_128 = tpu.memref_slice %arg17[%add3A_11] : memref<1310720xf32, #tpu.memory_space<vmem_shared>> -> memref<4096xf32, #tpu.memory_space<vmem_shared>>
      %dma_start3A_129 = tpu.memref_slice %arg17[%add3A_11] : memref<1310720xf32, #tpu.memory_space<vmem_shared>> -> memref<4096xf32, #tpu.memory_space<vmem_shared>>
      tpu.enqueue_dma source(%arg16 : memref<4096xf32, #tpu.memory_space<vmem>>) target(%dma_start3A_129 : memref<4096xf32, #tpu.memory_space<vmem_shared>>) target_semaphore(%run_scoped3A_127 : memref<!tpu.dma_semaphore, #tpu.memory_space<semaphore_mem>>)
      %dma_wait3A = tpu.memref_slice %arg17[%add3A_11] : memref<1310720xf32, #tpu.memory_space<vmem_shared>> -> memref<4096xf32, #tpu.memory_space<vmem_shared>>
      %dma_wait3A_130 = tpu.memref_slice %arg17[%add3A_11] : memref<1310720xf32, #tpu.memory_space<vmem_shared>> -> memref<4096xf32, #tpu.memory_space<vmem_shared>>
      tpu.wait_dma2 semaphore(%run_scoped3A_127 : memref<!tpu.dma_semaphore, #tpu.memory_space<semaphore_mem>>) src(%arg16 : memref<4096xf32, #tpu.memory_space<vmem>>) dst(%dma_wait3A_130 : memref<4096xf32, #tpu.memory_space<vmem_shared>>)
      tpu.yield
    }) : () -> ()
    %mul3A_12 = arith.constant 81920 : i32
    %mul3A_13 = arith.muli %arg1, %mul3A_12 : i32
    %add3A_14 = arith.constant 8192 : i32
    %add3A_15 = arith.addi %mul3A_13, %add3A_14 : i32
    "tpu.region"() ({
      %run_scoped3A_127 = tpu.sem_alloc : memref<!tpu.dma_semaphore, #tpu.memory_space<semaphore_mem>>
      %dma_start3A_128 = tpu.memref_slice %arg17[%add3A_15] : memref<1310720xf32, #tpu.memory_space<vmem_shared>> -> memref<4096xf32, #tpu.memory_space<vmem_shared>>
      %dma_start3A_129 = tpu.memref_slice %arg17[%add3A_15] : memref<1310720xf32, #tpu.memory_space<vmem_shared>> -> memref<4096xf32, #tpu.memory_space<vmem_shared>>
      tpu.enqueue_dma source(%arg16 : memref<4096xf32, #tpu.memory_space<vmem>>) target(%dma_start3A_129 : memref<4096xf32, #tpu.memory_space<vmem_shared>>) target_semaphore(%run_scoped3A_127 : memref<!tpu.dma_semaphore, #tpu.memory_space<semaphore_mem>>)
      %dma_wait3A = tpu.memref_slice %arg17[%add3A_15] : memref<1310720xf32, #tpu.memory_space<vmem_shared>> -> memref<4096xf32, #tpu.memory_space<vmem_shared>>
      %dma_wait3A_130 = tpu.memref_slice %arg17[%add3A_15] : memref<1310720xf32, #tpu.memory_space<vmem_shared>> -> memref<4096xf32, #tpu.memory_space<vmem_shared>>
      tpu.wait_dma2 semaphore(%run_scoped3A_127 : memref<!tpu.dma_semaphore, #tpu.memory_space<semaphore_mem>>) src(%arg16 : memref<4096xf32, #tpu.memory_space<vmem>>) dst(%dma_wait3A_130 : memref<4096xf32, #tpu.memory_space<vmem_shared>>)
      tpu.yield
    }) : () -> ()
    %mul3A_16 = arith.constant 81920 : i32
    %mul3A_17 = arith.muli %arg1, %mul3A_16 : i32
    %add3A_18 = arith.constant 12288 : i32
    %add3A_19 = arith.addi %mul3A_17, %add3A_18 : i32
    "tpu.region"() ({
      %run_scoped3A_127 = tpu.sem_alloc : memref<!tpu.dma_semaphore, #tpu.memory_space<semaphore_mem>>
      %dma_start3A_128 = tpu.memref_slice %arg17[%add3A_19] : memref<1310720xf32, #tpu.memory_space<vmem_shared>> -> memref<4096xf32, #tpu.memory_space<vmem_shared>>
      %dma_start3A_129 = tpu.memref_slice %arg17[%add3A_19] : memref<1310720xf32, #tpu.memory_space<vmem_shared>> -> memref<4096xf32, #tpu.memory_space<vmem_shared>>
      tpu.enqueue_dma source(%arg16 : memref<4096xf32, #tpu.memory_space<vmem>>) target(%dma_start3A_129 : memref<4096xf32, #tpu.memory_space<vmem_shared>>) target_semaphore(%run_scoped3A_127 : memref<!tpu.dma_semaphore, #tpu.memory_space<semaphore_mem>>)
      %dma_wait3A = tpu.memref_slice %arg17[%add3A_19] : memref<1310720xf32, #tpu.memory_space<vmem_shared>> -> memref<4096xf32, #tpu.memory_space<vmem_shared>>
      %dma_wait3A_130 = tpu.memref_slice %arg17[%add3A_19] : memref<1310720xf32, #tpu.memory_space<vmem_shared>> -> memref<4096xf32, #tpu.memory_space<vmem_shared>>
      tpu.wait_dma2 semaphore(%run_scoped3A_127 : memref<!tpu.dma_semaphore, #tpu.memory_space<semaphore_mem>>) src(%arg16 : memref<4096xf32, #tpu.memory_space<vmem>>) dst(%dma_wait3A_130 : memref<4096xf32, #tpu.memory_space<vmem_shared>>)
      tpu.yield
    }) : () -> ()
    %mul3A_20 = arith.constant 81920 : i32
    %mul3A_21 = arith.muli %arg1, %mul3A_20 : i32
    %add3A_22 = arith.constant 16384 : i32
    %add3A_23 = arith.addi %mul3A_21, %add3A_22 : i32
    "tpu.region"() ({
      %run_scoped3A_127 = tpu.sem_alloc : memref<!tpu.dma_semaphore, #tpu.memory_space<semaphore_mem>>
      %dma_start3A_128 = tpu.memref_slice %arg17[%add3A_23] : memref<1310720xf32, #tpu.memory_space<vmem_shared>> -> memref<4096xf32, #tpu.memory_space<vmem_shared>>
      %dma_start3A_129 = tpu.memref_slice %arg17[%add3A_23] : memref<1310720xf32, #tpu.memory_space<vmem_shared>> -> memref<4096xf32, #tpu.memory_space<vmem_shared>>
      tpu.enqueue_dma source(%arg16 : memref<4096xf32, #tpu.memory_space<vmem>>) target(%dma_start3A_129 : memref<4096xf32, #tpu.memory_space<vmem_shared>>) target_semaphore(%run_scoped3A_127 : memref<!tpu.dma_semaphore, #tpu.memory_space<semaphore_mem>>)
      %dma_wait3A = tpu.memref_slice %arg17[%add3A_23] : memref<1310720xf32, #tpu.memory_space<vmem_shared>> -> memref<4096xf32, #tpu.memory_space<vmem_shared>>
      %dma_wait3A_130 = tpu.memref_slice %arg17[%add3A_23] : memref<1310720xf32, #tpu.memory_space<vmem_shared>> -> memref<4096xf32, #tpu.memory_space<vmem_shared>>
      tpu.wait_dma2 semaphore(%run_scoped3A_127 : memref<!tpu.dma_semaphore, #tpu.memory_space<semaphore_mem>>) src(%arg16 : memref<4096xf32, #tpu.memory_space<vmem>>) dst(%dma_wait3A_130 : memref<4096xf32, #tpu.memory_space<vmem_shared>>)
      tpu.yield
    }) : () -> ()
    %mul3A_24 = arith.constant 81920 : i32
    %mul3A_25 = arith.muli %arg1, %mul3A_24 : i32
    %add3A_26 = arith.constant 20480 : i32
    %add3A_27 = arith.addi %mul3A_25, %add3A_26 : i32
    "tpu.region"() ({
      %run_scoped3A_127 = tpu.sem_alloc : memref<!tpu.dma_semaphore, #tpu.memory_space<semaphore_mem>>
      %dma_start3A_128 = tpu.memref_slice %arg17[%add3A_27] : memref<1310720xf32, #tpu.memory_space<vmem_shared>> -> memref<4096xf32, #tpu.memory_space<vmem_shared>>
      %dma_start3A_129 = tpu.memref_slice %arg17[%add3A_27] : memref<1310720xf32, #tpu.memory_space<vmem_shared>> -> memref<4096xf32, #tpu.memory_space<vmem_shared>>
      tpu.enqueue_dma source(%arg16 : memref<4096xf32, #tpu.memory_space<vmem>>) target(%dma_start3A_129 : memref<4096xf32, #tpu.memory_space<vmem_shared>>) target_semaphore(%run_scoped3A_127 : memref<!tpu.dma_semaphore, #tpu.memory_space<semaphore_mem>>)
      %dma_wait3A = tpu.memref_slice %arg17[%add3A_27] : memref<1310720xf32, #tpu.memory_space<vmem_shared>> -> memref<4096xf32, #tpu.memory_space<vmem_shared>>
      %dma_wait3A_130 = tpu.memref_slice %arg17[%add3A_27] : memref<1310720xf32, #tpu.memory_space<vmem_shared>> -> memref<4096xf32, #tpu.memory_space<vmem_shared>>
      tpu.wait_dma2 semaphore(%run_scoped3A_127 : memref<!tpu.dma_semaphore, #tpu.memory_space<semaphore_mem>>) src(%arg16 : memref<4096xf32, #tpu.memory_space<vmem>>) dst(%dma_wait3A_130 : memref<4096xf32, #tpu.memory_space<vmem_shared>>)
      tpu.yield
    }) : () -> ()
    %mul3A_28 = arith.constant 81920 : i32
    %mul3A_29 = arith.muli %arg1, %mul3A_28 : i32
    %add3A_30 = arith.constant 24576 : i32
    %add3A_31 = arith.addi %mul3A_29, %add3A_30 : i32
    "tpu.region"() ({
      %run_scoped3A_127 = tpu.sem_alloc : memref<!tpu.dma_semaphore, #tpu.memory_space<semaphore_mem>>
      %dma_start3A_128 = tpu.memref_slice %arg17[%add3A_31] : memref<1310720xf32, #tpu.memory_space<vmem_shared>> -> memref<4096xf32, #tpu.memory_space<vmem_shared>>
      %dma_start3A_129 = tpu.memref_slice %arg17[%add3A_31] : memref<1310720xf32, #tpu.memory_space<vmem_shared>> -> memref<4096xf32, #tpu.memory_space<vmem_shared>>
      tpu.enqueue_dma source(%arg16 : memref<4096xf32, #tpu.memory_space<vmem>>) target(%dma_start3A_129 : memref<4096xf32, #tpu.memory_space<vmem_shared>>) target_semaphore(%run_scoped3A_127 : memref<!tpu.dma_semaphore, #tpu.memory_space<semaphore_mem>>)
      %dma_wait3A = tpu.memref_slice %arg17[%add3A_31] : memref<1310720xf32, #tpu.memory_space<vmem_shared>> -> memref<4096xf32, #tpu.memory_space<vmem_shared>>
      %dma_wait3A_130 = tpu.memref_slice %arg17[%add3A_31] : memref<1310720xf32, #tpu.memory_space<vmem_shared>> -> memref<4096xf32, #tpu.memory_space<vmem_shared>>
      tpu.wait_dma2 semaphore(%run_scoped3A_127 : memref<!tpu.dma_semaphore, #tpu.memory_space<semaphore_mem>>) src(%arg16 : memref<4096xf32, #tpu.memory_space<vmem>>) dst(%dma_wait3A_130 : memref<4096xf32, #tpu.memory_space<vmem_shared>>)
      tpu.yield
    }) : () -> ()
    %mul3A_32 = arith.constant 81920 : i32
    %mul3A_33 = arith.muli %arg1, %mul3A_32 : i32
    %add3A_34 = arith.constant 28672 : i32
    %add3A_35 = arith.addi %mul3A_33, %add3A_34 : i32
    "tpu.region"() ({
      %run_scoped3A_127 = tpu.sem_alloc : memref<!tpu.dma_semaphore, #tpu.memory_space<semaphore_mem>>
      %dma_start3A_128 = tpu.memref_slice %arg17[%add3A_35] : memref<1310720xf32, #tpu.memory_space<vmem_shared>> -> memref<4096xf32, #tpu.memory_space<vmem_shared>>
      %dma_start3A_129 = tpu.memref_slice %arg17[%add3A_35] : memref<1310720xf32, #tpu.memory_space<vmem_shared>> -> memref<4096xf32, #tpu.memory_space<vmem_shared>>
      tpu.enqueue_dma source(%arg16 : memref<4096xf32, #tpu.memory_space<vmem>>) target(%dma_start3A_129 : memref<4096xf32, #tpu.memory_space<vmem_shared>>) target_semaphore(%run_scoped3A_127 : memref<!tpu.dma_semaphore, #tpu.memory_space<semaphore_mem>>)
      %dma_wait3A = tpu.memref_slice %arg17[%add3A_35] : memref<1310720xf32, #tpu.memory_space<vmem_shared>> -> memref<4096xf32, #tpu.memory_space<vmem_shared>>
      %dma_wait3A_130 = tpu.memref_slice %arg17[%add3A_35] : memref<1310720xf32, #tpu.memory_space<vmem_shared>> -> memref<4096xf32, #tpu.memory_space<vmem_shared>>
      tpu.wait_dma2 semaphore(%run_scoped3A_127 : memref<!tpu.dma_semaphore, #tpu.memory_space<semaphore_mem>>) src(%arg16 : memref<4096xf32, #tpu.memory_space<vmem>>) dst(%dma_wait3A_130 : memref<4096xf32, #tpu.memory_space<vmem_shared>>)
      tpu.yield
    }) : () -> ()
    %mul3A_36 = arith.constant 81920 : i32
    %mul3A_37 = arith.muli %arg1, %mul3A_36 : i32
    %add3A_38 = arith.constant 32768 : i32
    %add3A_39 = arith.addi %mul3A_37, %add3A_38 : i32
    "tpu.region"() ({
      %run_scoped3A_127 = tpu.sem_alloc : memref<!tpu.dma_semaphore, #tpu.memory_space<semaphore_mem>>
      %dma_start3A_128 = tpu.memref_slice %arg17[%add3A_39] : memref<1310720xf32, #tpu.memory_space<vmem_shared>> -> memref<4096xf32, #tpu.memory_space<vmem_shared>>
      %dma_start3A_129 = tpu.memref_slice %arg17[%add3A_39] : memref<1310720xf32, #tpu.memory_space<vmem_shared>> -> memref<4096xf32, #tpu.memory_space<vmem_shared>>
      tpu.enqueue_dma source(%arg16 : memref<4096xf32, #tpu.memory_space<vmem>>) target(%dma_start3A_129 : memref<4096xf32, #tpu.memory_space<vmem_shared>>) target_semaphore(%run_scoped3A_127 : memref<!tpu.dma_semaphore, #tpu.memory_space<semaphore_mem>>)
      %dma_wait3A = tpu.memref_slice %arg17[%add3A_39] : memref<1310720xf32, #tpu.memory_space<vmem_shared>> -> memref<4096xf32, #tpu.memory_space<vmem_shared>>
      %dma_wait3A_130 = tpu.memref_slice %arg17[%add3A_39] : memref<1310720xf32, #tpu.memory_space<vmem_shared>> -> memref<4096xf32, #tpu.memory_space<vmem_shared>>
      tpu.wait_dma2 semaphore(%run_scoped3A_127 : memref<!tpu.dma_semaphore, #tpu.memory_space<semaphore_mem>>) src(%arg16 : memref<4096xf32, #tpu.memory_space<vmem>>) dst(%dma_wait3A_130 : memref<4096xf32, #tpu.memory_space<vmem_shared>>)
      tpu.yield
    }) : () -> ()
    %mul3A_40 = arith.constant 81920 : i32
    %mul3A_41 = arith.muli %arg1, %mul3A_40 : i32
    %add3A_42 = arith.constant 36864 : i32
    %add3A_43 = arith.addi %mul3A_41, %add3A_42 : i32
    "tpu.region"() ({
      %run_scoped3A_127 = tpu.sem_alloc : memref<!tpu.dma_semaphore, #tpu.memory_space<semaphore_mem>>
      %dma_start3A_128 = tpu.memref_slice %arg17[%add3A_43] : memref<1310720xf32, #tpu.memory_space<vmem_shared>> -> memref<4096xf32, #tpu.memory_space<vmem_shared>>
      %dma_start3A_129 = tpu.memref_slice %arg17[%add3A_43] : memref<1310720xf32, #tpu.memory_space<vmem_shared>> -> memref<4096xf32, #tpu.memory_space<vmem_shared>>
      tpu.enqueue_dma source(%arg16 : memref<4096xf32, #tpu.memory_space<vmem>>) target(%dma_start3A_129 : memref<4096xf32, #tpu.memory_space<vmem_shared>>) target_semaphore(%run_scoped3A_127 : memref<!tpu.dma_semaphore, #tpu.memory_space<semaphore_mem>>)
      %dma_wait3A = tpu.memref_slice %arg17[%add3A_43] : memref<1310720xf32, #tpu.memory_space<vmem_shared>> -> memref<4096xf32, #tpu.memory_space<vmem_shared>>
      %dma_wait3A_130 = tpu.memref_slice %arg17[%add3A_43] : memref<1310720xf32, #tpu.memory_space<vmem_shared>> -> memref<4096xf32, #tpu.memory_space<vmem_shared>>
      tpu.wait_dma2 semaphore(%run_scoped3A_127 : memref<!tpu.dma_semaphore, #tpu.memory_space<semaphore_mem>>) src(%arg16 : memref<4096xf32, #tpu.memory_space<vmem>>) dst(%dma_wait3A_130 : memref<4096xf32, #tpu.memory_space<vmem_shared>>)
      tpu.yield
    }) : () -> ()
    %mul3A_44 = arith.constant 81920 : i32
    %mul3A_45 = arith.muli %arg1, %mul3A_44 : i32
    %add3A_46 = arith.constant 40960 : i32
    %add3A_47 = arith.addi %mul3A_45, %add3A_46 : i32
    "tpu.region"() ({
      %run_scoped3A_127 = tpu.sem_alloc : memref<!tpu.dma_semaphore, #tpu.memory_space<semaphore_mem>>
      %dma_start3A_128 = tpu.memref_slice %arg17[%add3A_47] : memref<1310720xf32, #tpu.memory_space<vmem_shared>> -> memref<4096xf32, #tpu.memory_space<vmem_shared>>
      %dma_start3A_129 = tpu.memref_slice %arg17[%add3A_47] : memref<1310720xf32, #tpu.memory_space<vmem_shared>> -> memref<4096xf32, #tpu.memory_space<vmem_shared>>
      tpu.enqueue_dma source(%arg16 : memref<4096xf32, #tpu.memory_space<vmem>>) target(%dma_start3A_129 : memref<4096xf32, #tpu.memory_space<vmem_shared>>) target_semaphore(%run_scoped3A_127 : memref<!tpu.dma_semaphore, #tpu.memory_space<semaphore_mem>>)
      %dma_wait3A = tpu.memref_slice %arg17[%add3A_47] : memref<1310720xf32, #tpu.memory_space<vmem_shared>> -> memref<4096xf32, #tpu.memory_space<vmem_shared>>
      %dma_wait3A_130 = tpu.memref_slice %arg17[%add3A_47] : memref<1310720xf32, #tpu.memory_space<vmem_shared>> -> memref<4096xf32, #tpu.memory_space<vmem_shared>>
      tpu.wait_dma2 semaphore(%run_scoped3A_127 : memref<!tpu.dma_semaphore, #tpu.memory_space<semaphore_mem>>) src(%arg16 : memref<4096xf32, #tpu.memory_space<vmem>>) dst(%dma_wait3A_130 : memref<4096xf32, #tpu.memory_space<vmem_shared>>)
      tpu.yield
    }) : () -> ()
    %mul3A_48 = arith.constant 81920 : i32
    %mul3A_49 = arith.muli %arg1, %mul3A_48 : i32
    %add3A_50 = arith.constant 45056 : i32
    %add3A_51 = arith.addi %mul3A_49, %add3A_50 : i32
    "tpu.region"() ({
      %run_scoped3A_127 = tpu.sem_alloc : memref<!tpu.dma_semaphore, #tpu.memory_space<semaphore_mem>>
      %dma_start3A_128 = tpu.memref_slice %arg17[%add3A_51] : memref<1310720xf32, #tpu.memory_space<vmem_shared>> -> memref<4096xf32, #tpu.memory_space<vmem_shared>>
      %dma_start3A_129 = tpu.memref_slice %arg17[%add3A_51] : memref<1310720xf32, #tpu.memory_space<vmem_shared>> -> memref<4096xf32, #tpu.memory_space<vmem_shared>>
      tpu.enqueue_dma source(%arg16 : memref<4096xf32, #tpu.memory_space<vmem>>) target(%dma_start3A_129 : memref<4096xf32, #tpu.memory_space<vmem_shared>>) target_semaphore(%run_scoped3A_127 : memref<!tpu.dma_semaphore, #tpu.memory_space<semaphore_mem>>)
      %dma_wait3A = tpu.memref_slice %arg17[%add3A_51] : memref<1310720xf32, #tpu.memory_space<vmem_shared>> -> memref<4096xf32, #tpu.memory_space<vmem_shared>>
      %dma_wait3A_130 = tpu.memref_slice %arg17[%add3A_51] : memref<1310720xf32, #tpu.memory_space<vmem_shared>> -> memref<4096xf32, #tpu.memory_space<vmem_shared>>
      tpu.wait_dma2 semaphore(%run_scoped3A_127 : memref<!tpu.dma_semaphore, #tpu.memory_space<semaphore_mem>>) src(%arg16 : memref<4096xf32, #tpu.memory_space<vmem>>) dst(%dma_wait3A_130 : memref<4096xf32, #tpu.memory_space<vmem_shared>>)
      tpu.yield
    }) : () -> ()
    %mul3A_52 = arith.constant 81920 : i32
    %mul3A_53 = arith.muli %arg1, %mul3A_52 : i32
    %add3A_54 = arith.constant 49152 : i32
    %add3A_55 = arith.addi %mul3A_53, %add3A_54 : i32
    "tpu.region"() ({
      %run_scoped3A_127 = tpu.sem_alloc : memref<!tpu.dma_semaphore, #tpu.memory_space<semaphore_mem>>
      %dma_start3A_128 = tpu.memref_slice %arg17[%add3A_55] : memref<1310720xf32, #tpu.memory_space<vmem_shared>> -> memref<4096xf32, #tpu.memory_space<vmem_shared>>
      %dma_start3A_129 = tpu.memref_slice %arg17[%add3A_55] : memref<1310720xf32, #tpu.memory_space<vmem_shared>> -> memref<4096xf32, #tpu.memory_space<vmem_shared>>
      tpu.enqueue_dma source(%arg16 : memref<4096xf32, #tpu.memory_space<vmem>>) target(%dma_start3A_129 : memref<4096xf32, #tpu.memory_space<vmem_shared>>) target_semaphore(%run_scoped3A_127 : memref<!tpu.dma_semaphore, #tpu.memory_space<semaphore_mem>>)
      %dma_wait3A = tpu.memref_slice %arg17[%add3A_55] : memref<1310720xf32, #tpu.memory_space<vmem_shared>> -> memref<4096xf32, #tpu.memory_space<vmem_shared>>
      %dma_wait3A_130 = tpu.memref_slice %arg17[%add3A_55] : memref<1310720xf32, #tpu.memory_space<vmem_shared>> -> memref<4096xf32, #tpu.memory_space<vmem_shared>>
      tpu.wait_dma2 semaphore(%run_scoped3A_127 : memref<!tpu.dma_semaphore, #tpu.memory_space<semaphore_mem>>) src(%arg16 : memref<4096xf32, #tpu.memory_space<vmem>>) dst(%dma_wait3A_130 : memref<4096xf32, #tpu.memory_space<vmem_shared>>)
      tpu.yield
    }) : () -> ()
    %mul3A_56 = arith.constant 81920 : i32
    %mul3A_57 = arith.muli %arg1, %mul3A_56 : i32
    %add3A_58 = arith.constant 53248 : i32
    %add3A_59 = arith.addi %mul3A_57, %add3A_58 : i32
    "tpu.region"() ({
      %run_scoped3A_127 = tpu.sem_alloc : memref<!tpu.dma_semaphore, #tpu.memory_space<semaphore_mem>>
      %dma_start3A_128 = tpu.memref_slice %arg17[%add3A_59] : memref<1310720xf32, #tpu.memory_space<vmem_shared>> -> memref<4096xf32, #tpu.memory_space<vmem_shared>>
      %dma_start3A_129 = tpu.memref_slice %arg17[%add3A_59] : memref<1310720xf32, #tpu.memory_space<vmem_shared>> -> memref<4096xf32, #tpu.memory_space<vmem_shared>>
      tpu.enqueue_dma source(%arg16 : memref<4096xf32, #tpu.memory_space<vmem>>) target(%dma_start3A_129 : memref<4096xf32, #tpu.memory_space<vmem_shared>>) target_semaphore(%run_scoped3A_127 : memref<!tpu.dma_semaphore, #tpu.memory_space<semaphore_mem>>)
      %dma_wait3A = tpu.memref_slice %arg17[%add3A_59] : memref<1310720xf32, #tpu.memory_space<vmem_shared>> -> memref<4096xf32, #tpu.memory_space<vmem_shared>>
      %dma_wait3A_130 = tpu.memref_slice %arg17[%add3A_59] : memref<1310720xf32, #tpu.memory_space<vmem_shared>> -> memref<4096xf32, #tpu.memory_space<vmem_shared>>
      tpu.wait_dma2 semaphore(%run_scoped3A_127 : memref<!tpu.dma_semaphore, #tpu.memory_space<semaphore_mem>>) src(%arg16 : memref<4096xf32, #tpu.memory_space<vmem>>) dst(%dma_wait3A_130 : memref<4096xf32, #tpu.memory_space<vmem_shared>>)
      tpu.yield
    }) : () -> ()
    %mul3A_60 = arith.constant 81920 : i32
    %mul3A_61 = arith.muli %arg1, %mul3A_60 : i32
    %add3A_62 = arith.constant 57344 : i32
    %add3A_63 = arith.addi %mul3A_61, %add3A_62 : i32
    "tpu.region"() ({
      %run_scoped3A_127 = tpu.sem_alloc : memref<!tpu.dma_semaphore, #tpu.memory_space<semaphore_mem>>
      %dma_start3A_128 = tpu.memref_slice %arg17[%add3A_63] : memref<1310720xf32, #tpu.memory_space<vmem_shared>> -> memref<4096xf32, #tpu.memory_space<vmem_shared>>
      %dma_start3A_129 = tpu.memref_slice %arg17[%add3A_63] : memref<1310720xf32, #tpu.memory_space<vmem_shared>> -> memref<4096xf32, #tpu.memory_space<vmem_shared>>
      tpu.enqueue_dma source(%arg16 : memref<4096xf32, #tpu.memory_space<vmem>>) target(%dma_start3A_129 : memref<4096xf32, #tpu.memory_space<vmem_shared>>) target_semaphore(%run_scoped3A_127 : memref<!tpu.dma_semaphore, #tpu.memory_space<semaphore_mem>>)
      %dma_wait3A = tpu.memref_slice %arg17[%add3A_63] : memref<1310720xf32, #tpu.memory_space<vmem_shared>> -> memref<4096xf32, #tpu.memory_space<vmem_shared>>
      %dma_wait3A_130 = tpu.memref_slice %arg17[%add3A_63] : memref<1310720xf32, #tpu.memory_space<vmem_shared>> -> memref<4096xf32, #tpu.memory_space<vmem_shared>>
      tpu.wait_dma2 semaphore(%run_scoped3A_127 : memref<!tpu.dma_semaphore, #tpu.memory_space<semaphore_mem>>) src(%arg16 : memref<4096xf32, #tpu.memory_space<vmem>>) dst(%dma_wait3A_130 : memref<4096xf32, #tpu.memory_space<vmem_shared>>)
      tpu.yield
    }) : () -> ()
    %mul3A_64 = arith.constant 81920 : i32
    %mul3A_65 = arith.muli %arg1, %mul3A_64 : i32
    %add3A_66 = arith.constant 61440 : i32
    %add3A_67 = arith.addi %mul3A_65, %add3A_66 : i32
    "tpu.region"() ({
      %run_scoped3A_127 = tpu.sem_alloc : memref<!tpu.dma_semaphore, #tpu.memory_space<semaphore_mem>>
      %dma_start3A_128 = tpu.memref_slice %arg17[%add3A_67] : memref<1310720xf32, #tpu.memory_space<vmem_shared>> -> memref<4096xf32, #tpu.memory_space<vmem_shared>>
      %dma_start3A_129 = tpu.memref_slice %arg17[%add3A_67] : memref<1310720xf32, #tpu.memory_space<vmem_shared>> -> memref<4096xf32, #tpu.memory_space<vmem_shared>>
      tpu.enqueue_dma source(%arg16 : memref<4096xf32, #tpu.memory_space<vmem>>) target(%dma_start3A_129 : memref<4096xf32, #tpu.memory_space<vmem_shared>>) target_semaphore(%run_scoped3A_127 : memref<!tpu.dma_semaphore, #tpu.memory_space<semaphore_mem>>)
      %dma_wait3A = tpu.memref_slice %arg17[%add3A_67] : memref<1310720xf32, #tpu.memory_space<vmem_shared>> -> memref<4096xf32, #tpu.memory_space<vmem_shared>>
      %dma_wait3A_130 = tpu.memref_slice %arg17[%add3A_67] : memref<1310720xf32, #tpu.memory_space<vmem_shared>> -> memref<4096xf32, #tpu.memory_space<vmem_shared>>
      tpu.wait_dma2 semaphore(%run_scoped3A_127 : memref<!tpu.dma_semaphore, #tpu.memory_space<semaphore_mem>>) src(%arg16 : memref<4096xf32, #tpu.memory_space<vmem>>) dst(%dma_wait3A_130 : memref<4096xf32, #tpu.memory_space<vmem_shared>>)
      tpu.yield
    }) : () -> ()
    %mul3A_68 = arith.constant 81920 : i32
    %mul3A_69 = arith.muli %arg1, %mul3A_68 : i32
    %add3A_70 = arith.constant 65536 : i32
    %add3A_71 = arith.addi %mul3A_69, %add3A_70 : i32
    "tpu.region"() ({
      %run_scoped3A_127 = tpu.sem_alloc : memref<!tpu.dma_semaphore, #tpu.memory_space<semaphore_mem>>
      %dma_start3A_128 = tpu.memref_slice %arg17[%add3A_71] : memref<1310720xf32, #tpu.memory_space<vmem_shared>> -> memref<4096xf32, #tpu.memory_space<vmem_shared>>
      %dma_start3A_129 = tpu.memref_slice %arg17[%add3A_71] : memref<1310720xf32, #tpu.memory_space<vmem_shared>> -> memref<4096xf32, #tpu.memory_space<vmem_shared>>
      tpu.enqueue_dma source(%arg16 : memref<4096xf32, #tpu.memory_space<vmem>>) target(%dma_start3A_129 : memref<4096xf32, #tpu.memory_space<vmem_shared>>) target_semaphore(%run_scoped3A_127 : memref<!tpu.dma_semaphore, #tpu.memory_space<semaphore_mem>>)
      %dma_wait3A = tpu.memref_slice %arg17[%add3A_71] : memref<1310720xf32, #tpu.memory_space<vmem_shared>> -> memref<4096xf32, #tpu.memory_space<vmem_shared>>
      %dma_wait3A_130 = tpu.memref_slice %arg17[%add3A_71] : memref<1310720xf32, #tpu.memory_space<vmem_shared>> -> memref<4096xf32, #tpu.memory_space<vmem_shared>>
      tpu.wait_dma2 semaphore(%run_scoped3A_127 : memref<!tpu.dma_semaphore, #tpu.memory_space<semaphore_mem>>) src(%arg16 : memref<4096xf32, #tpu.memory_space<vmem>>) dst(%dma_wait3A_130 : memref<4096xf32, #tpu.memory_space<vmem_shared>>)
      tpu.yield
    }) : () -> ()
    %mul3A_72 = arith.constant 81920 : i32
    %mul3A_73 = arith.muli %arg1, %mul3A_72 : i32
    %add3A_74 = arith.constant 69632 : i32
    %add3A_75 = arith.addi %mul3A_73, %add3A_74 : i32
    "tpu.region"() ({
      %run_scoped3A_127 = tpu.sem_alloc : memref<!tpu.dma_semaphore, #tpu.memory_space<semaphore_mem>>
      %dma_start3A_128 = tpu.memref_slice %arg17[%add3A_75] : memref<1310720xf32, #tpu.memory_space<vmem_shared>> -> memref<4096xf32, #tpu.memory_space<vmem_shared>>
      %dma_start3A_129 = tpu.memref_slice %arg17[%add3A_75] : memref<1310720xf32, #tpu.memory_space<vmem_shared>> -> memref<4096xf32, #tpu.memory_space<vmem_shared>>
      tpu.enqueue_dma source(%arg16 : memref<4096xf32, #tpu.memory_space<vmem>>) target(%dma_start3A_129 : memref<4096xf32, #tpu.memory_space<vmem_shared>>) target_semaphore(%run_scoped3A_127 : memref<!tpu.dma_semaphore, #tpu.memory_space<semaphore_mem>>)
      %dma_wait3A = tpu.memref_slice %arg17[%add3A_75] : memref<1310720xf32, #tpu.memory_space<vmem_shared>> -> memref<4096xf32, #tpu.memory_space<vmem_shared>>
      %dma_wait3A_130 = tpu.memref_slice %arg17[%add3A_75] : memref<1310720xf32, #tpu.memory_space<vmem_shared>> -> memref<4096xf32, #tpu.memory_space<vmem_shared>>
      tpu.wait_dma2 semaphore(%run_scoped3A_127 : memref<!tpu.dma_semaphore, #tpu.memory_space<semaphore_mem>>) src(%arg16 : memref<4096xf32, #tpu.memory_space<vmem>>) dst(%dma_wait3A_130 : memref<4096xf32, #tpu.memory_space<vmem_shared>>)
      tpu.yield
    }) : () -> ()
    %mul3A_76 = arith.constant 81920 : i32
    %mul3A_77 = arith.muli %arg1, %mul3A_76 : i32
    %add3A_78 = arith.constant 73728 : i32
    %add3A_79 = arith.addi %mul3A_77, %add3A_78 : i32
    "tpu.region"() ({
      %run_scoped3A_127 = tpu.sem_alloc : memref<!tpu.dma_semaphore, #tpu.memory_space<semaphore_mem>>
      %dma_start3A_128 = tpu.memref_slice %arg17[%add3A_79] : memref<1310720xf32, #tpu.memory_space<vmem_shared>> -> memref<4096xf32, #tpu.memory_space<vmem_shared>>
      %dma_start3A_129 = tpu.memref_slice %arg17[%add3A_79] : memref<1310720xf32, #tpu.memory_space<vmem_shared>> -> memref<4096xf32, #tpu.memory_space<vmem_shared>>
      tpu.enqueue_dma source(%arg16 : memref<4096xf32, #tpu.memory_space<vmem>>) target(%dma_start3A_129 : memref<4096xf32, #tpu.memory_space<vmem_shared>>) target_semaphore(%run_scoped3A_127 : memref<!tpu.dma_semaphore, #tpu.memory_space<semaphore_mem>>)
      %dma_wait3A = tpu.memref_slice %arg17[%add3A_79] : memref<1310720xf32, #tpu.memory_space<vmem_shared>> -> memref<4096xf32, #tpu.memory_space<vmem_shared>>
      %dma_wait3A_130 = tpu.memref_slice %arg17[%add3A_79] : memref<1310720xf32, #tpu.memory_space<vmem_shared>> -> memref<4096xf32, #tpu.memory_space<vmem_shared>>
      tpu.wait_dma2 semaphore(%run_scoped3A_127 : memref<!tpu.dma_semaphore, #tpu.memory_space<semaphore_mem>>) src(%arg16 : memref<4096xf32, #tpu.memory_space<vmem>>) dst(%dma_wait3A_130 : memref<4096xf32, #tpu.memory_space<vmem_shared>>)
      tpu.yield
    }) : () -> ()
    %mul3A_80 = arith.constant 81920 : i32
    %mul3A_81 = arith.muli %arg1, %mul3A_80 : i32
    %add3A_82 = arith.constant 77824 : i32
    %add3A_83 = arith.addi %mul3A_81, %add3A_82 : i32
    "tpu.region"() ({
      %run_scoped3A_127 = tpu.sem_alloc : memref<!tpu.dma_semaphore, #tpu.memory_space<semaphore_mem>>
      %dma_start3A_128 = tpu.memref_slice %arg17[%add3A_83] : memref<1310720xf32, #tpu.memory_space<vmem_shared>> -> memref<4096xf32, #tpu.memory_space<vmem_shared>>
      %dma_start3A_129 = tpu.memref_slice %arg17[%add3A_83] : memref<1310720xf32, #tpu.memory_space<vmem_shared>> -> memref<4096xf32, #tpu.memory_space<vmem_shared>>
      tpu.enqueue_dma source(%arg16 : memref<4096xf32, #tpu.memory_space<vmem>>) target(%dma_start3A_129 : memref<4096xf32, #tpu.memory_space<vmem_shared>>) target_semaphore(%run_scoped3A_127 : memref<!tpu.dma_semaphore, #tpu.memory_space<semaphore_mem>>)
      %dma_wait3A = tpu.memref_slice %arg17[%add3A_83] : memref<1310720xf32, #tpu.memory_space<vmem_shared>> -> memref<4096xf32, #tpu.memory_space<vmem_shared>>
      %dma_wait3A_130 = tpu.memref_slice %arg17[%add3A_83] : memref<1310720xf32, #tpu.memory_space<vmem_shared>> -> memref<4096xf32, #tpu.memory_space<vmem_shared>>
      tpu.wait_dma2 semaphore(%run_scoped3A_127 : memref<!tpu.dma_semaphore, #tpu.memory_space<semaphore_mem>>) src(%arg16 : memref<4096xf32, #tpu.memory_space<vmem>>) dst(%dma_wait3A_130 : memref<4096xf32, #tpu.memory_space<vmem_shared>>)
      tpu.yield
    }) : () -> ()
    %eq3A = arith.constant 0 : i32
    %eq3A_84 = arith.cmpi eq, %arg1, %eq3A : i32
    %convert_element_type3A = arith.extui %eq3A_84 : i1 to i32
    %cond3A = arith.constant 0 : i32
    %cond3A_85 = arith.cmpi ne, %convert_element_type3A, %cond3A : i32
    scf.if %cond3A_85 {
      "tpu.region"() ({
        %run_scoped3A_127 = tpu.sem_alloc : memref<!tpu.dma_semaphore, #tpu.memory_space<semaphore_mem>>
        tpu.enqueue_dma source(%arg2 : memref<10240xi32, #tpu.memory_space<hbm>>) target(%arg7 : memref<10240xi32, #tpu.memory_space<vmem_shared>>) target_semaphore(%run_scoped3A_127 : memref<!tpu.dma_semaphore, #tpu.memory_space<semaphore_mem>>)
        tpu.wait_dma2 semaphore(%run_scoped3A_127 : memref<!tpu.dma_semaphore, #tpu.memory_space<semaphore_mem>>) src(%arg2 : memref<10240xi32, #tpu.memory_space<hbm>>) dst(%arg7 : memref<10240xi32, #tpu.memory_space<vmem_shared>>)
        tpu.yield
      }) : () -> ()
      "tpu.region"() ({
        %run_scoped3A_127 = tpu.sem_alloc : memref<!tpu.dma_semaphore, #tpu.memory_space<semaphore_mem>>
        tpu.enqueue_dma source(%arg3 : memref<10240xf32, #tpu.memory_space<hbm>>) target(%arg8 : memref<10240xf32, #tpu.memory_space<vmem_shared>>) target_semaphore(%run_scoped3A_127 : memref<!tpu.dma_semaphore, #tpu.memory_space<semaphore_mem>>)
        tpu.wait_dma2 semaphore(%run_scoped3A_127 : memref<!tpu.dma_semaphore, #tpu.memory_space<semaphore_mem>>) src(%arg3 : memref<10240xf32, #tpu.memory_space<hbm>>) dst(%arg8 : memref<10240xf32, #tpu.memory_space<vmem_shared>>)
        tpu.yield
      }) : () -> ()
    } else {
    }
    %barrier3A = arith.constant 0 : index
    tpu.barrier barrier_id(%barrier3A)
    %mul3A_86 = arith.constant 16 : i32
    %mul3A_87 = arith.muli %arg0, %mul3A_86 : i32
    %add3A_88 = arith.addi %mul3A_87, %arg1 : i32
    %mul3A_89 = arith.constant 80 : i32
    %mul3A_90 = arith.muli %add3A_88, %mul3A_89 : i32
    %mul3A_91 = arith.constant 128 : i32
    %mul3A_92 = arith.muli %mul3A_90, %mul3A_91 : i32
    %add3A_93 = arith.constant 0 : i32
    %add3A_94 = arith.addi %mul3A_92, %add3A_93 : i32
    "tpu.region"() ({
      %run_scoped3A_127 = tpu.sem_alloc : memref<!tpu.dma_semaphore, #tpu.memory_space<semaphore_mem>>
      %dma_start3A_128 = tpu.memref_slice %arg4[%add3A_94] : memref<327680xi32, #tpu.memory_space<hbm>> -> memref<5120xi32, #tpu.memory_space<hbm>>
      %dma_start3A_129 = tpu.memref_slice %arg4[%add3A_94] : memref<327680xi32, #tpu.memory_space<hbm>> -> memref<5120xi32, #tpu.memory_space<hbm>>
      tpu.enqueue_dma source(%dma_start3A_129 : memref<5120xi32, #tpu.memory_space<hbm>>) target(%arg9 : memref<5120xi32, #tpu.memory_space<vmem>>) target_semaphore(%run_scoped3A_127 : memref<!tpu.dma_semaphore, #tpu.memory_space<semaphore_mem>>)
      %dma_wait3A = tpu.memref_slice %arg4[%add3A_94] : memref<327680xi32, #tpu.memory_space<hbm>> -> memref<5120xi32, #tpu.memory_space<hbm>>
      %dma_wait3A_130 = tpu.memref_slice %arg4[%add3A_94] : memref<327680xi32, #tpu.memory_space<hbm>> -> memref<5120xi32, #tpu.memory_space<hbm>>
      tpu.wait_dma2 semaphore(%run_scoped3A_127 : memref<!tpu.dma_semaphore, #tpu.memory_space<semaphore_mem>>) src(%dma_wait3A_130 : memref<5120xi32, #tpu.memory_space<hbm>>) dst(%arg9 : memref<5120xi32, #tpu.memory_space<vmem>>)
      tpu.yield
    }) : () -> ()
    "tpu.region"() ({
      %run_scoped3A_127 = tpu.sem_alloc : memref<!tpu.dma_semaphore, #tpu.memory_space<semaphore_mem>>
      %dma_start3A_128 = tpu.memref_slice %arg5[%add3A_94] : memref<327680xi32, #tpu.memory_space<hbm>> -> memref<5120xi32, #tpu.memory_space<hbm>>
      %dma_start3A_129 = tpu.memref_slice %arg5[%add3A_94] : memref<327680xi32, #tpu.memory_space<hbm>> -> memref<5120xi32, #tpu.memory_space<hbm>>
      tpu.enqueue_dma source(%dma_start3A_129 : memref<5120xi32, #tpu.memory_space<hbm>>) target(%arg10 : memref<5120xi32, #tpu.memory_space<vmem>>) target_semaphore(%run_scoped3A_127 : memref<!tpu.dma_semaphore, #tpu.memory_space<semaphore_mem>>)
      %dma_wait3A = tpu.memref_slice %arg5[%add3A_94] : memref<327680xi32, #tpu.memory_space<hbm>> -> memref<5120xi32, #tpu.memory_space<hbm>>
      %dma_wait3A_130 = tpu.memref_slice %arg5[%add3A_94] : memref<327680xi32, #tpu.memory_space<hbm>> -> memref<5120xi32, #tpu.memory_space<hbm>>
      tpu.wait_dma2 semaphore(%run_scoped3A_127 : memref<!tpu.dma_semaphore, #tpu.memory_space<semaphore_mem>>) src(%dma_wait3A_130 : memref<5120xi32, #tpu.memory_space<hbm>>) dst(%arg10 : memref<5120xi32, #tpu.memory_space<vmem>>)
      tpu.yield
    }) : () -> ()
    %dma_start3A = arith.constant 0 : i32
    %dma_start3A_95 = tpu.memref_slice %arg9[%dma_start3A] : memref<5120xi32, #tpu.memory_space<vmem>> -> memref<128xi32, #tpu.memory_space<vmem>>
    %dma_start3A_96 = arith.constant 0 : i32
    %dma_start3A_97 = tpu.memref_slice %arg7[%dma_start3A_96] : memref<10240xi32, #tpu.memory_space<vmem_shared>> -> memref<10240xi32, #tpu.memory_space<vmem_shared>>
    tpu.enqueue_indirect_dma source(%dma_start3A_97 : memref<10240xi32, #tpu.memory_space<vmem_shared>>) target(%arg11 : memref<128xi32, #tpu.memory_space<vmem>>) offsets(%dma_start3A_95 : memref<128xi32, #tpu.memory_space<vmem>>) semaphore(%arg18 : memref<!tpu.dma_semaphore, #tpu.memory_space<semaphore_mem>>)
    %dma_start3A_98 = arith.constant 0 : i32
    %dma_start3A_99 = tpu.memref_slice %arg9[%dma_start3A_98] : memref<5120xi32, #tpu.memory_space<vmem>> -> memref<128xi32, #tpu.memory_space<vmem>>
    %dma_start3A_100 = arith.constant 0 : i32
    %dma_start3A_101 = tpu.memref_slice %arg8[%dma_start3A_100] : memref<10240xf32, #tpu.memory_space<vmem_shared>> -> memref<10240xf32, #tpu.memory_space<vmem_shared>>
    tpu.enqueue_indirect_dma source(%dma_start3A_101 : memref<10240xf32, #tpu.memory_space<vmem_shared>>) target(%arg13 : memref<128xf32, #tpu.memory_space<vmem>>) offsets(%dma_start3A_99 : memref<128xi32, #tpu.memory_space<vmem>>) semaphore(%arg18 : memref<!tpu.dma_semaphore, #tpu.memory_space<semaphore_mem>>)
    %scan3A_102 = arith.constant 0 : i32
    %scan3A_103 = arith.constant 20 : i32
    %scan3A_104 = arith.addi %scan3A_102, %scan3A_103 : i32
    %scan3A_105 = arith.constant 1 : i32
    scf.for %scan3A_127 = %scan3A_102 to %scan3A_104 step %scan3A_105  : i32 {
      %mul3A_128 = arith.constant 2 : i32
      %mul3A_129 = arith.muli %scan3A_127, %mul3A_128 : i32
      %add3A_130 = arith.constant 0 : i32
      %add3A_131 = arith.addi %add3A_130, %mul3A_129 : i32
      %mul3A_132 = arith.constant 128 : i32
      %mul3A_133 = arith.muli %add3A_131, %mul3A_132 : i32
      %dma_wait3A = tpu.memref_slice %arg9[%mul3A_133] : memref<5120xi32, #tpu.memory_space<vmem>> -> memref<128xi32, #tpu.memory_space<vmem>>
      %dma_wait3A_134 = arith.constant 0 : i32
      %dma_wait3A_135 = tpu.memref_slice %arg7[%dma_wait3A_134] : memref<10240xi32, #tpu.memory_space<vmem_shared>> -> memref<10240xi32, #tpu.memory_space<vmem_shared>>
      tpu.wait_indirect_dma semaphore(%arg18 : memref<!tpu.dma_semaphore, #tpu.memory_space<semaphore_mem>>) src(%dma_wait3A_135 : memref<10240xi32, #tpu.memory_space<vmem_shared>>) dst(%arg11 : memref<128xi32, #tpu.memory_space<vmem>>)
      %mul3A_136 = arith.constant 128 : i32
      %mul3A_137 = arith.muli %add3A_131, %mul3A_136 : i32
      %dma_wait3A_138 = tpu.memref_slice %arg9[%mul3A_137] : memref<5120xi32, #tpu.memory_space<vmem>> -> memref<128xi32, #tpu.memory_space<vmem>>
      %dma_wait3A_139 = arith.constant 0 : i32
      %dma_wait3A_140 = tpu.memref_slice %arg8[%dma_wait3A_139] : memref<10240xf32, #tpu.memory_space<vmem_shared>> -> memref<10240xf32, #tpu.memory_space<vmem_shared>>
      tpu.wait_indirect_dma semaphore(%arg18 : memref<!tpu.dma_semaphore, #tpu.memory_space<semaphore_mem>>) src(%dma_wait3A_140 : memref<10240xf32, #tpu.memory_space<vmem_shared>>) dst(%arg13 : memref<128xf32, #tpu.memory_space<vmem>>)
      %add3A_141 = arith.constant 1 : i32
      %add3A_142 = arith.addi %add3A_131, %add3A_141 : i32
      %mul3A_143 = arith.constant 128 : i32
      %mul3A_144 = arith.muli %add3A_142, %mul3A_143 : i32
      %dma_start3A_145 = tpu.memref_slice %arg9[%mul3A_144] : memref<5120xi32, #tpu.memory_space<vmem>> -> memref<128xi32, #tpu.memory_space<vmem>>
      %dma_start3A_146 = arith.constant 0 : i32
      %dma_start3A_147 = tpu.memref_slice %arg7[%dma_start3A_146] : memref<10240xi32, #tpu.memory_space<vmem_shared>> -> memref<10240xi32, #tpu.memory_space<vmem_shared>>
      tpu.enqueue_indirect_dma source(%dma_start3A_147 : memref<10240xi32, #tpu.memory_space<vmem_shared>>) target(%arg12 : memref<128xi32, #tpu.memory_space<vmem>>) offsets(%dma_start3A_145 : memref<128xi32, #tpu.memory_space<vmem>>) semaphore(%arg19 : memref<!tpu.dma_semaphore, #tpu.memory_space<semaphore_mem>>)
      %add3A_148 = arith.constant 1 : i32
      %add3A_149 = arith.addi %add3A_131, %add3A_148 : i32
      %mul3A_150 = arith.constant 128 : i32
      %mul3A_151 = arith.muli %add3A_149, %mul3A_150 : i32
      %dma_start3A_152 = tpu.memref_slice %arg9[%mul3A_151] : memref<5120xi32, #tpu.memory_space<vmem>> -> memref<128xi32, #tpu.memory_space<vmem>>
      %dma_start3A_153 = arith.constant 0 : i32
      %dma_start3A_154 = tpu.memref_slice %arg8[%dma_start3A_153] : memref<10240xf32, #tpu.memory_space<vmem_shared>> -> memref<10240xf32, #tpu.memory_space<vmem_shared>>
      tpu.enqueue_indirect_dma source(%dma_start3A_154 : memref<10240xf32, #tpu.memory_space<vmem_shared>>) target(%arg14 : memref<128xf32, #tpu.memory_space<vmem>>) offsets(%dma_start3A_152 : memref<128xi32, #tpu.memory_space<vmem>>) semaphore(%arg19 : memref<!tpu.dma_semaphore, #tpu.memory_space<semaphore_mem>>)
      %mul3A_155 = arith.constant 128 : i32
      %mul3A_156 = arith.muli %add3A_131, %mul3A_155 : i32
      %add3A_157 = arith.constant 0 : i32
      %add3A_158 = arith.addi %mul3A_156, %add3A_157 : i32
      %get3A = arith.index_cast %add3A_158 : i32 to index
      %get3A_159 = tpu.vector_load %arg10[%get3A] {strides = array<i32>} : memref<5120xi32, #tpu.memory_space<vmem>>, vector<16xi32>,
      %get3A_160 = vector.shape_cast %get3A_159 : vector<16xi32> to vector<16xi32>
      %get3A_161 = arith.constant 0 : index
      %get3A_162 = tpu.vector_load %arg11[%get3A_161] {strides = array<i32>} : memref<128xi32, #tpu.memory_space<vmem>>, vector<16xi32>,
      %get3A_163 = vector.shape_cast %get3A_162 : vector<16xi32> to vector<16xi32>
      %mul3A_164 = arith.constant 128 : i32
      %mul3A_165 = vector.broadcast %mul3A_164 : i32 to vector<16xi32>
      %mul3A_166 = arith.muli %get3A_160, %mul3A_165 : vector<16xi32>
      %add3A_167 = arith.addi %mul3A_166, %get3A_163 : vector<16xi32>
      %swap3A = arith.constant 0 : index
      %swap3A_168 = tpu.vector_load %arg15[%swap3A] {strides = array<i32>} : memref<128xi32, #tpu.memory_space<vmem>>, vector<16xi32>,
      %swap3A_169 = vector.shape_cast %swap3A_168 : vector<16xi32> to vector<16xi32>
      %swap3A_170 = vector.shape_cast %add3A_167 : vector<16xi32> to vector<16xi32>
      tpu.vector_store %arg15[%swap3A], %swap3A_170 {strides = array<i32>} : memref<128xi32, #tpu.memory_space<vmem>>, vector<16xi32>,
      %mul3A_171 = arith.constant 128 : i32
      %mul3A_172 = arith.muli %add3A_131, %mul3A_171 : i32
      %add3A_173 = arith.constant 16 : i32
      %add3A_174 = arith.addi %mul3A_172, %add3A_173 : i32
      %get3A_175 = arith.index_cast %add3A_174 : i32 to index
      %get3A_176 = tpu.vector_load %arg10[%get3A_175] {strides = array<i32>} : memref<5120xi32, #tpu.memory_space<vmem>>, vector<16xi32>,
      %get3A_177 = vector.shape_cast %get3A_176 : vector<16xi32> to vector<16xi32>
      %get3A_178 = arith.constant 16 : index
      %get3A_179 = tpu.vector_load %arg11[%get3A_178] {strides = array<i32>} : memref<128xi32, #tpu.memory_space<vmem>>, vector<16xi32>,
      %get3A_180 = vector.shape_cast %get3A_179 : vector<16xi32> to vector<16xi32>
      %mul3A_181 = arith.constant 128 : i32
      %mul3A_182 = vector.broadcast %mul3A_181 : i32 to vector<16xi32>
      %mul3A_183 = arith.muli %get3A_177, %mul3A_182 : vector<16xi32>
      %add3A_184 = arith.addi %mul3A_183, %get3A_180 : vector<16xi32>
      %swap3A_185 = arith.constant 16 : index
      %swap3A_186 = tpu.vector_load %arg15[%swap3A_185] {strides = array<i32>} : memref<128xi32, #tpu.memory_space<vmem>>, vector<16xi32>,
      %swap3A_187 = vector.shape_cast %swap3A_186 : vector<16xi32> to vector<16xi32>
      %swap3A_188 = vector.shape_cast %add3A_184 : vector<16xi32> to vector<16xi32>
      tpu.vector_store %arg15[%swap3A_185], %swap3A_188 {strides = array<i32>} : memref<128xi32, #tpu.memory_space<vmem>>, vector<16xi32>,
      %mul3A_189 = arith.constant 128 : i32
      %mul3A_190 = arith.muli %add3A_131, %mul3A_189 : i32
      %add3A_191 = arith.constant 32 : i32
      %add3A_192 = arith.addi %mul3A_190, %add3A_191 : i32
      %get3A_193 = arith.index_cast %add3A_192 : i32 to index
      %get3A_194 = tpu.vector_load %arg10[%get3A_193] {strides = array<i32>} : memref<5120xi32, #tpu.memory_space<vmem>>, vector<16xi32>,
      %get3A_195 = vector.shape_cast %get3A_194 : vector<16xi32> to vector<16xi32>
      %get3A_196 = arith.constant 32 : index
      %get3A_197 = tpu.vector_load %arg11[%get3A_196] {strides = array<i32>} : memref<128xi32, #tpu.memory_space<vmem>>, vector<16xi32>,
      %get3A_198 = vector.shape_cast %get3A_197 : vector<16xi32> to vector<16xi32>
      %mul3A_199 = arith.constant 128 : i32
      %mul3A_200 = vector.broadcast %mul3A_199 : i32 to vector<16xi32>
      %mul3A_201 = arith.muli %get3A_195, %mul3A_200 : vector<16xi32>
      %add3A_202 = arith.addi %mul3A_201, %get3A_198 : vector<16xi32>
      %swap3A_203 = arith.constant 32 : index
      %swap3A_204 = tpu.vector_load %arg15[%swap3A_203] {strides = array<i32>} : memref<128xi32, #tpu.memory_space<vmem>>, vector<16xi32>,
      %swap3A_205 = vector.shape_cast %swap3A_204 : vector<16xi32> to vector<16xi32>
      %swap3A_206 = vector.shape_cast %add3A_202 : vector<16xi32> to vector<16xi32>
      tpu.vector_store %arg15[%swap3A_203], %swap3A_206 {strides = array<i32>} : memref<128xi32, #tpu.memory_space<vmem>>, vector<16xi32>,
      %mul3A_207 = arith.constant 128 : i32
      %mul3A_208 = arith.muli %add3A_131, %mul3A_207 : i32
      %add3A_209 = arith.constant 48 : i32
      %add3A_210 = arith.addi %mul3A_208, %add3A_209 : i32
      %get3A_211 = arith.index_cast %add3A_210 : i32 to index
      %get3A_212 = tpu.vector_load %arg10[%get3A_211] {strides = array<i32>} : memref<5120xi32, #tpu.memory_space<vmem>>, vector<16xi32>,
      %get3A_213 = vector.shape_cast %get3A_212 : vector<16xi32> to vector<16xi32>
      %get3A_214 = arith.constant 48 : index
      %get3A_215 = tpu.vector_load %arg11[%get3A_214] {strides = array<i32>} : memref<128xi32, #tpu.memory_space<vmem>>, vector<16xi32>,
      %get3A_216 = vector.shape_cast %get3A_215 : vector<16xi32> to vector<16xi32>
      %mul3A_217 = arith.constant 128 : i32
      %mul3A_218 = vector.broadcast %mul3A_217 : i32 to vector<16xi32>
      %mul3A_219 = arith.muli %get3A_213, %mul3A_218 : vector<16xi32>
      %add3A_220 = arith.addi %mul3A_219, %get3A_216 : vector<16xi32>
      %swap3A_221 = arith.constant 48 : index
      %swap3A_222 = tpu.vector_load %arg15[%swap3A_221] {strides = array<i32>} : memref<128xi32, #tpu.memory_space<vmem>>, vector<16xi32>,
      %swap3A_223 = vector.shape_cast %swap3A_222 : vector<16xi32> to vector<16xi32>
      %swap3A_224 = vector.shape_cast %add3A_220 : vector<16xi32> to vector<16xi32>
      tpu.vector_store %arg15[%swap3A_221], %swap3A_224 {strides = array<i32>} : memref<128xi32, #tpu.memory_space<vmem>>, vector<16xi32>,
      %mul3A_225 = arith.constant 128 : i32
      %mul3A_226 = arith.muli %add3A_131, %mul3A_225 : i32
      %add3A_227 = arith.constant 64 : i32
      %add3A_228 = arith.addi %mul3A_226, %add3A_227 : i32
      %get3A_229 = arith.index_cast %add3A_228 : i32 to index
      %get3A_230 = tpu.vector_load %arg10[%get3A_229] {strides = array<i32>} : memref<5120xi32, #tpu.memory_space<vmem>>, vector<16xi32>,
      %get3A_231 = vector.shape_cast %get3A_230 : vector<16xi32> to vector<16xi32>
      %get3A_232 = arith.constant 64 : index
      %get3A_233 = tpu.vector_load %arg11[%get3A_232] {strides = array<i32>} : memref<128xi32, #tpu.memory_space<vmem>>, vector<16xi32>,
      %get3A_234 = vector.shape_cast %get3A_233 : vector<16xi32> to vector<16xi32>
      %mul3A_235 = arith.constant 128 : i32
      %mul3A_236 = vector.broadcast %mul3A_235 : i32 to vector<16xi32>
      %mul3A_237 = arith.muli %get3A_231, %mul3A_236 : vector<16xi32>
      %add3A_238 = arith.addi %mul3A_237, %get3A_234 : vector<16xi32>
      %swap3A_239 = arith.constant 64 : index
      %swap3A_240 = tpu.vector_load %arg15[%swap3A_239] {strides = array<i32>} : memref<128xi32, #tpu.memory_space<vmem>>, vector<16xi32>,
      %swap3A_241 = vector.shape_cast %swap3A_240 : vector<16xi32> to vector<16xi32>
      %swap3A_242 = vector.shape_cast %add3A_238 : vector<16xi32> to vector<16xi32>
      tpu.vector_store %arg15[%swap3A_239], %swap3A_242 {strides = array<i32>} : memref<128xi32, #tpu.memory_space<vmem>>, vector<16xi32>,
      %mul3A_243 = arith.constant 128 : i32
      %mul3A_244 = arith.muli %add3A_131, %mul3A_243 : i32
      %add3A_245 = arith.constant 80 : i32
      %add3A_246 = arith.addi %mul3A_244, %add3A_245 : i32
      %get3A_247 = arith.index_cast %add3A_246 : i32 to index
      %get3A_248 = tpu.vector_load %arg10[%get3A_247] {strides = array<i32>} : memref<5120xi32, #tpu.memory_space<vmem>>, vector<16xi32>,
      %get3A_249 = vector.shape_cast %get3A_248 : vector<16xi32> to vector<16xi32>
      %get3A_250 = arith.constant 80 : index
      %get3A_251 = tpu.vector_load %arg11[%get3A_250] {strides = array<i32>} : memref<128xi32, #tpu.memory_space<vmem>>, vector<16xi32>,
      %get3A_252 = vector.shape_cast %get3A_251 : vector<16xi32> to vector<16xi32>
      %mul3A_253 = arith.constant 128 : i32
      %mul3A_254 = vector.broadcast %mul3A_253 : i32 to vector<16xi32>
      %mul3A_255 = arith.muli %get3A_249, %mul3A_254 : vector<16xi32>
      %add3A_256 = arith.addi %mul3A_255, %get3A_252 : vector<16xi32>
      %swap3A_257 = arith.constant 80 : index
      %swap3A_258 = tpu.vector_load %arg15[%swap3A_257] {strides = array<i32>} : memref<128xi32, #tpu.memory_space<vmem>>, vector<16xi32>,
      %swap3A_259 = vector.shape_cast %swap3A_258 : vector<16xi32> to vector<16xi32>
      %swap3A_260 = vector.shape_cast %add3A_256 : vector<16xi32> to vector<16xi32>
      tpu.vector_store %arg15[%swap3A_257], %swap3A_260 {strides = array<i32>} : memref<128xi32, #tpu.memory_space<vmem>>, vector<16xi32>,
      %mul3A_261 = arith.constant 128 : i32
      %mul3A_262 = arith.muli %add3A_131, %mul3A_261 : i32
      %add3A_263 = arith.constant 96 : i32
      %add3A_264 = arith.addi %mul3A_262, %add3A_263 : i32
      %get3A_265 = arith.index_cast %add3A_264 : i32 to index
      %get3A_266 = tpu.vector_load %arg10[%get3A_265] {strides = array<i32>} : memref<5120xi32, #tpu.memory_space<vmem>>, vector<16xi32>,
      %get3A_267 = vector.shape_cast %get3A_266 : vector<16xi32> to vector<16xi32>
      %get3A_268 = arith.constant 96 : index
      %get3A_269 = tpu.vector_load %arg11[%get3A_268] {strides = array<i32>} : memref<128xi32, #tpu.memory_space<vmem>>, vector<16xi32>,
      %get3A_270 = vector.shape_cast %get3A_269 : vector<16xi32> to vector<16xi32>
      %mul3A_271 = arith.constant 128 : i32
      %mul3A_272 = vector.broadcast %mul3A_271 : i32 to vector<16xi32>
      %mul3A_273 = arith.muli %get3A_267, %mul3A_272 : vector<16xi32>
      %add3A_274 = arith.addi %mul3A_273, %get3A_270 : vector<16xi32>
      %swap3A_275 = arith.constant 96 : index
      %swap3A_276 = tpu.vector_load %arg15[%swap3A_275] {strides = array<i32>} : memref<128xi32, #tpu.memory_space<vmem>>, vector<16xi32>,
      %swap3A_277 = vector.shape_cast %swap3A_276 : vector<16xi32> to vector<16xi32>
      %swap3A_278 = vector.shape_cast %add3A_274 : vector<16xi32> to vector<16xi32>
      tpu.vector_store %arg15[%swap3A_275], %swap3A_278 {strides = array<i32>} : memref<128xi32, #tpu.memory_space<vmem>>, vector<16xi32>,
      %mul3A_279 = arith.constant 128 : i32
      %mul3A_280 = arith.muli %add3A_131, %mul3A_279 : i32
      %add3A_281 = arith.constant 112 : i32
      %add3A_282 = arith.addi %mul3A_280, %add3A_281 : i32
      %get3A_283 = arith.index_cast %add3A_282 : i32 to index
      %get3A_284 = tpu.vector_load %arg10[%get3A_283] {strides = array<i32>} : memref<5120xi32, #tpu.memory_space<vmem>>, vector<16xi32>,
      %get3A_285 = vector.shape_cast %get3A_284 : vector<16xi32> to vector<16xi32>
      %get3A_286 = arith.constant 112 : index
      %get3A_287 = tpu.vector_load %arg11[%get3A_286] {strides = array<i32>} : memref<128xi32, #tpu.memory_space<vmem>>, vector<16xi32>,
      %get3A_288 = vector.shape_cast %get3A_287 : vector<16xi32> to vector<16xi32>
      %mul3A_289 = arith.constant 128 : i32
      %mul3A_290 = vector.broadcast %mul3A_289 : i32 to vector<16xi32>
      %mul3A_291 = arith.muli %get3A_285, %mul3A_290 : vector<16xi32>
      %add3A_292 = arith.addi %mul3A_291, %get3A_288 : vector<16xi32>
      %swap3A_293 = arith.constant 112 : index
      %swap3A_294 = tpu.vector_load %arg15[%swap3A_293] {strides = array<i32>} : memref<128xi32, #tpu.memory_space<vmem>>, vector<16xi32>,
      %swap3A_295 = vector.shape_cast %swap3A_294 : vector<16xi32> to vector<16xi32>
      %swap3A_296 = vector.shape_cast %add3A_292 : vector<16xi32> to vector<16xi32>
      tpu.vector_store %arg15[%swap3A_293], %swap3A_296 {strides = array<i32>} : memref<128xi32, #tpu.memory_space<vmem>>, vector<16xi32>,
      "tpu.region"() ({
        %run_scoped3A_477 = tpu.sem_alloc : memref<!tpu.dma_semaphore, #tpu.memory_space<semaphore_mem>>
        %dma_start3A_478 = arith.constant 0 : i32
        %dma_start3A_479 = tpu.memref_slice %arg17[%dma_start3A_478] : memref<1310720xf32, #tpu.memory_space<vmem_shared>> -> memref<1310720xf32, #tpu.memory_space<vmem_shared>>
        tpu.enqueue_indirect_dma source(%arg13 : memref<128xf32, #tpu.memory_space<vmem>>) target(%dma_start3A_479 : memref<1310720xf32, #tpu.memory_space<vmem_shared>>) offsets(%arg15 : memref<128xi32, #tpu.memory_space<vmem>>) semaphore(%run_scoped3A_477 : memref<!tpu.dma_semaphore, #tpu.memory_space<semaphore_mem>>) {add = true}
        %dma_wait3A_480 = arith.constant 0 : i32
        %dma_wait3A_481 = tpu.memref_slice %arg17[%dma_wait3A_480] : memref<1310720xf32, #tpu.memory_space<vmem_shared>> -> memref<1310720xf32, #tpu.memory_space<vmem_shared>>
        tpu.wait_indirect_dma semaphore(%run_scoped3A_477 : memref<!tpu.dma_semaphore, #tpu.memory_space<semaphore_mem>>) src(%arg13 : memref<128xf32, #tpu.memory_space<vmem>>) dst(%dma_wait3A_481 : memref<1310720xf32, #tpu.memory_space<vmem_shared>>)
        tpu.yield
      }) : () -> ()
      %add3A_297 = arith.constant 1 : i32
      %add3A_298 = arith.addi %add3A_131, %add3A_297 : i32
      %mul3A_299 = arith.constant 128 : i32
      %mul3A_300 = arith.muli %add3A_298, %mul3A_299 : i32
      %dma_wait3A_301 = tpu.memref_slice %arg9[%mul3A_300] : memref<5120xi32, #tpu.memory_space<vmem>> -> memref<128xi32, #tpu.memory_space<vmem>>
      %dma_wait3A_302 = arith.constant 0 : i32
      %dma_wait3A_303 = tpu.memref_slice %arg7[%dma_wait3A_302] : memref<10240xi32, #tpu.memory_space<vmem_shared>> -> memref<10240xi32, #tpu.memory_space<vmem_shared>>
      tpu.wait_indirect_dma semaphore(%arg19 : memref<!tpu.dma_semaphore, #tpu.memory_space<semaphore_mem>>) src(%dma_wait3A_303 : memref<10240xi32, #tpu.memory_space<vmem_shared>>) dst(%arg12 : memref<128xi32, #tpu.memory_space<vmem>>)
      %add3A_304 = arith.constant 1 : i32
      %add3A_305 = arith.addi %add3A_131, %add3A_304 : i32
      %mul3A_306 = arith.constant 128 : i32
      %mul3A_307 = arith.muli %add3A_305, %mul3A_306 : i32
      %dma_wait3A_308 = tpu.memref_slice %arg9[%mul3A_307] : memref<5120xi32, #tpu.memory_space<vmem>> -> memref<128xi32, #tpu.memory_space<vmem>>
      %dma_wait3A_309 = arith.constant 0 : i32
      %dma_wait3A_310 = tpu.memref_slice %arg8[%dma_wait3A_309] : memref<10240xf32, #tpu.memory_space<vmem_shared>> -> memref<10240xf32, #tpu.memory_space<vmem_shared>>
      tpu.wait_indirect_dma semaphore(%arg19 : memref<!tpu.dma_semaphore, #tpu.memory_space<semaphore_mem>>) src(%dma_wait3A_310 : memref<10240xf32, #tpu.memory_space<vmem_shared>>) dst(%arg14 : memref<128xf32, #tpu.memory_space<vmem>>)
      %add3A_311 = arith.constant 2 : i32
      %add3A_312 = arith.addi %add3A_131, %add3A_311 : i32
      %lt3A = arith.constant 40 : i32
      %lt3A_313 = arith.cmpi slt, %add3A_312, %lt3A : i32
      %convert_element_type3A_314 = arith.extui %lt3A_313 : i1 to i32
      %cond3A_315 = arith.constant 0 : i32
      %cond3A_316 = arith.cmpi ne, %convert_element_type3A_314, %cond3A_315 : i32
      scf.if %cond3A_316 {
        %add3A_477 = arith.constant 2 : i32
        %add3A_478 = arith.addi %add3A_131, %add3A_477 : i32
        %mul3A_479 = arith.constant 128 : i32
        %mul3A_480 = arith.muli %add3A_478, %mul3A_479 : i32
        %dma_start3A_481 = tpu.memref_slice %arg9[%mul3A_480] : memref<5120xi32, #tpu.memory_space<vmem>> -> memref<128xi32, #tpu.memory_space<vmem>>
        %dma_start3A_482 = arith.constant 0 : i32
        %dma_start3A_483 = tpu.memref_slice %arg7[%dma_start3A_482] : memref<10240xi32, #tpu.memory_space<vmem_shared>> -> memref<10240xi32, #tpu.memory_space<vmem_shared>>
        tpu.enqueue_indirect_dma source(%dma_start3A_483 : memref<10240xi32, #tpu.memory_space<vmem_shared>>) target(%arg11 : memref<128xi32, #tpu.memory_space<vmem>>) offsets(%dma_start3A_481 : memref<128xi32, #tpu.memory_space<vmem>>) semaphore(%arg18 : memref<!tpu.dma_semaphore, #tpu.memory_space<semaphore_mem>>)
        %add3A_484 = arith.constant 2 : i32
        %add3A_485 = arith.addi %add3A_131, %add3A_484 : i32
        %mul3A_486 = arith.constant 128 : i32
        %mul3A_487 = arith.muli %add3A_485, %mul3A_486 : i32
        %dma_start3A_488 = tpu.memref_slice %arg9[%mul3A_487] : memref<5120xi32, #tpu.memory_space<vmem>> -> memref<128xi32, #tpu.memory_space<vmem>>
        %dma_start3A_489 = arith.constant 0 : i32
        %dma_start3A_490 = tpu.memref_slice %arg8[%dma_start3A_489] : memref<10240xf32, #tpu.memory_space<vmem_shared>> -> memref<10240xf32, #tpu.memory_space<vmem_shared>>
        tpu.enqueue_indirect_dma source(%dma_start3A_490 : memref<10240xf32, #tpu.memory_space<vmem_shared>>) target(%arg13 : memref<128xf32, #tpu.memory_space<vmem>>) offsets(%dma_start3A_488 : memref<128xi32, #tpu.memory_space<vmem>>) semaphore(%arg18 : memref<!tpu.dma_semaphore, #tpu.memory_space<semaphore_mem>>)
      } else {
      }
      %add3A_317 = arith.constant 1 : i32
      %add3A_318 = arith.addi %add3A_131, %add3A_317 : i32
      %mul3A_319 = arith.constant 128 : i32
      %mul3A_320 = arith.muli %add3A_318, %mul3A_319 : i32
      %add3A_321 = arith.constant 0 : i32
      %add3A_322 = arith.addi %mul3A_320, %add3A_321 : i32
      %get3A_323 = arith.index_cast %add3A_322 : i32 to index
      %get3A_324 = tpu.vector_load %arg10[%get3A_323] {strides = array<i32>} : memref<5120xi32, #tpu.memory_space<vmem>>, vector<16xi32>,
      %get3A_325 = vector.shape_cast %get3A_324 : vector<16xi32> to vector<16xi32>
      %get3A_326 = arith.constant 0 : index
      %get3A_327 = tpu.vector_load %arg12[%get3A_326] {strides = array<i32>} : memref<128xi32, #tpu.memory_space<vmem>>, vector<16xi32>,
      %get3A_328 = vector.shape_cast %get3A_327 : vector<16xi32> to vector<16xi32>
      %mul3A_329 = arith.constant 128 : i32
      %mul3A_330 = vector.broadcast %mul3A_329 : i32 to vector<16xi32>
      %mul3A_331 = arith.muli %get3A_325, %mul3A_330 : vector<16xi32>
      %add3A_332 = arith.addi %mul3A_331, %get3A_328 : vector<16xi32>
      %swap3A_333 = arith.constant 0 : index
      %swap3A_334 = tpu.vector_load %arg15[%swap3A_333] {strides = array<i32>} : memref<128xi32, #tpu.memory_space<vmem>>, vector<16xi32>,
      %swap3A_335 = vector.shape_cast %swap3A_334 : vector<16xi32> to vector<16xi32>
      %swap3A_336 = vector.shape_cast %add3A_332 : vector<16xi32> to vector<16xi32>
      tpu.vector_store %arg15[%swap3A_333], %swap3A_336 {strides = array<i32>} : memref<128xi32, #tpu.memory_space<vmem>>, vector<16xi32>,
      %add3A_337 = arith.constant 1 : i32
      %add3A_338 = arith.addi %add3A_131, %add3A_337 : i32
      %mul3A_339 = arith.constant 128 : i32
      %mul3A_340 = arith.muli %add3A_338, %mul3A_339 : i32
      %add3A_341 = arith.constant 16 : i32
      %add3A_342 = arith.addi %mul3A_340, %add3A_341 : i32
      %get3A_343 = arith.index_cast %add3A_342 : i32 to index
      %get3A_344 = tpu.vector_load %arg10[%get3A_343] {strides = array<i32>} : memref<5120xi32, #tpu.memory_space<vmem>>, vector<16xi32>,
      %get3A_345 = vector.shape_cast %get3A_344 : vector<16xi32> to vector<16xi32>
      %get3A_346 = arith.constant 16 : index
      %get3A_347 = tpu.vector_load %arg12[%get3A_346] {strides = array<i32>} : memref<128xi32, #tpu.memory_space<vmem>>, vector<16xi32>,
      %get3A_348 = vector.shape_cast %get3A_347 : vector<16xi32> to vector<16xi32>
      %mul3A_349 = arith.constant 128 : i32
      %mul3A_350 = vector.broadcast %mul3A_349 : i32 to vector<16xi32>
      %mul3A_351 = arith.muli %get3A_345, %mul3A_350 : vector<16xi32>
      %add3A_352 = arith.addi %mul3A_351, %get3A_348 : vector<16xi32>
      %swap3A_353 = arith.constant 16 : index
      %swap3A_354 = tpu.vector_load %arg15[%swap3A_353] {strides = array<i32>} : memref<128xi32, #tpu.memory_space<vmem>>, vector<16xi32>,
      %swap3A_355 = vector.shape_cast %swap3A_354 : vector<16xi32> to vector<16xi32>
      %swap3A_356 = vector.shape_cast %add3A_352 : vector<16xi32> to vector<16xi32>
      tpu.vector_store %arg15[%swap3A_353], %swap3A_356 {strides = array<i32>} : memref<128xi32, #tpu.memory_space<vmem>>, vector<16xi32>,
      %add3A_357 = arith.constant 1 : i32
      %add3A_358 = arith.addi %add3A_131, %add3A_357 : i32
      %mul3A_359 = arith.constant 128 : i32
      %mul3A_360 = arith.muli %add3A_358, %mul3A_359 : i32
      %add3A_361 = arith.constant 32 : i32
      %add3A_362 = arith.addi %mul3A_360, %add3A_361 : i32
      %get3A_363 = arith.index_cast %add3A_362 : i32 to index
      %get3A_364 = tpu.vector_load %arg10[%get3A_363] {strides = array<i32>} : memref<5120xi32, #tpu.memory_space<vmem>>, vector<16xi32>,
      %get3A_365 = vector.shape_cast %get3A_364 : vector<16xi32> to vector<16xi32>
      %get3A_366 = arith.constant 32 : index
      %get3A_367 = tpu.vector_load %arg12[%get3A_366] {strides = array<i32>} : memref<128xi32, #tpu.memory_space<vmem>>, vector<16xi32>,
      %get3A_368 = vector.shape_cast %get3A_367 : vector<16xi32> to vector<16xi32>
      %mul3A_369 = arith.constant 128 : i32
      %mul3A_370 = vector.broadcast %mul3A_369 : i32 to vector<16xi32>
      %mul3A_371 = arith.muli %get3A_365, %mul3A_370 : vector<16xi32>
      %add3A_372 = arith.addi %mul3A_371, %get3A_368 : vector<16xi32>
      %swap3A_373 = arith.constant 32 : index
      %swap3A_374 = tpu.vector_load %arg15[%swap3A_373] {strides = array<i32>} : memref<128xi32, #tpu.memory_space<vmem>>, vector<16xi32>,
      %swap3A_375 = vector.shape_cast %swap3A_374 : vector<16xi32> to vector<16xi32>
      %swap3A_376 = vector.shape_cast %add3A_372 : vector<16xi32> to vector<16xi32>
      tpu.vector_store %arg15[%swap3A_373], %swap3A_376 {strides = array<i32>} : memref<128xi32, #tpu.memory_space<vmem>>, vector<16xi32>,
      %add3A_377 = arith.constant 1 : i32
      %add3A_378 = arith.addi %add3A_131, %add3A_377 : i32
      %mul3A_379 = arith.constant 128 : i32
      %mul3A_380 = arith.muli %add3A_378, %mul3A_379 : i32
      %add3A_381 = arith.constant 48 : i32
      %add3A_382 = arith.addi %mul3A_380, %add3A_381 : i32
      %get3A_383 = arith.index_cast %add3A_382 : i32 to index
      %get3A_384 = tpu.vector_load %arg10[%get3A_383] {strides = array<i32>} : memref<5120xi32, #tpu.memory_space<vmem>>, vector<16xi32>,
      %get3A_385 = vector.shape_cast %get3A_384 : vector<16xi32> to vector<16xi32>
      %get3A_386 = arith.constant 48 : index
      %get3A_387 = tpu.vector_load %arg12[%get3A_386] {strides = array<i32>} : memref<128xi32, #tpu.memory_space<vmem>>, vector<16xi32>,
      %get3A_388 = vector.shape_cast %get3A_387 : vector<16xi32> to vector<16xi32>
      %mul3A_389 = arith.constant 128 : i32
      %mul3A_390 = vector.broadcast %mul3A_389 : i32 to vector<16xi32>
      %mul3A_391 = arith.muli %get3A_385, %mul3A_390 : vector<16xi32>
      %add3A_392 = arith.addi %mul3A_391, %get3A_388 : vector<16xi32>
      %swap3A_393 = arith.constant 48 : index
      %swap3A_394 = tpu.vector_load %arg15[%swap3A_393] {strides = array<i32>} : memref<128xi32, #tpu.memory_space<vmem>>, vector<16xi32>,
      %swap3A_395 = vector.shape_cast %swap3A_394 : vector<16xi32> to vector<16xi32>
      %swap3A_396 = vector.shape_cast %add3A_392 : vector<16xi32> to vector<16xi32>
      tpu.vector_store %arg15[%swap3A_393], %swap3A_396 {strides = array<i32>} : memref<128xi32, #tpu.memory_space<vmem>>, vector<16xi32>,
      %add3A_397 = arith.constant 1 : i32
      %add3A_398 = arith.addi %add3A_131, %add3A_397 : i32
      %mul3A_399 = arith.constant 128 : i32
      %mul3A_400 = arith.muli %add3A_398, %mul3A_399 : i32
      %add3A_401 = arith.constant 64 : i32
      %add3A_402 = arith.addi %mul3A_400, %add3A_401 : i32
      %get3A_403 = arith.index_cast %add3A_402 : i32 to index
      %get3A_404 = tpu.vector_load %arg10[%get3A_403] {strides = array<i32>} : memref<5120xi32, #tpu.memory_space<vmem>>, vector<16xi32>,
      %get3A_405 = vector.shape_cast %get3A_404 : vector<16xi32> to vector<16xi32>
      %get3A_406 = arith.constant 64 : index
      %get3A_407 = tpu.vector_load %arg12[%get3A_406] {strides = array<i32>} : memref<128xi32, #tpu.memory_space<vmem>>, vector<16xi32>,
      %get3A_408 = vector.shape_cast %get3A_407 : vector<16xi32> to vector<16xi32>
      %mul3A_409 = arith.constant 128 : i32
      %mul3A_410 = vector.broadcast %mul3A_409 : i32 to vector<16xi32>
      %mul3A_411 = arith.muli %get3A_405, %mul3A_410 : vector<16xi32>
      %add3A_412 = arith.addi %mul3A_411, %get3A_408 : vector<16xi32>
      %swap3A_413 = arith.constant 64 : index
      %swap3A_414 = tpu.vector_load %arg15[%swap3A_413] {strides = array<i32>} : memref<128xi32, #tpu.memory_space<vmem>>, vector<16xi32>,
      %swap3A_415 = vector.shape_cast %swap3A_414 : vector<16xi32> to vector<16xi32>
      %swap3A_416 = vector.shape_cast %add3A_412 : vector<16xi32> to vector<16xi32>
      tpu.vector_store %arg15[%swap3A_413], %swap3A_416 {strides = array<i32>} : memref<128xi32, #tpu.memory_space<vmem>>, vector<16xi32>,
      %add3A_417 = arith.constant 1 : i32
      %add3A_418 = arith.addi %add3A_131, %add3A_417 : i32
      %mul3A_419 = arith.constant 128 : i32
      %mul3A_420 = arith.muli %add3A_418, %mul3A_419 : i32
      %add3A_421 = arith.constant 80 : i32
      %add3A_422 = arith.addi %mul3A_420, %add3A_421 : i32
      %get3A_423 = arith.index_cast %add3A_422 : i32 to index
      %get3A_424 = tpu.vector_load %arg10[%get3A_423] {strides = array<i32>} : memref<5120xi32, #tpu.memory_space<vmem>>, vector<16xi32>,
      %get3A_425 = vector.shape_cast %get3A_424 : vector<16xi32> to vector<16xi32>
      %get3A_426 = arith.constant 80 : index
      %get3A_427 = tpu.vector_load %arg12[%get3A_426] {strides = array<i32>} : memref<128xi32, #tpu.memory_space<vmem>>, vector<16xi32>,
      %get3A_428 = vector.shape_cast %get3A_427 : vector<16xi32> to vector<16xi32>
      %mul3A_429 = arith.constant 128 : i32
      %mul3A_430 = vector.broadcast %mul3A_429 : i32 to vector<16xi32>
      %mul3A_431 = arith.muli %get3A_425, %mul3A_430 : vector<16xi32>
      %add3A_432 = arith.addi %mul3A_431, %get3A_428 : vector<16xi32>
      %swap3A_433 = arith.constant 80 : index
      %swap3A_434 = tpu.vector_load %arg15[%swap3A_433] {strides = array<i32>} : memref<128xi32, #tpu.memory_space<vmem>>, vector<16xi32>,
      %swap3A_435 = vector.shape_cast %swap3A_434 : vector<16xi32> to vector<16xi32>
      %swap3A_436 = vector.shape_cast %add3A_432 : vector<16xi32> to vector<16xi32>
      tpu.vector_store %arg15[%swap3A_433], %swap3A_436 {strides = array<i32>} : memref<128xi32, #tpu.memory_space<vmem>>, vector<16xi32>,
      %add3A_437 = arith.constant 1 : i32
      %add3A_438 = arith.addi %add3A_131, %add3A_437 : i32
      %mul3A_439 = arith.constant 128 : i32
      %mul3A_440 = arith.muli %add3A_438, %mul3A_439 : i32
      %add3A_441 = arith.constant 96 : i32
      %add3A_442 = arith.addi %mul3A_440, %add3A_441 : i32
      %get3A_443 = arith.index_cast %add3A_442 : i32 to index
      %get3A_444 = tpu.vector_load %arg10[%get3A_443] {strides = array<i32>} : memref<5120xi32, #tpu.memory_space<vmem>>, vector<16xi32>,
      %get3A_445 = vector.shape_cast %get3A_444 : vector<16xi32> to vector<16xi32>
      %get3A_446 = arith.constant 96 : index
      %get3A_447 = tpu.vector_load %arg12[%get3A_446] {strides = array<i32>} : memref<128xi32, #tpu.memory_space<vmem>>, vector<16xi32>,
      %get3A_448 = vector.shape_cast %get3A_447 : vector<16xi32> to vector<16xi32>
      %mul3A_449 = arith.constant 128 : i32
      %mul3A_450 = vector.broadcast %mul3A_449 : i32 to vector<16xi32>
      %mul3A_451 = arith.muli %get3A_445, %mul3A_450 : vector<16xi32>
      %add3A_452 = arith.addi %mul3A_451, %get3A_448 : vector<16xi32>
      %swap3A_453 = arith.constant 96 : index
      %swap3A_454 = tpu.vector_load %arg15[%swap3A_453] {strides = array<i32>} : memref<128xi32, #tpu.memory_space<vmem>>, vector<16xi32>,
      %swap3A_455 = vector.shape_cast %swap3A_454 : vector<16xi32> to vector<16xi32>
      %swap3A_456 = vector.shape_cast %add3A_452 : vector<16xi32> to vector<16xi32>
      tpu.vector_store %arg15[%swap3A_453], %swap3A_456 {strides = array<i32>} : memref<128xi32, #tpu.memory_space<vmem>>, vector<16xi32>,
      %add3A_457 = arith.constant 1 : i32
      %add3A_458 = arith.addi %add3A_131, %add3A_457 : i32
      %mul3A_459 = arith.constant 128 : i32
      %mul3A_460 = arith.muli %add3A_458, %mul3A_459 : i32
      %add3A_461 = arith.constant 112 : i32
      %add3A_462 = arith.addi %mul3A_460, %add3A_461 : i32
      %get3A_463 = arith.index_cast %add3A_462 : i32 to index
      %get3A_464 = tpu.vector_load %arg10[%get3A_463] {strides = array<i32>} : memref<5120xi32, #tpu.memory_space<vmem>>, vector<16xi32>,
      %get3A_465 = vector.shape_cast %get3A_464 : vector<16xi32> to vector<16xi32>
      %get3A_466 = arith.constant 112 : index
      %get3A_467 = tpu.vector_load %arg12[%get3A_466] {strides = array<i32>} : memref<128xi32, #tpu.memory_space<vmem>>, vector<16xi32>,
      %get3A_468 = vector.shape_cast %get3A_467 : vector<16xi32> to vector<16xi32>
      %mul3A_469 = arith.constant 128 : i32
      %mul3A_470 = vector.broadcast %mul3A_469 : i32 to vector<16xi32>
      %mul3A_471 = arith.muli %get3A_465, %mul3A_470 : vector<16xi32>
      %add3A_472 = arith.addi %mul3A_471, %get3A_468 : vector<16xi32>
      %swap3A_473 = arith.constant 112 : index
      %swap3A_474 = tpu.vector_load %arg15[%swap3A_473] {strides = array<i32>} : memref<128xi32, #tpu.memory_space<vmem>>, vector<16xi32>,
      %swap3A_475 = vector.shape_cast %swap3A_474 : vector<16xi32> to vector<16xi32>
      %swap3A_476 = vector.shape_cast %add3A_472 : vector<16xi32> to vector<16xi32>
      tpu.vector_store %arg15[%swap3A_473], %swap3A_476 {strides = array<i32>} : memref<128xi32, #tpu.memory_space<vmem>>, vector<16xi32>,
      "tpu.region"() ({
        %run_scoped3A_477 = tpu.sem_alloc : memref<!tpu.dma_semaphore, #tpu.memory_space<semaphore_mem>>
        %dma_start3A_478 = arith.constant 0 : i32
        %dma_start3A_479 = tpu.memref_slice %arg17[%dma_start3A_478] : memref<1310720xf32, #tpu.memory_space<vmem_shared>> -> memref<1310720xf32, #tpu.memory_space<vmem_shared>>
        tpu.enqueue_indirect_dma source(%arg14 : memref<128xf32, #tpu.memory_space<vmem>>) target(%dma_start3A_479 : memref<1310720xf32, #tpu.memory_space<vmem_shared>>) offsets(%arg15 : memref<128xi32, #tpu.memory_space<vmem>>) semaphore(%run_scoped3A_477 : memref<!tpu.dma_semaphore, #tpu.memory_space<semaphore_mem>>) {add = true}
        %dma_wait3A_480 = arith.constant 0 : i32
        %dma_wait3A_481 = tpu.memref_slice %arg17[%dma_wait3A_480] : memref<1310720xf32, #tpu.memory_space<vmem_shared>> -> memref<1310720xf32, #tpu.memory_space<vmem_shared>>
        tpu.wait_indirect_dma semaphore(%run_scoped3A_477 : memref<!tpu.dma_semaphore, #tpu.memory_space<semaphore_mem>>) src(%arg14 : memref<128xf32, #tpu.memory_space<vmem>>) dst(%dma_wait3A_481 : memref<1310720xf32, #tpu.memory_space<vmem_shared>>)
        tpu.yield
      }) : () -> ()
    }
    %scan3A_106 = arith.constant 20 : i32
    %add3A_107 = arith.constant 5120 : i32
    %add3A_108 = arith.addi %mul3A_92, %add3A_107 : i32
    "tpu.region"() ({
      %run_scoped3A_127 = tpu.sem_alloc : memref<!tpu.dma_semaphore, #tpu.memory_space<semaphore_mem>>
      %dma_start3A_128 = tpu.memref_slice %arg4[%add3A_108] : memref<327680xi32, #tpu.memory_space<hbm>> -> memref<5120xi32, #tpu.memory_space<hbm>>
      %dma_start3A_129 = tpu.memref_slice %arg4[%add3A_108] : memref<327680xi32, #tpu.memory_space<hbm>> -> memref<5120xi32, #tpu.memory_space<hbm>>
      tpu.enqueue_dma source(%dma_start3A_129 : memref<5120xi32, #tpu.memory_space<hbm>>) target(%arg9 : memref<5120xi32, #tpu.memory_space<vmem>>) target_semaphore(%run_scoped3A_127 : memref<!tpu.dma_semaphore, #tpu.memory_space<semaphore_mem>>)
      %dma_wait3A = tpu.memref_slice %arg4[%add3A_108] : memref<327680xi32, #tpu.memory_space<hbm>> -> memref<5120xi32, #tpu.memory_space<hbm>>
      %dma_wait3A_130 = tpu.memref_slice %arg4[%add3A_108] : memref<327680xi32, #tpu.memory_space<hbm>> -> memref<5120xi32, #tpu.memory_space<hbm>>
      tpu.wait_dma2 semaphore(%run_scoped3A_127 : memref<!tpu.dma_semaphore, #tpu.memory_space<semaphore_mem>>) src(%dma_wait3A_130 : memref<5120xi32, #tpu.memory_space<hbm>>) dst(%arg9 : memref<5120xi32, #tpu.memory_space<vmem>>)
      tpu.yield
    }) : () -> ()
    "tpu.region"() ({
      %run_scoped3A_127 = tpu.sem_alloc : memref<!tpu.dma_semaphore, #tpu.memory_space<semaphore_mem>>
      %dma_start3A_128 = tpu.memref_slice %arg5[%add3A_108] : memref<327680xi32, #tpu.memory_space<hbm>> -> memref<5120xi32, #tpu.memory_space<hbm>>
      %dma_start3A_129 = tpu.memref_slice %arg5[%add3A_108] : memref<327680xi32, #tpu.memory_space<hbm>> -> memref<5120xi32, #tpu.memory_space<hbm>>
      tpu.enqueue_dma source(%dma_start3A_129 : memref<5120xi32, #tpu.memory_space<hbm>>) target(%arg10 : memref<5120xi32, #tpu.memory_space<vmem>>) target_semaphore(%run_scoped3A_127 : memref<!tpu.dma_semaphore, #tpu.memory_space<semaphore_mem>>)
      %dma_wait3A = tpu.memref_slice %arg5[%add3A_108] : memref<327680xi32, #tpu.memory_space<hbm>> -> memref<5120xi32, #tpu.memory_space<hbm>>
      %dma_wait3A_130 = tpu.memref_slice %arg5[%add3A_108] : memref<327680xi32, #tpu.memory_space<hbm>> -> memref<5120xi32, #tpu.memory_space<hbm>>
      tpu.wait_dma2 semaphore(%run_scoped3A_127 : memref<!tpu.dma_semaphore, #tpu.memory_space<semaphore_mem>>) src(%dma_wait3A_130 : memref<5120xi32, #tpu.memory_space<hbm>>) dst(%arg10 : memref<5120xi32, #tpu.memory_space<vmem>>)
      tpu.yield
    }) : () -> ()
    %dma_start3A_109 = arith.constant 0 : i32
    %dma_start3A_110 = tpu.memref_slice %arg9[%dma_start3A_109] : memref<5120xi32, #tpu.memory_space<vmem>> -> memref<128xi32, #tpu.memory_space<vmem>>
    %dma_start3A_111 = arith.constant 0 : i32
    %dma_start3A_112 = tpu.memref_slice %arg7[%dma_start3A_111] : memref<10240xi32, #tpu.memory_space<vmem_shared>> -> memref<10240xi32, #tpu.memory_space<vmem_shared>>
    tpu.enqueue_indirect_dma source(%dma_start3A_112 : memref<10240xi32, #tpu.memory_space<vmem_shared>>) target(%arg11 : memref<128xi32, #tpu.memory_space<vmem>>) offsets(%dma_start3A_110 : memref<128xi32, #tpu.memory_space<vmem>>) semaphore(%arg18 : memref<!tpu.dma_semaphore, #tpu.memory_space<semaphore_mem>>)
    %dma_start3A_113 = arith.constant 0 : i32
    %dma_start3A_114 = tpu.memref_slice %arg9[%dma_start3A_113] : memref<5120xi32, #tpu.memory_space<vmem>> -> memref<128xi32, #tpu.memory_space<vmem>>
    %dma_start3A_115 = arith.constant 0 : i32
    %dma_start3A_116 = tpu.memref_slice %arg8[%dma_start3A_115] : memref<10240xf32, #tpu.memory_space<vmem_shared>> -> memref<10240xf32, #tpu.memory_space<vmem_shared>>
    tpu.enqueue_indirect_dma source(%dma_start3A_116 : memref<10240xf32, #tpu.memory_space<vmem_shared>>) target(%arg13 : memref<128xf32, #tpu.memory_space<vmem>>) offsets(%dma_start3A_114 : memref<128xi32, #tpu.memory_space<vmem>>) semaphore(%arg18 : memref<!tpu.dma_semaphore, #tpu.memory_space<semaphore_mem>>)
    %scan3A_117 = arith.constant 0 : i32
    %scan3A_118 = arith.constant 20 : i32
    %scan3A_119 = arith.addi %scan3A_117, %scan3A_118 : i32
    %scan3A_120 = arith.constant 1 : i32
    scf.for %scan3A_127 = %scan3A_117 to %scan3A_119 step %scan3A_120  : i32 {
      %mul3A_128 = arith.constant 2 : i32
      %mul3A_129 = arith.muli %scan3A_127, %mul3A_128 : i32
      %add3A_130 = arith.constant 0 : i32
      %add3A_131 = arith.addi %add3A_130, %mul3A_129 : i32
      %mul3A_132 = arith.constant 128 : i32
      %mul3A_133 = arith.muli %add3A_131, %mul3A_132 : i32
      %dma_wait3A = tpu.memref_slice %arg9[%mul3A_133] : memref<5120xi32, #tpu.memory_space<vmem>> -> memref<128xi32, #tpu.memory_space<vmem>>
      %dma_wait3A_134 = arith.constant 0 : i32
      %dma_wait3A_135 = tpu.memref_slice %arg7[%dma_wait3A_134] : memref<10240xi32, #tpu.memory_space<vmem_shared>> -> memref<10240xi32, #tpu.memory_space<vmem_shared>>
      tpu.wait_indirect_dma semaphore(%arg18 : memref<!tpu.dma_semaphore, #tpu.memory_space<semaphore_mem>>) src(%dma_wait3A_135 : memref<10240xi32, #tpu.memory_space<vmem_shared>>) dst(%arg11 : memref<128xi32, #tpu.memory_space<vmem>>)
      %mul3A_136 = arith.constant 128 : i32
      %mul3A_137 = arith.muli %add3A_131, %mul3A_136 : i32
      %dma_wait3A_138 = tpu.memref_slice %arg9[%mul3A_137] : memref<5120xi32, #tpu.memory_space<vmem>> -> memref<128xi32, #tpu.memory_space<vmem>>
      %dma_wait3A_139 = arith.constant 0 : i32
      %dma_wait3A_140 = tpu.memref_slice %arg8[%dma_wait3A_139] : memref<10240xf32, #tpu.memory_space<vmem_shared>> -> memref<10240xf32, #tpu.memory_space<vmem_shared>>
      tpu.wait_indirect_dma semaphore(%arg18 : memref<!tpu.dma_semaphore, #tpu.memory_space<semaphore_mem>>) src(%dma_wait3A_140 : memref<10240xf32, #tpu.memory_space<vmem_shared>>) dst(%arg13 : memref<128xf32, #tpu.memory_space<vmem>>)
      %add3A_141 = arith.constant 1 : i32
      %add3A_142 = arith.addi %add3A_131, %add3A_141 : i32
      %mul3A_143 = arith.constant 128 : i32
      %mul3A_144 = arith.muli %add3A_142, %mul3A_143 : i32
      %dma_start3A_145 = tpu.memref_slice %arg9[%mul3A_144] : memref<5120xi32, #tpu.memory_space<vmem>> -> memref<128xi32, #tpu.memory_space<vmem>>
      %dma_start3A_146 = arith.constant 0 : i32
      %dma_start3A_147 = tpu.memref_slice %arg7[%dma_start3A_146] : memref<10240xi32, #tpu.memory_space<vmem_shared>> -> memref<10240xi32, #tpu.memory_space<vmem_shared>>
      tpu.enqueue_indirect_dma source(%dma_start3A_147 : memref<10240xi32, #tpu.memory_space<vmem_shared>>) target(%arg12 : memref<128xi32, #tpu.memory_space<vmem>>) offsets(%dma_start3A_145 : memref<128xi32, #tpu.memory_space<vmem>>) semaphore(%arg19 : memref<!tpu.dma_semaphore, #tpu.memory_space<semaphore_mem>>)
      %add3A_148 = arith.constant 1 : i32
      %add3A_149 = arith.addi %add3A_131, %add3A_148 : i32
      %mul3A_150 = arith.constant 128 : i32
      %mul3A_151 = arith.muli %add3A_149, %mul3A_150 : i32
      %dma_start3A_152 = tpu.memref_slice %arg9[%mul3A_151] : memref<5120xi32, #tpu.memory_space<vmem>> -> memref<128xi32, #tpu.memory_space<vmem>>
      %dma_start3A_153 = arith.constant 0 : i32
      %dma_start3A_154 = tpu.memref_slice %arg8[%dma_start3A_153] : memref<10240xf32, #tpu.memory_space<vmem_shared>> -> memref<10240xf32, #tpu.memory_space<vmem_shared>>
      tpu.enqueue_indirect_dma source(%dma_start3A_154 : memref<10240xf32, #tpu.memory_space<vmem_shared>>) target(%arg14 : memref<128xf32, #tpu.memory_space<vmem>>) offsets(%dma_start3A_152 : memref<128xi32, #tpu.memory_space<vmem>>) semaphore(%arg19 : memref<!tpu.dma_semaphore, #tpu.memory_space<semaphore_mem>>)
      %mul3A_155 = arith.constant 128 : i32
      %mul3A_156 = arith.muli %add3A_131, %mul3A_155 : i32
      %add3A_157 = arith.constant 0 : i32
      %add3A_158 = arith.addi %mul3A_156, %add3A_157 : i32
      %get3A = arith.index_cast %add3A_158 : i32 to index
      %get3A_159 = tpu.vector_load %arg10[%get3A] {strides = array<i32>} : memref<5120xi32, #tpu.memory_space<vmem>>, vector<16xi32>,
      %get3A_160 = vector.shape_cast %get3A_159 : vector<16xi32> to vector<16xi32>
      %get3A_161 = arith.constant 0 : index
      %get3A_162 = tpu.vector_load %arg11[%get3A_161] {strides = array<i32>} : memref<128xi32, #tpu.memory_space<vmem>>, vector<16xi32>,
      %get3A_163 = vector.shape_cast %get3A_162 : vector<16xi32> to vector<16xi32>
      %mul3A_164 = arith.constant 128 : i32
      %mul3A_165 = vector.broadcast %mul3A_164 : i32 to vector<16xi32>
      %mul3A_166 = arith.muli %get3A_160, %mul3A_165 : vector<16xi32>
      %add3A_167 = arith.addi %mul3A_166, %get3A_163 : vector<16xi32>
      %swap3A = arith.constant 0 : index
      %swap3A_168 = tpu.vector_load %arg15[%swap3A] {strides = array<i32>} : memref<128xi32, #tpu.memory_space<vmem>>, vector<16xi32>,
      %swap3A_169 = vector.shape_cast %swap3A_168 : vector<16xi32> to vector<16xi32>
      %swap3A_170 = vector.shape_cast %add3A_167 : vector<16xi32> to vector<16xi32>
      tpu.vector_store %arg15[%swap3A], %swap3A_170 {strides = array<i32>} : memref<128xi32, #tpu.memory_space<vmem>>, vector<16xi32>,
      %mul3A_171 = arith.constant 128 : i32
      %mul3A_172 = arith.muli %add3A_131, %mul3A_171 : i32
      %add3A_173 = arith.constant 16 : i32
      %add3A_174 = arith.addi %mul3A_172, %add3A_173 : i32
      %get3A_175 = arith.index_cast %add3A_174 : i32 to index
      %get3A_176 = tpu.vector_load %arg10[%get3A_175] {strides = array<i32>} : memref<5120xi32, #tpu.memory_space<vmem>>, vector<16xi32>,
      %get3A_177 = vector.shape_cast %get3A_176 : vector<16xi32> to vector<16xi32>
      %get3A_178 = arith.constant 16 : index
      %get3A_179 = tpu.vector_load %arg11[%get3A_178] {strides = array<i32>} : memref<128xi32, #tpu.memory_space<vmem>>, vector<16xi32>,
      %get3A_180 = vector.shape_cast %get3A_179 : vector<16xi32> to vector<16xi32>
      %mul3A_181 = arith.constant 128 : i32
      %mul3A_182 = vector.broadcast %mul3A_181 : i32 to vector<16xi32>
      %mul3A_183 = arith.muli %get3A_177, %mul3A_182 : vector<16xi32>
      %add3A_184 = arith.addi %mul3A_183, %get3A_180 : vector<16xi32>
      %swap3A_185 = arith.constant 16 : index
      %swap3A_186 = tpu.vector_load %arg15[%swap3A_185] {strides = array<i32>} : memref<128xi32, #tpu.memory_space<vmem>>, vector<16xi32>,
      %swap3A_187 = vector.shape_cast %swap3A_186 : vector<16xi32> to vector<16xi32>
      %swap3A_188 = vector.shape_cast %add3A_184 : vector<16xi32> to vector<16xi32>
      tpu.vector_store %arg15[%swap3A_185], %swap3A_188 {strides = array<i32>} : memref<128xi32, #tpu.memory_space<vmem>>, vector<16xi32>,
      %mul3A_189 = arith.constant 128 : i32
      %mul3A_190 = arith.muli %add3A_131, %mul3A_189 : i32
      %add3A_191 = arith.constant 32 : i32
      %add3A_192 = arith.addi %mul3A_190, %add3A_191 : i32
      %get3A_193 = arith.index_cast %add3A_192 : i32 to index
      %get3A_194 = tpu.vector_load %arg10[%get3A_193] {strides = array<i32>} : memref<5120xi32, #tpu.memory_space<vmem>>, vector<16xi32>,
      %get3A_195 = vector.shape_cast %get3A_194 : vector<16xi32> to vector<16xi32>
      %get3A_196 = arith.constant 32 : index
      %get3A_197 = tpu.vector_load %arg11[%get3A_196] {strides = array<i32>} : memref<128xi32, #tpu.memory_space<vmem>>, vector<16xi32>,
      %get3A_198 = vector.shape_cast %get3A_197 : vector<16xi32> to vector<16xi32>
      %mul3A_199 = arith.constant 128 : i32
      %mul3A_200 = vector.broadcast %mul3A_199 : i32 to vector<16xi32>
      %mul3A_201 = arith.muli %get3A_195, %mul3A_200 : vector<16xi32>
      %add3A_202 = arith.addi %mul3A_201, %get3A_198 : vector<16xi32>
      %swap3A_203 = arith.constant 32 : index
      %swap3A_204 = tpu.vector_load %arg15[%swap3A_203] {strides = array<i32>} : memref<128xi32, #tpu.memory_space<vmem>>, vector<16xi32>,
      %swap3A_205 = vector.shape_cast %swap3A_204 : vector<16xi32> to vector<16xi32>
      %swap3A_206 = vector.shape_cast %add3A_202 : vector<16xi32> to vector<16xi32>
      tpu.vector_store %arg15[%swap3A_203], %swap3A_206 {strides = array<i32>} : memref<128xi32, #tpu.memory_space<vmem>>, vector<16xi32>,
      %mul3A_207 = arith.constant 128 : i32
      %mul3A_208 = arith.muli %add3A_131, %mul3A_207 : i32
      %add3A_209 = arith.constant 48 : i32
      %add3A_210 = arith.addi %mul3A_208, %add3A_209 : i32
      %get3A_211 = arith.index_cast %add3A_210 : i32 to index
      %get3A_212 = tpu.vector_load %arg10[%get3A_211] {strides = array<i32>} : memref<5120xi32, #tpu.memory_space<vmem>>, vector<16xi32>,
      %get3A_213 = vector.shape_cast %get3A_212 : vector<16xi32> to vector<16xi32>
      %get3A_214 = arith.constant 48 : index
      %get3A_215 = tpu.vector_load %arg11[%get3A_214] {strides = array<i32>} : memref<128xi32, #tpu.memory_space<vmem>>, vector<16xi32>,
      %get3A_216 = vector.shape_cast %get3A_215 : vector<16xi32> to vector<16xi32>
      %mul3A_217 = arith.constant 128 : i32
      %mul3A_218 = vector.broadcast %mul3A_217 : i32 to vector<16xi32>
      %mul3A_219 = arith.muli %get3A_213, %mul3A_218 : vector<16xi32>
      %add3A_220 = arith.addi %mul3A_219, %get3A_216 : vector<16xi32>
      %swap3A_221 = arith.constant 48 : index
      %swap3A_222 = tpu.vector_load %arg15[%swap3A_221] {strides = array<i32>} : memref<128xi32, #tpu.memory_space<vmem>>, vector<16xi32>,
      %swap3A_223 = vector.shape_cast %swap3A_222 : vector<16xi32> to vector<16xi32>
      %swap3A_224 = vector.shape_cast %add3A_220 : vector<16xi32> to vector<16xi32>
      tpu.vector_store %arg15[%swap3A_221], %swap3A_224 {strides = array<i32>} : memref<128xi32, #tpu.memory_space<vmem>>, vector<16xi32>,
      %mul3A_225 = arith.constant 128 : i32
      %mul3A_226 = arith.muli %add3A_131, %mul3A_225 : i32
      %add3A_227 = arith.constant 64 : i32
      %add3A_228 = arith.addi %mul3A_226, %add3A_227 : i32
      %get3A_229 = arith.index_cast %add3A_228 : i32 to index
      %get3A_230 = tpu.vector_load %arg10[%get3A_229] {strides = array<i32>} : memref<5120xi32, #tpu.memory_space<vmem>>, vector<16xi32>,
      %get3A_231 = vector.shape_cast %get3A_230 : vector<16xi32> to vector<16xi32>
      %get3A_232 = arith.constant 64 : index
      %get3A_233 = tpu.vector_load %arg11[%get3A_232] {strides = array<i32>} : memref<128xi32, #tpu.memory_space<vmem>>, vector<16xi32>,
      %get3A_234 = vector.shape_cast %get3A_233 : vector<16xi32> to vector<16xi32>
      %mul3A_235 = arith.constant 128 : i32
      %mul3A_236 = vector.broadcast %mul3A_235 : i32 to vector<16xi32>
      %mul3A_237 = arith.muli %get3A_231, %mul3A_236 : vector<16xi32>
      %add3A_238 = arith.addi %mul3A_237, %get3A_234 : vector<16xi32>
      %swap3A_239 = arith.constant 64 : index
      %swap3A_240 = tpu.vector_load %arg15[%swap3A_239] {strides = array<i32>} : memref<128xi32, #tpu.memory_space<vmem>>, vector<16xi32>,
      %swap3A_241 = vector.shape_cast %swap3A_240 : vector<16xi32> to vector<16xi32>
      %swap3A_242 = vector.shape_cast %add3A_238 : vector<16xi32> to vector<16xi32>
      tpu.vector_store %arg15[%swap3A_239], %swap3A_242 {strides = array<i32>} : memref<128xi32, #tpu.memory_space<vmem>>, vector<16xi32>,
      %mul3A_243 = arith.constant 128 : i32
      %mul3A_244 = arith.muli %add3A_131, %mul3A_243 : i32
      %add3A_245 = arith.constant 80 : i32
      %add3A_246 = arith.addi %mul3A_244, %add3A_245 : i32
      %get3A_247 = arith.index_cast %add3A_246 : i32 to index
      %get3A_248 = tpu.vector_load %arg10[%get3A_247] {strides = array<i32>} : memref<5120xi32, #tpu.memory_space<vmem>>, vector<16xi32>,
      %get3A_249 = vector.shape_cast %get3A_248 : vector<16xi32> to vector<16xi32>
      %get3A_250 = arith.constant 80 : index
      %get3A_251 = tpu.vector_load %arg11[%get3A_250] {strides = array<i32>} : memref<128xi32, #tpu.memory_space<vmem>>, vector<16xi32>,
      %get3A_252 = vector.shape_cast %get3A_251 : vector<16xi32> to vector<16xi32>
      %mul3A_253 = arith.constant 128 : i32
      %mul3A_254 = vector.broadcast %mul3A_253 : i32 to vector<16xi32>
      %mul3A_255 = arith.muli %get3A_249, %mul3A_254 : vector<16xi32>
      %add3A_256 = arith.addi %mul3A_255, %get3A_252 : vector<16xi32>
      %swap3A_257 = arith.constant 80 : index
      %swap3A_258 = tpu.vector_load %arg15[%swap3A_257] {strides = array<i32>} : memref<128xi32, #tpu.memory_space<vmem>>, vector<16xi32>,
      %swap3A_259 = vector.shape_cast %swap3A_258 : vector<16xi32> to vector<16xi32>
      %swap3A_260 = vector.shape_cast %add3A_256 : vector<16xi32> to vector<16xi32>
      tpu.vector_store %arg15[%swap3A_257], %swap3A_260 {strides = array<i32>} : memref<128xi32, #tpu.memory_space<vmem>>, vector<16xi32>,
      %mul3A_261 = arith.constant 128 : i32
      %mul3A_262 = arith.muli %add3A_131, %mul3A_261 : i32
      %add3A_263 = arith.constant 96 : i32
      %add3A_264 = arith.addi %mul3A_262, %add3A_263 : i32
      %get3A_265 = arith.index_cast %add3A_264 : i32 to index
      %get3A_266 = tpu.vector_load %arg10[%get3A_265] {strides = array<i32>} : memref<5120xi32, #tpu.memory_space<vmem>>, vector<16xi32>,
      %get3A_267 = vector.shape_cast %get3A_266 : vector<16xi32> to vector<16xi32>
      %get3A_268 = arith.constant 96 : index
      %get3A_269 = tpu.vector_load %arg11[%get3A_268] {strides = array<i32>} : memref<128xi32, #tpu.memory_space<vmem>>, vector<16xi32>,
      %get3A_270 = vector.shape_cast %get3A_269 : vector<16xi32> to vector<16xi32>
      %mul3A_271 = arith.constant 128 : i32
      %mul3A_272 = vector.broadcast %mul3A_271 : i32 to vector<16xi32>
      %mul3A_273 = arith.muli %get3A_267, %mul3A_272 : vector<16xi32>
      %add3A_274 = arith.addi %mul3A_273, %get3A_270 : vector<16xi32>
      %swap3A_275 = arith.constant 96 : index
      %swap3A_276 = tpu.vector_load %arg15[%swap3A_275] {strides = array<i32>} : memref<128xi32, #tpu.memory_space<vmem>>, vector<16xi32>,
      %swap3A_277 = vector.shape_cast %swap3A_276 : vector<16xi32> to vector<16xi32>
      %swap3A_278 = vector.shape_cast %add3A_274 : vector<16xi32> to vector<16xi32>
      tpu.vector_store %arg15[%swap3A_275], %swap3A_278 {strides = array<i32>} : memref<128xi32, #tpu.memory_space<vmem>>, vector<16xi32>,
      %mul3A_279 = arith.constant 128 : i32
      %mul3A_280 = arith.muli %add3A_131, %mul3A_279 : i32
      %add3A_281 = arith.constant 112 : i32
      %add3A_282 = arith.addi %mul3A_280, %add3A_281 : i32
      %get3A_283 = arith.index_cast %add3A_282 : i32 to index
      %get3A_284 = tpu.vector_load %arg10[%get3A_283] {strides = array<i32>} : memref<5120xi32, #tpu.memory_space<vmem>>, vector<16xi32>,
      %get3A_285 = vector.shape_cast %get3A_284 : vector<16xi32> to vector<16xi32>
      %get3A_286 = arith.constant 112 : index
      %get3A_287 = tpu.vector_load %arg11[%get3A_286] {strides = array<i32>} : memref<128xi32, #tpu.memory_space<vmem>>, vector<16xi32>,
      %get3A_288 = vector.shape_cast %get3A_287 : vector<16xi32> to vector<16xi32>
      %mul3A_289 = arith.constant 128 : i32
      %mul3A_290 = vector.broadcast %mul3A_289 : i32 to vector<16xi32>
      %mul3A_291 = arith.muli %get3A_285, %mul3A_290 : vector<16xi32>
      %add3A_292 = arith.addi %mul3A_291, %get3A_288 : vector<16xi32>
      %swap3A_293 = arith.constant 112 : index
      %swap3A_294 = tpu.vector_load %arg15[%swap3A_293] {strides = array<i32>} : memref<128xi32, #tpu.memory_space<vmem>>, vector<16xi32>,
      %swap3A_295 = vector.shape_cast %swap3A_294 : vector<16xi32> to vector<16xi32>
      %swap3A_296 = vector.shape_cast %add3A_292 : vector<16xi32> to vector<16xi32>
      tpu.vector_store %arg15[%swap3A_293], %swap3A_296 {strides = array<i32>} : memref<128xi32, #tpu.memory_space<vmem>>, vector<16xi32>,
      "tpu.region"() ({
        %run_scoped3A_477 = tpu.sem_alloc : memref<!tpu.dma_semaphore, #tpu.memory_space<semaphore_mem>>
        %dma_start3A_478 = arith.constant 0 : i32
        %dma_start3A_479 = tpu.memref_slice %arg17[%dma_start3A_478] : memref<1310720xf32, #tpu.memory_space<vmem_shared>> -> memref<1310720xf32, #tpu.memory_space<vmem_shared>>
        tpu.enqueue_indirect_dma source(%arg13 : memref<128xf32, #tpu.memory_space<vmem>>) target(%dma_start3A_479 : memref<1310720xf32, #tpu.memory_space<vmem_shared>>) offsets(%arg15 : memref<128xi32, #tpu.memory_space<vmem>>) semaphore(%run_scoped3A_477 : memref<!tpu.dma_semaphore, #tpu.memory_space<semaphore_mem>>) {add = true}
        %dma_wait3A_480 = arith.constant 0 : i32
        %dma_wait3A_481 = tpu.memref_slice %arg17[%dma_wait3A_480] : memref<1310720xf32, #tpu.memory_space<vmem_shared>> -> memref<1310720xf32, #tpu.memory_space<vmem_shared>>
        tpu.wait_indirect_dma semaphore(%run_scoped3A_477 : memref<!tpu.dma_semaphore, #tpu.memory_space<semaphore_mem>>) src(%arg13 : memref<128xf32, #tpu.memory_space<vmem>>) dst(%dma_wait3A_481 : memref<1310720xf32, #tpu.memory_space<vmem_shared>>)
        tpu.yield
      }) : () -> ()
      %add3A_297 = arith.constant 1 : i32
      %add3A_298 = arith.addi %add3A_131, %add3A_297 : i32
      %mul3A_299 = arith.constant 128 : i32
      %mul3A_300 = arith.muli %add3A_298, %mul3A_299 : i32
      %dma_wait3A_301 = tpu.memref_slice %arg9[%mul3A_300] : memref<5120xi32, #tpu.memory_space<vmem>> -> memref<128xi32, #tpu.memory_space<vmem>>
      %dma_wait3A_302 = arith.constant 0 : i32
      %dma_wait3A_303 = tpu.memref_slice %arg7[%dma_wait3A_302] : memref<10240xi32, #tpu.memory_space<vmem_shared>> -> memref<10240xi32, #tpu.memory_space<vmem_shared>>
      tpu.wait_indirect_dma semaphore(%arg19 : memref<!tpu.dma_semaphore, #tpu.memory_space<semaphore_mem>>) src(%dma_wait3A_303 : memref<10240xi32, #tpu.memory_space<vmem_shared>>) dst(%arg12 : memref<128xi32, #tpu.memory_space<vmem>>)
      %add3A_304 = arith.constant 1 : i32
      %add3A_305 = arith.addi %add3A_131, %add3A_304 : i32
      %mul3A_306 = arith.constant 128 : i32
      %mul3A_307 = arith.muli %add3A_305, %mul3A_306 : i32
      %dma_wait3A_308 = tpu.memref_slice %arg9[%mul3A_307] : memref<5120xi32, #tpu.memory_space<vmem>> -> memref<128xi32, #tpu.memory_space<vmem>>
      %dma_wait3A_309 = arith.constant 0 : i32
      %dma_wait3A_310 = tpu.memref_slice %arg8[%dma_wait3A_309] : memref<10240xf32, #tpu.memory_space<vmem_shared>> -> memref<10240xf32, #tpu.memory_space<vmem_shared>>
      tpu.wait_indirect_dma semaphore(%arg19 : memref<!tpu.dma_semaphore, #tpu.memory_space<semaphore_mem>>) src(%dma_wait3A_310 : memref<10240xf32, #tpu.memory_space<vmem_shared>>) dst(%arg14 : memref<128xf32, #tpu.memory_space<vmem>>)
      %add3A_311 = arith.constant 2 : i32
      %add3A_312 = arith.addi %add3A_131, %add3A_311 : i32
      %lt3A = arith.constant 40 : i32
      %lt3A_313 = arith.cmpi slt, %add3A_312, %lt3A : i32
      %convert_element_type3A_314 = arith.extui %lt3A_313 : i1 to i32
      %cond3A_315 = arith.constant 0 : i32
      %cond3A_316 = arith.cmpi ne, %convert_element_type3A_314, %cond3A_315 : i32
      scf.if %cond3A_316 {
        %add3A_477 = arith.constant 2 : i32
        %add3A_478 = arith.addi %add3A_131, %add3A_477 : i32
        %mul3A_479 = arith.constant 128 : i32
        %mul3A_480 = arith.muli %add3A_478, %mul3A_479 : i32
        %dma_start3A_481 = tpu.memref_slice %arg9[%mul3A_480] : memref<5120xi32, #tpu.memory_space<vmem>> -> memref<128xi32, #tpu.memory_space<vmem>>
        %dma_start3A_482 = arith.constant 0 : i32
        %dma_start3A_483 = tpu.memref_slice %arg7[%dma_start3A_482] : memref<10240xi32, #tpu.memory_space<vmem_shared>> -> memref<10240xi32, #tpu.memory_space<vmem_shared>>
        tpu.enqueue_indirect_dma source(%dma_start3A_483 : memref<10240xi32, #tpu.memory_space<vmem_shared>>) target(%arg11 : memref<128xi32, #tpu.memory_space<vmem>>) offsets(%dma_start3A_481 : memref<128xi32, #tpu.memory_space<vmem>>) semaphore(%arg18 : memref<!tpu.dma_semaphore, #tpu.memory_space<semaphore_mem>>)
        %add3A_484 = arith.constant 2 : i32
        %add3A_485 = arith.addi %add3A_131, %add3A_484 : i32
        %mul3A_486 = arith.constant 128 : i32
        %mul3A_487 = arith.muli %add3A_485, %mul3A_486 : i32
        %dma_start3A_488 = tpu.memref_slice %arg9[%mul3A_487] : memref<5120xi32, #tpu.memory_space<vmem>> -> memref<128xi32, #tpu.memory_space<vmem>>
        %dma_start3A_489 = arith.constant 0 : i32
        %dma_start3A_490 = tpu.memref_slice %arg8[%dma_start3A_489] : memref<10240xf32, #tpu.memory_space<vmem_shared>> -> memref<10240xf32, #tpu.memory_space<vmem_shared>>
        tpu.enqueue_indirect_dma source(%dma_start3A_490 : memref<10240xf32, #tpu.memory_space<vmem_shared>>) target(%arg13 : memref<128xf32, #tpu.memory_space<vmem>>) offsets(%dma_start3A_488 : memref<128xi32, #tpu.memory_space<vmem>>) semaphore(%arg18 : memref<!tpu.dma_semaphore, #tpu.memory_space<semaphore_mem>>)
      } else {
      }
      %add3A_317 = arith.constant 1 : i32
      %add3A_318 = arith.addi %add3A_131, %add3A_317 : i32
      %mul3A_319 = arith.constant 128 : i32
      %mul3A_320 = arith.muli %add3A_318, %mul3A_319 : i32
      %add3A_321 = arith.constant 0 : i32
      %add3A_322 = arith.addi %mul3A_320, %add3A_321 : i32
      %get3A_323 = arith.index_cast %add3A_322 : i32 to index
      %get3A_324 = tpu.vector_load %arg10[%get3A_323] {strides = array<i32>} : memref<5120xi32, #tpu.memory_space<vmem>>, vector<16xi32>,
      %get3A_325 = vector.shape_cast %get3A_324 : vector<16xi32> to vector<16xi32>
      %get3A_326 = arith.constant 0 : index
      %get3A_327 = tpu.vector_load %arg12[%get3A_326] {strides = array<i32>} : memref<128xi32, #tpu.memory_space<vmem>>, vector<16xi32>,
      %get3A_328 = vector.shape_cast %get3A_327 : vector<16xi32> to vector<16xi32>
      %mul3A_329 = arith.constant 128 : i32
      %mul3A_330 = vector.broadcast %mul3A_329 : i32 to vector<16xi32>
      %mul3A_331 = arith.muli %get3A_325, %mul3A_330 : vector<16xi32>
      %add3A_332 = arith.addi %mul3A_331, %get3A_328 : vector<16xi32>
      %swap3A_333 = arith.constant 0 : index
      %swap3A_334 = tpu.vector_load %arg15[%swap3A_333] {strides = array<i32>} : memref<128xi32, #tpu.memory_space<vmem>>, vector<16xi32>,
      %swap3A_335 = vector.shape_cast %swap3A_334 : vector<16xi32> to vector<16xi32>
      %swap3A_336 = vector.shape_cast %add3A_332 : vector<16xi32> to vector<16xi32>
      tpu.vector_store %arg15[%swap3A_333], %swap3A_336 {strides = array<i32>} : memref<128xi32, #tpu.memory_space<vmem>>, vector<16xi32>,
      %add3A_337 = arith.constant 1 : i32
      %add3A_338 = arith.addi %add3A_131, %add3A_337 : i32
      %mul3A_339 = arith.constant 128 : i32
      %mul3A_340 = arith.muli %add3A_338, %mul3A_339 : i32
      %add3A_341 = arith.constant 16 : i32
      %add3A_342 = arith.addi %mul3A_340, %add3A_341 : i32
      %get3A_343 = arith.index_cast %add3A_342 : i32 to index
      %get3A_344 = tpu.vector_load %arg10[%get3A_343] {strides = array<i32>} : memref<5120xi32, #tpu.memory_space<vmem>>, vector<16xi32>,
      %get3A_345 = vector.shape_cast %get3A_344 : vector<16xi32> to vector<16xi32>
      %get3A_346 = arith.constant 16 : index
      %get3A_347 = tpu.vector_load %arg12[%get3A_346] {strides = array<i32>} : memref<128xi32, #tpu.memory_space<vmem>>, vector<16xi32>,
      %get3A_348 = vector.shape_cast %get3A_347 : vector<16xi32> to vector<16xi32>
      %mul3A_349 = arith.constant 128 : i32
      %mul3A_350 = vector.broadcast %mul3A_349 : i32 to vector<16xi32>
      %mul3A_351 = arith.muli %get3A_345, %mul3A_350 : vector<16xi32>
      %add3A_352 = arith.addi %mul3A_351, %get3A_348 : vector<16xi32>
      %swap3A_353 = arith.constant 16 : index
      %swap3A_354 = tpu.vector_load %arg15[%swap3A_353] {strides = array<i32>} : memref<128xi32, #tpu.memory_space<vmem>>, vector<16xi32>,
      %swap3A_355 = vector.shape_cast %swap3A_354 : vector<16xi32> to vector<16xi32>
      %swap3A_356 = vector.shape_cast %add3A_352 : vector<16xi32> to vector<16xi32>
      tpu.vector_store %arg15[%swap3A_353], %swap3A_356 {strides = array<i32>} : memref<128xi32, #tpu.memory_space<vmem>>, vector<16xi32>,
      %add3A_357 = arith.constant 1 : i32
      %add3A_358 = arith.addi %add3A_131, %add3A_357 : i32
      %mul3A_359 = arith.constant 128 : i32
      %mul3A_360 = arith.muli %add3A_358, %mul3A_359 : i32
      %add3A_361 = arith.constant 32 : i32
      %add3A_362 = arith.addi %mul3A_360, %add3A_361 : i32
      %get3A_363 = arith.index_cast %add3A_362 : i32 to index
      %get3A_364 = tpu.vector_load %arg10[%get3A_363] {strides = array<i32>} : memref<5120xi32, #tpu.memory_space<vmem>>, vector<16xi32>,
      %get3A_365 = vector.shape_cast %get3A_364 : vector<16xi32> to vector<16xi32>
      %get3A_366 = arith.constant 32 : index
      %get3A_367 = tpu.vector_load %arg12[%get3A_366] {strides = array<i32>} : memref<128xi32, #tpu.memory_space<vmem>>, vector<16xi32>,
      %get3A_368 = vector.shape_cast %get3A_367 : vector<16xi32> to vector<16xi32>
      %mul3A_369 = arith.constant 128 : i32
      %mul3A_370 = vector.broadcast %mul3A_369 : i32 to vector<16xi32>
      %mul3A_371 = arith.muli %get3A_365, %mul3A_370 : vector<16xi32>
      %add3A_372 = arith.addi %mul3A_371, %get3A_368 : vector<16xi32>
      %swap3A_373 = arith.constant 32 : index
      %swap3A_374 = tpu.vector_load %arg15[%swap3A_373] {strides = array<i32>} : memref<128xi32, #tpu.memory_space<vmem>>, vector<16xi32>,
      %swap3A_375 = vector.shape_cast %swap3A_374 : vector<16xi32> to vector<16xi32>
      %swap3A_376 = vector.shape_cast %add3A_372 : vector<16xi32> to vector<16xi32>
      tpu.vector_store %arg15[%swap3A_373], %swap3A_376 {strides = array<i32>} : memref<128xi32, #tpu.memory_space<vmem>>, vector<16xi32>,
      %add3A_377 = arith.constant 1 : i32
      %add3A_378 = arith.addi %add3A_131, %add3A_377 : i32
      %mul3A_379 = arith.constant 128 : i32
      %mul3A_380 = arith.muli %add3A_378, %mul3A_379 : i32
      %add3A_381 = arith.constant 48 : i32
      %add3A_382 = arith.addi %mul3A_380, %add3A_381 : i32
      %get3A_383 = arith.index_cast %add3A_382 : i32 to index
      %get3A_384 = tpu.vector_load %arg10[%get3A_383] {strides = array<i32>} : memref<5120xi32, #tpu.memory_space<vmem>>, vector<16xi32>,
      %get3A_385 = vector.shape_cast %get3A_384 : vector<16xi32> to vector<16xi32>
      %get3A_386 = arith.constant 48 : index
      %get3A_387 = tpu.vector_load %arg12[%get3A_386] {strides = array<i32>} : memref<128xi32, #tpu.memory_space<vmem>>, vector<16xi32>,
      %get3A_388 = vector.shape_cast %get3A_387 : vector<16xi32> to vector<16xi32>
      %mul3A_389 = arith.constant 128 : i32
      %mul3A_390 = vector.broadcast %mul3A_389 : i32 to vector<16xi32>
      %mul3A_391 = arith.muli %get3A_385, %mul3A_390 : vector<16xi32>
      %add3A_392 = arith.addi %mul3A_391, %get3A_388 : vector<16xi32>
      %swap3A_393 = arith.constant 48 : index
      %swap3A_394 = tpu.vector_load %arg15[%swap3A_393] {strides = array<i32>} : memref<128xi32, #tpu.memory_space<vmem>>, vector<16xi32>,
      %swap3A_395 = vector.shape_cast %swap3A_394 : vector<16xi32> to vector<16xi32>
      %swap3A_396 = vector.shape_cast %add3A_392 : vector<16xi32> to vector<16xi32>
      tpu.vector_store %arg15[%swap3A_393], %swap3A_396 {strides = array<i32>} : memref<128xi32, #tpu.memory_space<vmem>>, vector<16xi32>,
      %add3A_397 = arith.constant 1 : i32
      %add3A_398 = arith.addi %add3A_131, %add3A_397 : i32
      %mul3A_399 = arith.constant 128 : i32
      %mul3A_400 = arith.muli %add3A_398, %mul3A_399 : i32
      %add3A_401 = arith.constant 64 : i32
      %add3A_402 = arith.addi %mul3A_400, %add3A_401 : i32
      %get3A_403 = arith.index_cast %add3A_402 : i32 to index
      %get3A_404 = tpu.vector_load %arg10[%get3A_403] {strides = array<i32>} : memref<5120xi32, #tpu.memory_space<vmem>>, vector<16xi32>,
      %get3A_405 = vector.shape_cast %get3A_404 : vector<16xi32> to vector<16xi32>
      %get3A_406 = arith.constant 64 : index
      %get3A_407 = tpu.vector_load %arg12[%get3A_406] {strides = array<i32>} : memref<128xi32, #tpu.memory_space<vmem>>, vector<16xi32>,
      %get3A_408 = vector.shape_cast %get3A_407 : vector<16xi32> to vector<16xi32>
      %mul3A_409 = arith.constant 128 : i32
      %mul3A_410 = vector.broadcast %mul3A_409 : i32 to vector<16xi32>
      %mul3A_411 = arith.muli %get3A_405, %mul3A_410 : vector<16xi32>
      %add3A_412 = arith.addi %mul3A_411, %get3A_408 : vector<16xi32>
      %swap3A_413 = arith.constant 64 : index
      %swap3A_414 = tpu.vector_load %arg15[%swap3A_413] {strides = array<i32>} : memref<128xi32, #tpu.memory_space<vmem>>, vector<16xi32>,
      %swap3A_415 = vector.shape_cast %swap3A_414 : vector<16xi32> to vector<16xi32>
      %swap3A_416 = vector.shape_cast %add3A_412 : vector<16xi32> to vector<16xi32>
      tpu.vector_store %arg15[%swap3A_413], %swap3A_416 {strides = array<i32>} : memref<128xi32, #tpu.memory_space<vmem>>, vector<16xi32>,
      %add3A_417 = arith.constant 1 : i32
      %add3A_418 = arith.addi %add3A_131, %add3A_417 : i32
      %mul3A_419 = arith.constant 128 : i32
      %mul3A_420 = arith.muli %add3A_418, %mul3A_419 : i32
      %add3A_421 = arith.constant 80 : i32
      %add3A_422 = arith.addi %mul3A_420, %add3A_421 : i32
      %get3A_423 = arith.index_cast %add3A_422 : i32 to index
      %get3A_424 = tpu.vector_load %arg10[%get3A_423] {strides = array<i32>} : memref<5120xi32, #tpu.memory_space<vmem>>, vector<16xi32>,
      %get3A_425 = vector.shape_cast %get3A_424 : vector<16xi32> to vector<16xi32>
      %get3A_426 = arith.constant 80 : index
      %get3A_427 = tpu.vector_load %arg12[%get3A_426] {strides = array<i32>} : memref<128xi32, #tpu.memory_space<vmem>>, vector<16xi32>,
      %get3A_428 = vector.shape_cast %get3A_427 : vector<16xi32> to vector<16xi32>
      %mul3A_429 = arith.constant 128 : i32
      %mul3A_430 = vector.broadcast %mul3A_429 : i32 to vector<16xi32>
      %mul3A_431 = arith.muli %get3A_425, %mul3A_430 : vector<16xi32>
      %add3A_432 = arith.addi %mul3A_431, %get3A_428 : vector<16xi32>
      %swap3A_433 = arith.constant 80 : index
      %swap3A_434 = tpu.vector_load %arg15[%swap3A_433] {strides = array<i32>} : memref<128xi32, #tpu.memory_space<vmem>>, vector<16xi32>,
      %swap3A_435 = vector.shape_cast %swap3A_434 : vector<16xi32> to vector<16xi32>
      %swap3A_436 = vector.shape_cast %add3A_432 : vector<16xi32> to vector<16xi32>
      tpu.vector_store %arg15[%swap3A_433], %swap3A_436 {strides = array<i32>} : memref<128xi32, #tpu.memory_space<vmem>>, vector<16xi32>,
      %add3A_437 = arith.constant 1 : i32
      %add3A_438 = arith.addi %add3A_131, %add3A_437 : i32
      %mul3A_439 = arith.constant 128 : i32
      %mul3A_440 = arith.muli %add3A_438, %mul3A_439 : i32
      %add3A_441 = arith.constant 96 : i32
      %add3A_442 = arith.addi %mul3A_440, %add3A_441 : i32
      %get3A_443 = arith.index_cast %add3A_442 : i32 to index
      %get3A_444 = tpu.vector_load %arg10[%get3A_443] {strides = array<i32>} : memref<5120xi32, #tpu.memory_space<vmem>>, vector<16xi32>,
      %get3A_445 = vector.shape_cast %get3A_444 : vector<16xi32> to vector<16xi32>
      %get3A_446 = arith.constant 96 : index
      %get3A_447 = tpu.vector_load %arg12[%get3A_446] {strides = array<i32>} : memref<128xi32, #tpu.memory_space<vmem>>, vector<16xi32>,
      %get3A_448 = vector.shape_cast %get3A_447 : vector<16xi32> to vector<16xi32>
      %mul3A_449 = arith.constant 128 : i32
      %mul3A_450 = vector.broadcast %mul3A_449 : i32 to vector<16xi32>
      %mul3A_451 = arith.muli %get3A_445, %mul3A_450 : vector<16xi32>
      %add3A_452 = arith.addi %mul3A_451, %get3A_448 : vector<16xi32>
      %swap3A_453 = arith.constant 96 : index
      %swap3A_454 = tpu.vector_load %arg15[%swap3A_453] {strides = array<i32>} : memref<128xi32, #tpu.memory_space<vmem>>, vector<16xi32>,
      %swap3A_455 = vector.shape_cast %swap3A_454 : vector<16xi32> to vector<16xi32>
      %swap3A_456 = vector.shape_cast %add3A_452 : vector<16xi32> to vector<16xi32>
      tpu.vector_store %arg15[%swap3A_453], %swap3A_456 {strides = array<i32>} : memref<128xi32, #tpu.memory_space<vmem>>, vector<16xi32>,
      %add3A_457 = arith.constant 1 : i32
      %add3A_458 = arith.addi %add3A_131, %add3A_457 : i32
      %mul3A_459 = arith.constant 128 : i32
      %mul3A_460 = arith.muli %add3A_458, %mul3A_459 : i32
      %add3A_461 = arith.constant 112 : i32
      %add3A_462 = arith.addi %mul3A_460, %add3A_461 : i32
      %get3A_463 = arith.index_cast %add3A_462 : i32 to index
      %get3A_464 = tpu.vector_load %arg10[%get3A_463] {strides = array<i32>} : memref<5120xi32, #tpu.memory_space<vmem>>, vector<16xi32>,
      %get3A_465 = vector.shape_cast %get3A_464 : vector<16xi32> to vector<16xi32>
      %get3A_466 = arith.constant 112 : index
      %get3A_467 = tpu.vector_load %arg12[%get3A_466] {strides = array<i32>} : memref<128xi32, #tpu.memory_space<vmem>>, vector<16xi32>,
      %get3A_468 = vector.shape_cast %get3A_467 : vector<16xi32> to vector<16xi32>
      %mul3A_469 = arith.constant 128 : i32
      %mul3A_470 = vector.broadcast %mul3A_469 : i32 to vector<16xi32>
      %mul3A_471 = arith.muli %get3A_465, %mul3A_470 : vector<16xi32>
      %add3A_472 = arith.addi %mul3A_471, %get3A_468 : vector<16xi32>
      %swap3A_473 = arith.constant 112 : index
      %swap3A_474 = tpu.vector_load %arg15[%swap3A_473] {strides = array<i32>} : memref<128xi32, #tpu.memory_space<vmem>>, vector<16xi32>,
      %swap3A_475 = vector.shape_cast %swap3A_474 : vector<16xi32> to vector<16xi32>
      %swap3A_476 = vector.shape_cast %add3A_472 : vector<16xi32> to vector<16xi32>
      tpu.vector_store %arg15[%swap3A_473], %swap3A_476 {strides = array<i32>} : memref<128xi32, #tpu.memory_space<vmem>>, vector<16xi32>,
      "tpu.region"() ({
        %run_scoped3A_477 = tpu.sem_alloc : memref<!tpu.dma_semaphore, #tpu.memory_space<semaphore_mem>>
        %dma_start3A_478 = arith.constant 0 : i32
        %dma_start3A_479 = tpu.memref_slice %arg17[%dma_start3A_478] : memref<1310720xf32, #tpu.memory_space<vmem_shared>> -> memref<1310720xf32, #tpu.memory_space<vmem_shared>>
        tpu.enqueue_indirect_dma source(%arg14 : memref<128xf32, #tpu.memory_space<vmem>>) target(%dma_start3A_479 : memref<1310720xf32, #tpu.memory_space<vmem_shared>>) offsets(%arg15 : memref<128xi32, #tpu.memory_space<vmem>>) semaphore(%run_scoped3A_477 : memref<!tpu.dma_semaphore, #tpu.memory_space<semaphore_mem>>) {add = true}
        %dma_wait3A_480 = arith.constant 0 : i32
        %dma_wait3A_481 = tpu.memref_slice %arg17[%dma_wait3A_480] : memref<1310720xf32, #tpu.memory_space<vmem_shared>> -> memref<1310720xf32, #tpu.memory_space<vmem_shared>>
        tpu.wait_indirect_dma semaphore(%run_scoped3A_477 : memref<!tpu.dma_semaphore, #tpu.memory_space<semaphore_mem>>) src(%arg14 : memref<128xf32, #tpu.memory_space<vmem>>) dst(%dma_wait3A_481 : memref<1310720xf32, #tpu.memory_space<vmem_shared>>)
        tpu.yield
      }) : () -> ()
    }
    %scan3A_121 = arith.constant 20 : i32
    %barrier3A_122 = arith.constant 0 : index
    tpu.barrier barrier_id(%barrier3A_122)
    %mul3A_123 = arith.constant 81920 : i32
    %mul3A_124 = arith.muli %arg1, %mul3A_123 : i32
    %mul3A_125 = arith.constant 81920 : i32
    %mul3A_126 = arith.muli %arg1, %mul3A_125 : i32
    %run_scoped3A = arith.constant 0 : i32
    "tpu.region"() ({
      %run_scoped3A_127 = tpu.sem_alloc : memref<!tpu.dma_semaphore, #tpu.memory_space<semaphore_mem>>
      %dma_start3A_128 = tpu.memref_slice %arg6[%arg0, %run_scoped3A, %mul3A_126] : memref<2x1x1310720xf32, #tpu.memory_space<hbm>> -> memref<1x1x81920xf32, #tpu.memory_space<hbm>>
      %dma_start3A_129 = tpu.memref_squeeze %dma_start3A_128 : memref<1x1x81920xf32, #tpu.memory_space<hbm>> -> memref<81920xf32, #tpu.memory_space<hbm>>
      %dma_start3A_130 = tpu.memref_slice %arg17[%mul3A_124] : memref<1310720xf32, #tpu.memory_space<vmem_shared>> -> memref<81920xf32, #tpu.memory_space<vmem_shared>>
      tpu.enqueue_dma source(%dma_start3A_130 : memref<81920xf32, #tpu.memory_space<vmem_shared>>) target(%dma_start3A_129 : memref<81920xf32, #tpu.memory_space<hbm>>) target_semaphore(%run_scoped3A_127 : memref<!tpu.dma_semaphore, #tpu.memory_space<semaphore_mem>>)
      %dma_wait3A = tpu.memref_slice %arg6[%arg0, %run_scoped3A, %mul3A_126] : memref<2x1x1310720xf32, #tpu.memory_space<hbm>> -> memref<1x1x81920xf32, #tpu.memory_space<hbm>>
      %dma_wait3A_131 = tpu.memref_squeeze %dma_wait3A : memref<1x1x81920xf32, #tpu.memory_space<hbm>> -> memref<81920xf32, #tpu.memory_space<hbm>>
      %dma_wait3A_132 = tpu.memref_slice %arg17[%mul3A_124] : memref<1310720xf32, #tpu.memory_space<vmem_shared>> -> memref<81920xf32, #tpu.memory_space<vmem_shared>>
      tpu.wait_dma2 semaphore(%run_scoped3A_127 : memref<!tpu.dma_semaphore, #tpu.memory_space<semaphore_mem>>) src(%dma_wait3A_132 : memref<81920xf32, #tpu.memory_space<vmem_shared>>) dst(%dma_wait3A_131 : memref<81920xf32, #tpu.memory_space<hbm>>)
      tpu.yield
    }) : () -> ()
    return
  }
}

module attributes {stable_mosaic.version = 14 : i64} {
  func.func @_a_body(%arg0: i32, %arg1: memref<1024x2xf32, #tpu.memory_space<vmem>>, %arg2: memref<1024x1xf32, #tpu.memory_space<vmem>>) attributes {dimension_semantics = [#tpu.dimension_semantics<arbitrary>], iteration_bounds = array<i64: 10>, scalar_prefetch = 0 : i64, scratch_operands = 0 : i64, tpu.core_type = #tpu.core_type<tc>, window_params = [{transform_indices = @transform_0, window_bounds = array<i64: 1024, 2>}, {transform_indices = @transform_1, window_bounds = array<i64: 1024, 1>}]} {
    %get3A = arith.constant 0 : index
    %get3A_0 = arith.constant 0 : index
    %get3A_1 = vector.load %arg1[%get3A, %get3A_0] : memref<1024x2xf32, #tpu.memory_space<vmem>>, vector<1024x2xf32>
    %reduce_sum3A = arith.constant dense<0.000000e+00> : vector<1024xf32>
    %reduce_sum3A_2 = vector.multi_reduction <add>, %get3A_1, %reduce_sum3A [1] : vector<1024x2xf32> to vector<1024xf32>
    %broadcast_in_dim3A = vector.shape_cast %reduce_sum3A_2 : vector<1024xf32> to vector<1024x1xf32>
    %add3A = arith.constant 1.000000e+00 : f32
    %add3A_3 = vector.broadcast %add3A : f32 to vector<1024x1xf32>
    %add3A_4 = arith.addf %broadcast_in_dim3A, %add3A_3 : vector<1024x1xf32>
    %mul3A = arith.constant 1024 : i32
    %mul3A_5 = arith.muli %arg0, %mul3A : i32
    %iota3A = tpu.iota {dimensions = array<i32: 0>} : vector<1024x1xi32>
    %add3A_6 = vector.broadcast %mul3A_5 : i32 to vector<1024x1xi32>
    %add3A_7 = arith.addi %add3A_6, %iota3A : vector<1024x1xi32>
    %lt3A = arith.constant 10000 : i32
    %lt3A_8 = vector.broadcast %lt3A : i32 to vector<1024x1xi32>
    %lt3A_9 = arith.cmpi slt, %add3A_7, %lt3A_8 : vector<1024x1xi32>
    %rsqrt3A = math.rsqrt %add3A_4 : vector<1024x1xf32>
    %jit3A = arith.constant 0.000000e+00 : f32
    %broadcast_in_dim3A_10 = vector.broadcast %jit3A : f32 to vector<1024x1xf32>
    %select_n3A = arith.select %lt3A_9, %rsqrt3A, %broadcast_in_dim3A_10 : vector<1024x1xi1>, vector<1024x1xf32>
    %swap3A = arith.constant 0 : index
    %swap3A_11 = arith.constant 0 : index
    %swap3A_12 = vector.load %arg2[%swap3A, %swap3A_11] : memref<1024x1xf32, #tpu.memory_space<vmem>>, vector<1024x1xf32>
    tpu.vector_store %arg2[%swap3A, %swap3A_11], %select_n3A {strides = array<i32>} : memref<1024x1xf32, #tpu.memory_space<vmem>>, vector<1024x1xf32>,
    return
  }
  func.func @transform_0(%arg0: i32) -> (i32, i32) {
    %c0_i32 = arith.constant 0 : i32
    %c0_i32_0 = arith.constant 0 : i32
    return %arg0, %c0_i32 : i32, i32
  }
  func.func @transform_1(%arg0: i32) -> (i32, i32) {
    %c0_i32 = arith.constant 0 : i32
    %c0_i32_0 = arith.constant 0 : i32
    return %arg0, %c0_i32 : i32, i32
  }
}

module attributes {stable_mosaic.version = 14 : i64} {
  func.func @_b1_body(%arg0: i32, %arg1: memref<2x1024x128xf32, #tpu.memory_space<vmem>>, %arg2: memref<1024x1xi32, #tpu.memory_space<vmem>>, %arg3: memref<1024x1xf32, #tpu.memory_space<vmem>>, %arg4: memref<1x128xf32, #tpu.memory_space<vmem>>, %arg5: memref<128x128xf32, #tpu.memory_space<vmem>>, %arg6: memref<128x128xf32, #tpu.memory_space<vmem>>, %arg7: memref<1024x128xf32, #tpu.memory_space<vmem>>) attributes {dimension_semantics = [#tpu.dimension_semantics<arbitrary>], iteration_bounds = array<i64: 10>, scalar_prefetch = 0 : i64, scratch_operands = 0 : i64, tpu.core_type = #tpu.core_type<tc>, window_params = [{transform_indices = @transform_0, window_bounds = array<i64: 2, 1024, 128>}, {transform_indices = @transform_1, window_bounds = array<i64: 1024, 1>}, {transform_indices = @transform_2, window_bounds = array<i64: 1024, 1>}, {pipeline_mode = #tpu.pipeline_mode<synchronous>, transform_indices = @transform_3, window_bounds = array<i64: 1, 128>}, {pipeline_mode = #tpu.pipeline_mode<synchronous>, transform_indices = @transform_4, window_bounds = array<i64: 128, 128>}, {pipeline_mode = #tpu.pipeline_mode<synchronous>, transform_indices = @transform_5, window_bounds = array<i64: 128, 128>}, {transform_indices = @transform_6, window_bounds = array<i64: 1024, 128>}]} {
    %get3A = arith.constant 0 : index
    %get3A_0 = arith.constant 0 : index
    %get3A_1 = vector.load %arg3[%get3A, %get3A_0] : memref<1024x1xf32, #tpu.memory_space<vmem>>, vector<1024x1xf32>
    %get3A_2 = arith.constant 0 : index
    %get3A_3 = arith.constant 0 : index
    %get3A_4 = vector.load %arg2[%get3A_2, %get3A_3] : memref<1024x1xi32, #tpu.memory_space<vmem>>, vector<1024x1xi32>
    %iota3A = tpu.iota {dimensions = array<i32: 1>} : vector<1024x128xi32>
    %eq3A = vector.broadcast %get3A_4 : vector<1024x1xi32> to vector<1024x128xi32>
    %eq3A_5 = arith.cmpi eq, %eq3A, %iota3A : vector<1024x128xi32>
    %convert_element_type3A = arith.extui %eq3A_5 : vector<1024x128xi1> to vector<1024x128xi32>
    %convert_element_type3A_6 = arith.sitofp %convert_element_type3A : vector<1024x128xi32> to vector<1024x128xf32>
    %get3A_7 = arith.constant 0 : index
    %get3A_8 = arith.constant 0 : index
    %get3A_9 = arith.constant 0 : index
    %get3A_10 = vector.load %arg1[%get3A_7, %get3A_8, %get3A_9] : memref<2x1024x128xf32, #tpu.memory_space<vmem>>, vector<1x1024x128xf32>
    %get3A_11 = vector.shape_cast %get3A_10 : vector<1x1024x128xf32> to vector<1024x128xf32>
    %get3A_12 = arith.constant 1 : index
    %get3A_13 = arith.constant 0 : index
    %get3A_14 = arith.constant 0 : index
    %get3A_15 = vector.load %arg1[%get3A_12, %get3A_13, %get3A_14] : memref<2x1024x128xf32, #tpu.memory_space<vmem>>, vector<1x1024x128xf32>
    %get3A_16 = vector.shape_cast %get3A_15 : vector<1x1024x128xf32> to vector<1024x128xf32>
    %add3A = arith.addf %get3A_11, %get3A_16 : vector<1024x128xf32>
    %mul3A = vector.broadcast %get3A_1 : vector<1024x1xf32> to vector<1024x128xf32>
    %mul3A_17 = arith.mulf %convert_element_type3A_6, %mul3A : vector<1024x128xf32>
    %add3A_18 = arith.addf %add3A, %mul3A_17 : vector<1024x128xf32>
    %get3A_19 = arith.constant 0 : index
    %get3A_20 = arith.constant 0 : index
    %get3A_21 = vector.load %arg5[%get3A_19, %get3A_20] : memref<128x128xf32, #tpu.memory_space<vmem>>, vector<128x128xf32>
    %dot_general3A = arith.constant dense<0.000000e+00> : vector<1024x128xf32>
    %dot_general3A_22 = tpu.matmul %add3A_18, %get3A_21, %dot_general3A {dimension_numbers = #tpu.dot_dimension_numbers<[1], [0], [0], [1], [0, 0, 1, 1], [], []>, transpose_lhs_hint = false} : vector<1024x128xf32>, vector<128x128xf32>, vector<1024x128xf32> -> vector<1024x128xf32>
    %mul3A_23 = vector.broadcast %get3A_1 : vector<1024x1xf32> to vector<1024x128xf32>
    %mul3A_24 = arith.mulf %mul3A_23, %dot_general3A_22 : vector<1024x128xf32>
    %get3A_25 = arith.constant 0 : index
    %get3A_26 = arith.constant 0 : index
    %get3A_27 = vector.load %arg4[%get3A_25, %get3A_26] : memref<1x128xf32, #tpu.memory_space<vmem>>, vector<1x128xf32>
    %add3A_28 = vector.broadcast %get3A_27 : vector<1x128xf32> to vector<1024x128xf32>
    %add3A_29 = arith.addf %mul3A_24, %add3A_28 : vector<1024x128xf32>
    %max3A = arith.constant 0.000000e+00 : f32
    %max3A_30 = vector.broadcast %max3A : f32 to vector<1024x128xf32>
    %max3A_31 = arith.maximumf %add3A_29, %max3A_30 : vector<1024x128xf32>
    %get3A_32 = arith.constant 0 : index
    %get3A_33 = arith.constant 0 : index
    %get3A_34 = vector.load %arg6[%get3A_32, %get3A_33] : memref<128x128xf32, #tpu.memory_space<vmem>>, vector<128x128xf32>
    %dot_general3A_35 = arith.constant dense<0.000000e+00> : vector<1024x128xf32>
    %dot_general3A_36 = tpu.matmul %max3A_31, %get3A_34, %dot_general3A_35 {dimension_numbers = #tpu.dot_dimension_numbers<[1], [0], [0], [1], [0, 0, 1, 1], [], []>, transpose_lhs_hint = false} : vector<1024x128xf32>, vector<128x128xf32>, vector<1024x128xf32> -> vector<1024x128xf32>
    %mul3A_37 = vector.broadcast %get3A_1 : vector<1024x1xf32> to vector<1024x128xf32>
    %mul3A_38 = arith.mulf %dot_general3A_36, %mul3A_37 : vector<1024x128xf32>
    %swap3A = arith.constant 0 : index
    %swap3A_39 = arith.constant 0 : index
    %swap3A_40 = vector.load %arg7[%swap3A, %swap3A_39] : memref<1024x128xf32, #tpu.memory_space<vmem>>, vector<1024x128xf32>
    tpu.vector_store %arg7[%swap3A, %swap3A_39], %mul3A_38 {strides = array<i32>} : memref<1024x128xf32, #tpu.memory_space<vmem>>, vector<1024x128xf32>,
    return
  }
  func.func @transform_0(%arg0: i32) -> (i32, i32, i32) {
    %c0_i32 = arith.constant 0 : i32
    %c0_i32_0 = arith.constant 0 : i32
    %c0_i32_1 = arith.constant 0 : i32
    return %c0_i32, %arg0, %c0_i32_0 : i32, i32, i32
  }
  func.func @transform_1(%arg0: i32) -> (i32, i32) {
    %c0_i32 = arith.constant 0 : i32
    %c0_i32_0 = arith.constant 0 : i32
    return %arg0, %c0_i32 : i32, i32
  }
  func.func @transform_2(%arg0: i32) -> (i32, i32) {
    %c0_i32 = arith.constant 0 : i32
    %c0_i32_0 = arith.constant 0 : i32
    return %arg0, %c0_i32 : i32, i32
  }
  func.func @transform_3(%arg0: i32) -> (i32, i32) {
    %c0_i32 = arith.constant 0 : i32
    %c0_i32_0 = arith.constant 0 : i32
    %c0_i32_1 = arith.constant 0 : i32
    return %c0_i32, %c0_i32_0 : i32, i32
  }
  func.func @transform_4(%arg0: i32) -> (i32, i32) {
    %c0_i32 = arith.constant 0 : i32
    %c0_i32_0 = arith.constant 0 : i32
    %c0_i32_1 = arith.constant 0 : i32
    return %c0_i32, %c0_i32_0 : i32, i32
  }
  func.func @transform_5(%arg0: i32) -> (i32, i32) {
    %c0_i32 = arith.constant 0 : i32
    %c0_i32_0 = arith.constant 0 : i32
    %c0_i32_1 = arith.constant 0 : i32
    return %c0_i32, %c0_i32_0 : i32, i32
  }
  func.func @transform_6(%arg0: i32) -> (i32, i32) {
    %c0_i32 = arith.constant 0 : i32
    %c0_i32_0 = arith.constant 0 : i32
    return %arg0, %c0_i32 : i32, i32
  }
}

module attributes {stable_mosaic.version = 14 : i64} {
  func.func @_bc_body(%arg0: i32, %arg1: memref<2x1024x128xf32, #tpu.memory_space<vmem>>, %arg2: memref<1024x128xf32, #tpu.memory_space<vmem>>, %arg3: memref<1024x1xf32, #tpu.memory_space<vmem>>, %arg4: memref<1x128xf32, #tpu.memory_space<vmem>>, %arg5: memref<128x1xf32, #tpu.memory_space<vmem>>, %arg6: memref<1024x1xi32, #tpu.memory_space<vmem>>, %arg7: memref<1x10240xi32, #tpu.memory_space<vmem>>, %arg8: memref<64x128xf32, #tpu.memory_space<vmem>>, %arg9: memref<1x10240xf32, #tpu.memory_space<vmem>>, %arg10: memref<10240x128xf32, #tpu.memory_space<vmem>>) attributes {dimension_semantics = [#tpu.dimension_semantics<arbitrary>], iteration_bounds = array<i64: 20>, scalar_prefetch = 0 : i64, scratch_operands = 2 : i64, tpu.core_type = #tpu.core_type<tc>, window_params = [{transform_indices = @transform_0, window_bounds = array<i64: 2, 1024, 128>}, {transform_indices = @transform_1, window_bounds = array<i64: 1024, 128>}, {transform_indices = @transform_2, window_bounds = array<i64: 1024, 1>}, {pipeline_mode = #tpu.pipeline_mode<synchronous>, transform_indices = @transform_3, window_bounds = array<i64: 1, 128>}, {pipeline_mode = #tpu.pipeline_mode<synchronous>, transform_indices = @transform_4, window_bounds = array<i64: 128, 1>}, {transform_indices = @transform_5, window_bounds = array<i64: 1024, 1>}, {pipeline_mode = #tpu.pipeline_mode<synchronous>, transform_indices = @transform_6, window_bounds = array<i64: 1, 10240>}, {pipeline_mode = #tpu.pipeline_mode<synchronous>, transform_indices = @transform_7, window_bounds = array<i64: 64, 128>}]} {
    %lt3A = arith.constant 10 : i32
    %lt3A_0 = arith.cmpi slt, %arg0, %lt3A : i32
    %convert_element_type3A = arith.extui %lt3A_0 : i1 to i32
    %cond3A = arith.constant 0 : i32
    %cond3A_1 = arith.cmpi ne, %convert_element_type3A, %cond3A : i32
    scf.if %cond3A_1 {
      %get3A = arith.constant 0 : index
      %get3A_6 = arith.constant 0 : index
      %get3A_7 = arith.constant 0 : index
      %get3A_8 = vector.load %arg1[%get3A, %get3A_6, %get3A_7] : memref<2x1024x128xf32, #tpu.memory_space<vmem>>, vector<1x1024x128xf32>
      %get3A_9 = vector.shape_cast %get3A_8 : vector<1x1024x128xf32> to vector<1024x128xf32>
      %get3A_10 = arith.constant 1 : index
      %get3A_11 = arith.constant 0 : index
      %get3A_12 = arith.constant 0 : index
      %get3A_13 = vector.load %arg1[%get3A_10, %get3A_11, %get3A_12] : memref<2x1024x128xf32, #tpu.memory_space<vmem>>, vector<1x1024x128xf32>
      %get3A_14 = vector.shape_cast %get3A_13 : vector<1x1024x128xf32> to vector<1024x128xf32>
      %add3A = arith.addf %get3A_9, %get3A_14 : vector<1024x128xf32>
      %get3A_15 = arith.constant 0 : index
      %get3A_16 = arith.constant 0 : index
      %get3A_17 = vector.load %arg3[%get3A_15, %get3A_16] : memref<1024x1xf32, #tpu.memory_space<vmem>>, vector<1024x1xf32>
      %get3A_18 = arith.constant 0 : index
      %get3A_19 = arith.constant 0 : index
      %get3A_20 = vector.load %arg2[%get3A_18, %get3A_19] : memref<1024x128xf32, #tpu.memory_space<vmem>>, vector<1024x128xf32>
      %add3A_21 = arith.addf %add3A, %get3A_20 : vector<1024x128xf32>
      %mul3A = vector.broadcast %get3A_17 : vector<1024x1xf32> to vector<1024x128xf32>
      %mul3A_22 = arith.mulf %mul3A, %add3A_21 : vector<1024x128xf32>
      %get3A_23 = arith.constant 0 : index
      %get3A_24 = arith.constant 0 : index
      %get3A_25 = vector.load %arg4[%get3A_23, %get3A_24] : memref<1x128xf32, #tpu.memory_space<vmem>>, vector<1x128xf32>
      %add3A_26 = vector.broadcast %get3A_25 : vector<1x128xf32> to vector<1024x128xf32>
      %add3A_27 = arith.addf %mul3A_22, %add3A_26 : vector<1024x128xf32>
      %max3A = arith.constant 0.000000e+00 : f32
      %max3A_28 = vector.broadcast %max3A : f32 to vector<1024x128xf32>
      %max3A_29 = arith.maximumf %add3A_27, %max3A_28 : vector<1024x128xf32>
      %get3A_30 = arith.constant 0 : index
      %get3A_31 = arith.constant 0 : index
      %get3A_32 = vector.load %arg5[%get3A_30, %get3A_31] : memref<128x1xf32, #tpu.memory_space<vmem>>, vector<128x1xf32>
      %dot_general3A = arith.constant dense<0.000000e+00> : vector<1024x1xf32>
      %dot_general3A_33 = tpu.matmul %max3A_29, %get3A_32, %dot_general3A {dimension_numbers = #tpu.dot_dimension_numbers<[1], [0], [0], [1], [0, 0, 1, 1], [], []>, transpose_lhs_hint = false} : vector<1024x128xf32>, vector<128x1xf32>, vector<1024x1xf32> -> vector<1024x1xf32>
      %mul3A_34 = arith.mulf %get3A_32, %get3A_32 : vector<128x1xf32>
      %reduce_sum3A = vector.shape_cast %mul3A_34 : vector<128x1xf32> to vector<1x128x1xf32>
      %reduce_sum3A_35 = arith.constant dense<0.000000e+00> : vector<1xf32>
      %reduce_sum3A_36 = vector.multi_reduction <add>, %reduce_sum3A, %reduce_sum3A_35 [1, 2] : vector<1x128x1xf32> to vector<1xf32>
      %reduce_sum3A_37 = vector.shape_cast %reduce_sum3A_36 : vector<1xf32> to vector<1x1x1xf32>
      %reduce_sum3A_38 = vector.extract %reduce_sum3A_37[0, 0, 0] : f32 from vector<1x1x1xf32>
      %rsqrt3A = math.rsqrt %reduce_sum3A_38 : f32
      %mul3A_39 = vector.broadcast %rsqrt3A : f32 to vector<1024x1xf32>
      %mul3A_40 = arith.mulf %dot_general3A_33, %mul3A_39 : vector<1024x1xf32>
      %transpose3A = tpu.transpose %mul3A_40, [1, 0] : vector<1024x1xf32> -> vector<1x1024xf32>
      %mul3A_41 = arith.constant 1024 : i32
      %mul3A_42 = arith.muli %arg0, %mul3A_41 : i32
      %swap3A = arith.constant 0 : index
      %swap3A_43 = arith.index_cast %mul3A_42 : i32 to index
      %swap3A_44 = vector.load %arg9[%swap3A, %swap3A_43] : memref<1x10240xf32, #tpu.memory_space<vmem>>, vector<1x1024xf32>
      tpu.vector_store %arg9[%swap3A, %swap3A_43], %transpose3A {strides = array<i32>} : memref<1x10240xf32, #tpu.memory_space<vmem>>, vector<1x1024xf32>,
      %tanh3A = math.tanh %mul3A_40 : vector<1024x1xf32>
      %mul3A_45 = vector.broadcast %tanh3A : vector<1024x1xf32> to vector<1024x128xf32>
      %mul3A_46 = arith.mulf %max3A_29, %mul3A_45 : vector<1024x128xf32>
      %mul3A_47 = arith.constant 1024 : i32
      %mul3A_48 = arith.muli %arg0, %mul3A_47 : i32
      %swap3A_49 = arith.index_cast %mul3A_48 : i32 to index
      %swap3A_50 = arith.constant 0 : index
      %swap3A_51 = vector.load %arg10[%swap3A_49, %swap3A_50] : memref<10240x128xf32, #tpu.memory_space<vmem>>, vector<1024x128xf32>
      tpu.vector_store %arg10[%swap3A_49, %swap3A_50], %mul3A_46 {strides = array<i32>} : memref<10240x128xf32, #tpu.memory_space<vmem>>, vector<1024x128xf32>,
    } else {
    }
    %ge3A = arith.constant 10 : i32
    %ge3A_2 = arith.cmpi sge, %arg0, %ge3A : i32
    %convert_element_type3A_3 = arith.extui %ge3A_2 : i1 to i32
    %cond3A_4 = arith.constant 0 : i32
    %cond3A_5 = arith.cmpi ne, %convert_element_type3A_3, %cond3A_4 : i32
    scf.if %cond3A_5 {
      %sub3A = arith.constant 10 : i32
      %sub3A_6 = arith.subi %arg0, %sub3A : i32
      %mul3A = arith.constant 1024 : i32
      %mul3A_7 = arith.muli %sub3A_6, %mul3A : i32
      %get3A = arith.constant 0 : index
      %get3A_8 = arith.index_cast %mul3A_7 : i32 to index
      %get3A_9 = vector.load %arg9[%get3A, %get3A_8] : memref<1x10240xf32, #tpu.memory_space<vmem>>, vector<1x1024xf32>
      %transpose3A = tpu.transpose %get3A_9, [1, 0] : vector<1x1024xf32> -> vector<1024x1xf32>
      %get3A_10 = arith.constant 0 : index
      %get3A_11 = arith.constant 0 : index
      %get3A_12 = vector.load %arg6[%get3A_10, %get3A_11] : memref<1024x1xi32, #tpu.memory_space<vmem>>, vector<1024x1xi32>
      %get3A_13 = arith.constant 0 : index
      %get3A_14 = arith.constant 0 : index
      %get3A_15 = vector.load %arg7[%get3A_13, %get3A_14] : memref<1x10240xi32, #tpu.memory_space<vmem>>, vector<1x10240xi32>
      %mul3A_16 = arith.constant 1024 : i32
      %mul3A_17 = arith.muli %sub3A_6, %mul3A_16 : i32
      %get3A_18 = arith.index_cast %mul3A_17 : i32 to index
      %get3A_19 = arith.constant 0 : index
      %get3A_20 = vector.load %arg10[%get3A_18, %get3A_19] : memref<10240x128xf32, #tpu.memory_space<vmem>>, vector<1024x128xf32>
      %iota3A = tpu.iota {dimensions = array<i32: 0>} : vector<64x10240xi32>
      %broadcast_in_dim3A = vector.shape_cast %get3A_15 : vector<1x10240xi32> to vector<1x10240xi32>
      %broadcast_in_dim3A_21 = vector.broadcast %broadcast_in_dim3A : vector<1x10240xi32> to vector<64x10240xi32>
      %eq3A = arith.cmpi eq, %broadcast_in_dim3A_21, %iota3A : vector<64x10240xi32>
      %convert_element_type3A_22 = arith.extui %eq3A : vector<64x10240xi1> to vector<64x10240xi32>
      %convert_element_type3A_23 = arith.sitofp %convert_element_type3A_22 : vector<64x10240xi32> to vector<64x10240xf32>
      %reduce_sum3A = arith.constant dense<0.000000e+00> : vector<64xf32>
      %reduce_sum3A_24 = vector.multi_reduction <add>, %convert_element_type3A_23, %reduce_sum3A [1] : vector<64x10240xf32> to vector<64xf32>
      %broadcast_in_dim3A_25 = vector.shape_cast %reduce_sum3A_24 : vector<64xf32> to vector<64x1xf32>
      %mul3A_26 = arith.constant 5.000000e-01 : f32
      %mul3A_27 = vector.broadcast %mul3A_26 : f32 to vector<64x1xf32>
      %mul3A_28 = arith.mulf %mul3A_27, %broadcast_in_dim3A_25 : vector<64x1xf32>
      %ceil3A = math.ceil %mul3A_28 : vector<64x1xf32>
      %slice3A = vector.extract_strided_slice %get3A_12 {offsets = [0, 0], sizes = [1, 1], strides = [1, 1]} : vector<1024x1xi32> to vector<1x1xi32>
      %squeeze3A = vector.extract %slice3A[0, 0] : i32 from vector<1x1xi32>
      %slice3A_29 = vector.extract_strided_slice %get3A_12 {offsets = [1023, 0], sizes = [1, 1], strides = [1, 1]} : vector<1024x1xi32> to vector<1x1xi32>
      %squeeze3A_30 = vector.extract %slice3A_29[0, 0] : i32 from vector<1x1xi32>
      %lt3A_31 = vector.broadcast %squeeze3A : i32 to vector<1x10240xi32>
      %lt3A_32 = arith.cmpi slt, %get3A_15, %lt3A_31 : vector<1x10240xi32>
      %convert_element_type3A_33 = arith.extui %lt3A_32 : vector<1x10240xi1> to vector<1x10240xi32>
      %reduce_sum3A_34 = vector.shape_cast %convert_element_type3A_33 : vector<1x10240xi32> to vector<1x1x10240xi32>
      %reduce_sum3A_35 = arith.constant dense<0> : vector<1xi32>
      %reduce_sum3A_36 = vector.multi_reduction <add>, %reduce_sum3A_34, %reduce_sum3A_35 [1, 2] : vector<1x1x10240xi32> to vector<1xi32>
      %reduce_sum3A_37 = vector.shape_cast %reduce_sum3A_36 : vector<1xi32> to vector<1x1x1xi32>
      %reduce_sum3A_38 = vector.extract %reduce_sum3A_37[0, 0, 0] : i32 from vector<1x1x1xi32>
      %le3A = vector.broadcast %squeeze3A_30 : i32 to vector<1x10240xi32>
      %le3A_39 = arith.cmpi sle, %get3A_15, %le3A : vector<1x10240xi32>
      %convert_element_type3A_40 = arith.extui %le3A_39 : vector<1x10240xi1> to vector<1x10240xi32>
      %reduce_sum3A_41 = vector.shape_cast %convert_element_type3A_40 : vector<1x10240xi32> to vector<1x1x10240xi32>
      %reduce_sum3A_42 = arith.constant dense<0> : vector<1xi32>
      %reduce_sum3A_43 = vector.multi_reduction <add>, %reduce_sum3A_41, %reduce_sum3A_42 [1, 2] : vector<1x1x10240xi32> to vector<1xi32>
      %reduce_sum3A_44 = vector.shape_cast %reduce_sum3A_43 : vector<1xi32> to vector<1x1x1xi32>
      %reduce_sum3A_45 = vector.extract %reduce_sum3A_44[0, 0, 0] : i32 from vector<1x1x1xi32>
      %jit3A = arith.constant 512 : i32
      %div3A = arith.divsi %reduce_sum3A_38, %jit3A : i32
      %sign3A = arith.constant 0 : i32
      %sign3A_46 = arith.cmpi sgt, %reduce_sum3A_38, %sign3A : i32
      %sign3A_47 = arith.extui %sign3A_46 : i1 to i32
      %sign3A_48 = arith.constant 0 : i32
      %sign3A_49 = arith.cmpi slt, %reduce_sum3A_38, %sign3A_48 : i32
      %sign3A_50 = arith.extui %sign3A_49 : i1 to i32
      %sign3A_51 = arith.subi %sign3A_47, %sign3A_50 : i32
      %sign3A_52 = arith.constant 0 : i32
      %sign3A_53 = arith.cmpi sgt, %jit3A, %sign3A_52 : i32
      %sign3A_54 = arith.extui %sign3A_53 : i1 to i32
      %sign3A_55 = arith.constant 0 : i32
      %sign3A_56 = arith.cmpi slt, %jit3A, %sign3A_55 : i32
      %sign3A_57 = arith.extui %sign3A_56 : i1 to i32
      %sign3A_58 = arith.subi %sign3A_54, %sign3A_57 : i32
      %ne3A = arith.cmpi ne, %sign3A_51, %sign3A_58 : i32
      %rem3A = arith.remsi %reduce_sum3A_38, %jit3A : i32
      %ne3A_59 = arith.constant 0 : i32
      %ne3A_60 = arith.cmpi ne, %rem3A, %ne3A_59 : i32
      %and3A = arith.andi %ne3A, %ne3A_60 : i1
      %sub3A_61 = arith.constant 1 : i32
      %sub3A_62 = arith.subi %div3A, %sub3A_61 : i32
      %select_n3A = arith.select %and3A, %sub3A_62, %div3A : i32
      %add3A = arith.constant 512 : i32
      %add3A_63 = arith.addi %reduce_sum3A_45, %add3A : i32
      %sub3A_64 = arith.constant 1 : i32
      %sub3A_65 = arith.subi %add3A_63, %sub3A_64 : i32
      %jit3A_66 = arith.constant 512 : i32
      %div3A_67 = arith.divsi %sub3A_65, %jit3A_66 : i32
      %sign3A_68 = arith.constant 0 : i32
      %sign3A_69 = arith.cmpi sgt, %sub3A_65, %sign3A_68 : i32
      %sign3A_70 = arith.extui %sign3A_69 : i1 to i32
      %sign3A_71 = arith.constant 0 : i32
      %sign3A_72 = arith.cmpi slt, %sub3A_65, %sign3A_71 : i32
      %sign3A_73 = arith.extui %sign3A_72 : i1 to i32
      %sign3A_74 = arith.subi %sign3A_70, %sign3A_73 : i32
      %sign3A_75 = arith.constant 0 : i32
      %sign3A_76 = arith.cmpi sgt, %jit3A_66, %sign3A_75 : i32
      %sign3A_77 = arith.extui %sign3A_76 : i1 to i32
      %sign3A_78 = arith.constant 0 : i32
      %sign3A_79 = arith.cmpi slt, %jit3A_66, %sign3A_78 : i32
      %sign3A_80 = arith.extui %sign3A_79 : i1 to i32
      %sign3A_81 = arith.subi %sign3A_77, %sign3A_80 : i32
      %ne3A_82 = arith.cmpi ne, %sign3A_74, %sign3A_81 : i32
      %rem3A_83 = arith.remsi %sub3A_65, %jit3A_66 : i32
      %ne3A_84 = arith.constant 0 : i32
      %ne3A_85 = arith.cmpi ne, %rem3A_83, %ne3A_84 : i32
      %and3A_86 = arith.andi %ne3A_82, %ne3A_85 : i1
      %sub3A_87 = arith.constant 1 : i32
      %sub3A_88 = arith.subi %div3A_67, %sub3A_87 : i32
      %select_n3A_89 = arith.select %and3A_86, %sub3A_88, %div3A_67 : i32
      %mul3A_90 = arith.constant 1024 : i32
      %mul3A_91 = arith.muli %sub3A_6, %mul3A_90 : i32
      %iota3A_92 = tpu.iota {dimensions = array<i32: 0>} : vector<1024x1xi32>
      %add3A_93 = vector.broadcast %mul3A_91 : i32 to vector<1024x1xi32>
      %add3A_94 = arith.addi %add3A_93, %iota3A_92 : vector<1024x1xi32>
      %broadcast_in_dim3A_95 = arith.constant 0.000000e+00 : f32
      %broadcast_in_dim3A_96 = vector.broadcast %broadcast_in_dim3A_95 : f32 to vector<1024x1xf32>
      %while3A = arith.subi %select_n3A_89, %select_n3A : i32
      %while3A_97 = arith.addi %select_n3A, %while3A : i32
      %while3A_98 = arith.constant 1 : i32
      %while3A_99 = arith.divsi %while3A, %while3A_98 : i32
      %while3A_100 = arith.muli %while3A_99, %while3A_98 : i32
      %while3A_101 = arith.addi %select_n3A, %while3A_100 : i32
      %while3A_102 = arith.constant 1 : i32
      %while3A_103 = scf.for %while3A_133 = %select_n3A to %while3A_101 step %while3A_102 iter_args(%while3A_134 = %broadcast_in_dim3A_96) -> (vector<1024x1xf32>)  : i32 {
        %mul3A_135 = arith.constant 512 : i32
        %mul3A_136 = arith.muli %while3A_133, %mul3A_135 : i32
        %get3A_137 = arith.constant 0 : index
        %get3A_138 = arith.index_cast %mul3A_136 : i32 to index
        %get3A_139 = vector.load %arg9[%get3A_137, %get3A_138] : memref<1x10240xf32, #tpu.memory_space<vmem>>, vector<1x512xf32>
        %get3A_140 = arith.constant 0 : index
        %get3A_141 = arith.index_cast %mul3A_136 : i32 to index
        %get3A_142 = vector.load %arg7[%get3A_140, %get3A_141] : memref<1x10240xi32, #tpu.memory_space<vmem>>, vector<1x512xi32>
        %iota3A_143 = tpu.iota {dimensions = array<i32: 1>} : vector<1x512xi32>
        %add3A_144 = vector.broadcast %mul3A_136 : i32 to vector<1x512xi32>
        %add3A_145 = arith.addi %add3A_144, %iota3A_143 : vector<1x512xi32>
        %gt3A_146 = vector.broadcast %get3A_139 : vector<1x512xf32> to vector<1024x512xf32>
        %gt3A_147 = vector.broadcast %transpose3A : vector<1024x1xf32> to vector<1024x512xf32>
        %gt3A_148 = arith.cmpf ogt, %gt3A_146, %gt3A_147 : vector<1024x512xf32>
        %eq3A_149 = vector.broadcast %get3A_139 : vector<1x512xf32> to vector<1024x512xf32>
        %eq3A_150 = vector.broadcast %transpose3A : vector<1024x1xf32> to vector<1024x512xf32>
        %eq3A_151 = arith.cmpf oeq, %eq3A_149, %eq3A_150 : vector<1024x512xf32>
        %lt3A_152 = vector.broadcast %add3A_145 : vector<1x512xi32> to vector<1024x512xi32>
        %lt3A_153 = vector.broadcast %add3A_94 : vector<1024x1xi32> to vector<1024x512xi32>
        %lt3A_154 = arith.cmpi slt, %lt3A_152, %lt3A_153 : vector<1024x512xi32>
        %and3A_155 = arith.andi %eq3A_151, %lt3A_154 : vector<1024x512xi1>
        %or3A = arith.ori %gt3A_148, %and3A_155 : vector<1024x512xi1>
        %eq3A_156 = vector.broadcast %get3A_142 : vector<1x512xi32> to vector<1024x512xi32>
        %eq3A_157 = vector.broadcast %get3A_12 : vector<1024x1xi32> to vector<1024x512xi32>
        %eq3A_158 = arith.cmpi eq, %eq3A_156, %eq3A_157 : vector<1024x512xi32>
        %and3A_159 = arith.andi %or3A, %eq3A_158 : vector<1024x512xi1>
        %convert_element_type3A_160 = arith.extui %and3A_159 : vector<1024x512xi1> to vector<1024x512xi32>
        %convert_element_type3A_161 = arith.sitofp %convert_element_type3A_160 : vector<1024x512xi32> to vector<1024x512xf32>
        %reduce_sum3A_162 = arith.constant dense<0.000000e+00> : vector<1024xf32>
        %reduce_sum3A_163 = vector.multi_reduction <add>, %convert_element_type3A_161, %reduce_sum3A_162 [1] : vector<1024x512xf32> to vector<1024xf32>
        %broadcast_in_dim3A_164 = vector.shape_cast %reduce_sum3A_163 : vector<1024xf32> to vector<1024x1xf32>
        %add3A_165 = arith.addf %while3A_134, %broadcast_in_dim3A_164 : vector<1024x1xf32>
        scf.yield %add3A_165 : vector<1024x1xf32>
      }
      %while3A_104 = arith.constant 1 : i32
      %while3A_105 = scf.for %while3A_133 = %while3A_101 to %while3A_97 step %while3A_104 iter_args(%while3A_134 = %while3A_103) -> (vector<1024x1xf32>)  : i32 {
        %mul3A_135 = arith.constant 512 : i32
        %mul3A_136 = arith.muli %while3A_133, %mul3A_135 : i32
        %get3A_137 = arith.constant 0 : index
        %get3A_138 = arith.index_cast %mul3A_136 : i32 to index
        %get3A_139 = vector.load %arg9[%get3A_137, %get3A_138] : memref<1x10240xf32, #tpu.memory_space<vmem>>, vector<1x512xf32>
        %get3A_140 = arith.constant 0 : index
        %get3A_141 = arith.index_cast %mul3A_136 : i32 to index
        %get3A_142 = vector.load %arg7[%get3A_140, %get3A_141] : memref<1x10240xi32, #tpu.memory_space<vmem>>, vector<1x512xi32>
        %iota3A_143 = tpu.iota {dimensions = array<i32: 1>} : vector<1x512xi32>
        %add3A_144 = vector.broadcast %mul3A_136 : i32 to vector<1x512xi32>
        %add3A_145 = arith.addi %add3A_144, %iota3A_143 : vector<1x512xi32>
        %gt3A_146 = vector.broadcast %get3A_139 : vector<1x512xf32> to vector<1024x512xf32>
        %gt3A_147 = vector.broadcast %transpose3A : vector<1024x1xf32> to vector<1024x512xf32>
        %gt3A_148 = arith.cmpf ogt, %gt3A_146, %gt3A_147 : vector<1024x512xf32>
        %eq3A_149 = vector.broadcast %get3A_139 : vector<1x512xf32> to vector<1024x512xf32>
        %eq3A_150 = vector.broadcast %transpose3A : vector<1024x1xf32> to vector<1024x512xf32>
        %eq3A_151 = arith.cmpf oeq, %eq3A_149, %eq3A_150 : vector<1024x512xf32>
        %lt3A_152 = vector.broadcast %add3A_145 : vector<1x512xi32> to vector<1024x512xi32>
        %lt3A_153 = vector.broadcast %add3A_94 : vector<1024x1xi32> to vector<1024x512xi32>
        %lt3A_154 = arith.cmpi slt, %lt3A_152, %lt3A_153 : vector<1024x512xi32>
        %and3A_155 = arith.andi %eq3A_151, %lt3A_154 : vector<1024x512xi1>
        %or3A = arith.ori %gt3A_148, %and3A_155 : vector<1024x512xi1>
        %eq3A_156 = vector.broadcast %get3A_142 : vector<1x512xi32> to vector<1024x512xi32>
        %eq3A_157 = vector.broadcast %get3A_12 : vector<1024x1xi32> to vector<1024x512xi32>
        %eq3A_158 = arith.cmpi eq, %eq3A_156, %eq3A_157 : vector<1024x512xi32>
        %and3A_159 = arith.andi %or3A, %eq3A_158 : vector<1024x512xi1>
        %convert_element_type3A_160 = arith.extui %and3A_159 : vector<1024x512xi1> to vector<1024x512xi32>
        %convert_element_type3A_161 = arith.sitofp %convert_element_type3A_160 : vector<1024x512xi32> to vector<1024x512xf32>
        %reduce_sum3A_162 = arith.constant dense<0.000000e+00> : vector<1024xf32>
        %reduce_sum3A_163 = vector.multi_reduction <add>, %convert_element_type3A_161, %reduce_sum3A_162 [1] : vector<1024x512xf32> to vector<1024xf32>
        %broadcast_in_dim3A_164 = vector.shape_cast %reduce_sum3A_163 : vector<1024xf32> to vector<1024x1xf32>
        %add3A_165 = arith.addf %while3A_134, %broadcast_in_dim3A_164 : vector<1024x1xf32>
        scf.yield %add3A_165 : vector<1024x1xf32>
      }
      %iota3A_106 = tpu.iota {dimensions = array<i32: 1>} : vector<1024x64xi32>
      %eq3A_107 = vector.broadcast %get3A_12 : vector<1024x1xi32> to vector<1024x64xi32>
      %eq3A_108 = arith.cmpi eq, %eq3A_107, %iota3A_106 : vector<1024x64xi32>
      %convert_element_type3A_109 = arith.extui %eq3A_108 : vector<1024x64xi1> to vector<1024x64xi32>
      %convert_element_type3A_110 = arith.sitofp %convert_element_type3A_109 : vector<1024x64xi32> to vector<1024x64xf32>
      %dot_general3A = arith.constant dense<0.000000e+00> : vector<1024x1xf32>
      %dot_general3A_111 = tpu.matmul %convert_element_type3A_110, %ceil3A, %dot_general3A {dimension_numbers = #tpu.dot_dimension_numbers<[1], [0], [0], [1], [0, 0, 1, 1], [], []>, transpose_lhs_hint = false} : vector<1024x64xf32>, vector<64x1xf32>, vector<1024x1xf32> -> vector<1024x1xf32>
      %lt3A_112 = arith.cmpf olt, %while3A_105, %dot_general3A_111 : vector<1024x1xf32>
      %convert_element_type3A_113 = arith.extui %lt3A_112 : vector<1024x1xi1> to vector<1024x1xi32>
      %convert_element_type3A_114 = arith.sitofp %convert_element_type3A_113 : vector<1024x1xi32> to vector<1024x1xf32>
      %mul3A_115 = vector.broadcast %convert_element_type3A_114 : vector<1024x1xf32> to vector<1024x128xf32>
      %mul3A_116 = arith.mulf %get3A_20, %mul3A_115 : vector<1024x128xf32>
      %dot_general3A_117 = arith.constant dense<0.000000e+00> : vector<64x128xf32>
      %dot_general3A_118 = tpu.matmul %convert_element_type3A_110, %mul3A_116, %dot_general3A_117 {dimension_numbers = #tpu.dot_dimension_numbers<[0], [0], [1], [1], [0, 1, 1, 1], [], []>, transpose_lhs_hint = false} : vector<1024x64xf32>, vector<1024x128xf32>, vector<64x128xf32> -> vector<64x128xf32>
      %eq3A_119 = arith.constant 0 : i32
      %eq3A_120 = arith.cmpi eq, %sub3A_6, %eq3A_119 : i32
      %convert_element_type3A_121 = arith.extui %eq3A_120 : i1 to i32
      %cond3A_122 = arith.constant 0 : i32
      %cond3A_123 = arith.cmpi ne, %convert_element_type3A_121, %cond3A_122 : i32
      scf.if %cond3A_123 {
        %swap3A = arith.constant 0 : index
        %swap3A_133 = arith.constant 0 : index
        %swap3A_134 = vector.load %arg8[%swap3A, %swap3A_133] : memref<64x128xf32, #tpu.memory_space<vmem>>, vector<64x128xf32>
        tpu.vector_store %arg8[%swap3A, %swap3A_133], %dot_general3A_118 {strides = array<i32>} : memref<64x128xf32, #tpu.memory_space<vmem>>, vector<64x128xf32>,
      } else {
      }
      %gt3A = arith.constant 0 : i32
      %gt3A_124 = arith.cmpi sgt, %sub3A_6, %gt3A : i32
      %convert_element_type3A_125 = arith.extui %gt3A_124 : i1 to i32
      %cond3A_126 = arith.constant 0 : i32
      %cond3A_127 = arith.cmpi ne, %convert_element_type3A_125, %cond3A_126 : i32
      scf.if %cond3A_127 {
        %get3A_133 = arith.constant 0 : index
        %get3A_134 = arith.constant 0 : index
        %get3A_135 = vector.load %arg8[%get3A_133, %get3A_134] : memref<64x128xf32, #tpu.memory_space<vmem>>, vector<64x128xf32>
        %add3A_136 = arith.addf %get3A_135, %dot_general3A_118 : vector<64x128xf32>
        %swap3A = arith.constant 0 : index
        %swap3A_137 = arith.constant 0 : index
        %swap3A_138 = vector.load %arg8[%swap3A, %swap3A_137] : memref<64x128xf32, #tpu.memory_space<vmem>>, vector<64x128xf32>
        tpu.vector_store %arg8[%swap3A, %swap3A_137], %add3A_136 {strides = array<i32>} : memref<64x128xf32, #tpu.memory_space<vmem>>, vector<64x128xf32>,
      } else {
      }
      %eq3A_128 = arith.constant 9 : i32
      %eq3A_129 = arith.cmpi eq, %sub3A_6, %eq3A_128 : i32
      %convert_element_type3A_130 = arith.extui %eq3A_129 : i1 to i32
      %cond3A_131 = arith.constant 0 : i32
      %cond3A_132 = arith.cmpi ne, %convert_element_type3A_130, %cond3A_131 : i32
      scf.if %cond3A_132 {
        %get3A_133 = arith.constant 0 : index
        %get3A_134 = arith.constant 0 : index
        %get3A_135 = vector.load %arg8[%get3A_133, %get3A_134] : memref<64x128xf32, #tpu.memory_space<vmem>>, vector<64x128xf32>
        %max3A = arith.constant 1.000000e+00 : f32
        %max3A_136 = vector.broadcast %max3A : f32 to vector<64x1xf32>
        %max3A_137 = arith.maximumf %ceil3A, %max3A_136 : vector<64x1xf32>
        %div3A_138 = vector.broadcast %max3A_137 : vector<64x1xf32> to vector<64x128xf32>
        %div3A_139 = arith.divf %get3A_135, %div3A_138 : vector<64x128xf32>
        %swap3A = arith.constant 0 : index
        %swap3A_140 = arith.constant 0 : index
        %swap3A_141 = vector.load %arg8[%swap3A, %swap3A_140] : memref<64x128xf32, #tpu.memory_space<vmem>>, vector<64x128xf32>
        tpu.vector_store %arg8[%swap3A, %swap3A_140], %div3A_139 {strides = array<i32>} : memref<64x128xf32, #tpu.memory_space<vmem>>, vector<64x128xf32>,
      } else {
      }
    } else {
    }
    return
  }
  func.func @transform_0(%arg0: i32) -> (i32, i32, i32) {
    %lt3A = arith.constant 10 : i32
    %lt3A_0 = arith.cmpi slt, %arg0, %lt3A : i32
    %jit3A = arith.constant 9 : i32
    %select_n3A = arith.select %lt3A_0, %arg0, %jit3A : i32
    %c0_i32 = arith.constant 0 : i32
    %c0_i32_1 = arith.constant 0 : i32
    %c0_i32_2 = arith.constant 0 : i32
    return %c0_i32, %select_n3A, %c0_i32_1 : i32, i32, i32
  }
  func.func @transform_1(%arg0: i32) -> (i32, i32) {
    %lt3A = arith.constant 10 : i32
    %lt3A_0 = arith.cmpi slt, %arg0, %lt3A : i32
    %jit3A = arith.constant 9 : i32
    %select_n3A = arith.select %lt3A_0, %arg0, %jit3A : i32
    %c0_i32 = arith.constant 0 : i32
    %c0_i32_1 = arith.constant 0 : i32
    return %select_n3A, %c0_i32 : i32, i32
  }
  func.func @transform_2(%arg0: i32) -> (i32, i32) {
    %lt3A = arith.constant 10 : i32
    %lt3A_0 = arith.cmpi slt, %arg0, %lt3A : i32
    %jit3A = arith.constant 9 : i32
    %select_n3A = arith.select %lt3A_0, %arg0, %jit3A : i32
    %c0_i32 = arith.constant 0 : i32
    %c0_i32_1 = arith.constant 0 : i32
    return %select_n3A, %c0_i32 : i32, i32
  }
  func.func @transform_3(%arg0: i32) -> (i32, i32) {
    %c0_i32 = arith.constant 0 : i32
    %c0_i32_0 = arith.constant 0 : i32
    %c0_i32_1 = arith.constant 0 : i32
    return %c0_i32, %c0_i32_0 : i32, i32
  }
  func.func @transform_4(%arg0: i32) -> (i32, i32) {
    %c0_i32 = arith.constant 0 : i32
    %c0_i32_0 = arith.constant 0 : i32
    %c0_i32_1 = arith.constant 0 : i32
    return %c0_i32, %c0_i32_0 : i32, i32
  }
  func.func @transform_5(%arg0: i32) -> (i32, i32) {
    %lt3A = arith.constant 10 : i32
    %lt3A_0 = arith.cmpi slt, %arg0, %lt3A : i32
    %sub3A = arith.constant 10 : i32
    %sub3A_1 = arith.subi %arg0, %sub3A : i32
    %jit3A = arith.constant 0 : i32
    %select_n3A = arith.select %lt3A_0, %jit3A, %sub3A_1 : i32
    %c0_i32 = arith.constant 0 : i32
    %c0_i32_2 = arith.constant 0 : i32
    return %select_n3A, %c0_i32 : i32, i32
  }
  func.func @transform_6(%arg0: i32) -> (i32, i32) {
    %c0_i32 = arith.constant 0 : i32
    %c0_i32_0 = arith.constant 0 : i32
    %c0_i32_1 = arith.constant 0 : i32
    return %c0_i32, %c0_i32_0 : i32, i32
  }
  func.func @transform_7(%arg0: i32) -> (i32, i32) {
    %c0_i32 = arith.constant 0 : i32
    %c0_i32_0 = arith.constant 0 : i32
    %c0_i32_1 = arith.constant 0 : i32
    return %c0_i32, %c0_i32_0 : i32, i32
  }
}

</mosaic_0001>

<sc_bundles>
// kernel: kernel.11.cloned.1.call-start
scs
__scs_entry_jumppad:
0x0: {  	(pc) =	sbr.rel $0x88, $3  }
0x1: {  	(tag) =	ssettag $0x0;
	lr =	simm.s32 $0x1  }
0x2: {  	[smem:$0x3F99] =	sst lr;
	_ =	strace $0xD0000000  }
0x3: {  	_ = 	snop  }
0x4: {  	_ = 	snop  }
0x5: {  	_ = 	snop  }
0x6: {  	_ = 	snop  }
0x7: {  	_ = 	snop  }
__scs_overlays_trampoline_lowered:
0x8: {  	[smem:$0x3FA8] =	sst s0  }
0x9: {  	[smem:$0x3FA9] =	sst s1  }
0xa: {  	[smem:$0x3FAA] =	sst s2  }
0xb: {  	[smem:$0x3FAB] =	sst s3  }
0xc: {  	[smem:$0x3FAC] =	sst s4  }
0xd: {  	[smem:$0x3FAD] =	sst s5  }
0xe: {  	[smem:$0x3FAE] =	sst s6  }
0xf: {  	[smem:$0x3FAF] =	sst s7  }
0x10: {  	[smem:$0x3FB0] =	sst s8  }
0x11: {  	[smem:$0x3FB1] =	sst s9;
	s0 =	simm.s32 @!p0 $0x0  }
0x12: {  	s1 =	sld [smem:$0x3F97];
	s0 =	simm.s32 @p0 $0x1  }
0x13: {  	[smem:$0x3FB2] =	sst s0;
	s0 =	simm.s32 @!p1 $0x0  }
0x14: {  	s2 =	sld [smem:$0x3F96];
	s0 =	simm.s32 @p1 $0x1  }
0x15: {  	[smem:$0x3FB3] =	sst s0;
	s0 =	simm.s32 @!p2 $0x0  }
0x16: {  	s3 =	sld [smem:$0x3FDB];
	s0 =	simm.s32 @p2 $0x1  }
0x17: {  	s4 =	simm.s32 $0x1BF5;
	[smem:$0x3FB5] =	sst s0  }
0x18: {  	s0 =	sld [smem:$0x3F98];
	_ =	swait.ge [sflag:s4], $0x0  }
0x19: {  	s7 =	sld [smem:$0x3F99]  }
0x1a: {  	s8 =	sadd.s32 $0xFFFFE003, lr  }
0x1b: {  	s9 =	sadd.s32 $0xFFFFFEF7, lr;
	s5 =	simm.s32 $0xFFFFFFFF;
	p2 =	slt.u32 s8, $0xFFFFF086  }
0x1c: {  	p1 =	slt.u32 s9, $0xF7A;
	s5 =	simm.s32 @!p2 $0x0  }
0x1d: {  	s5 =	simm.s32 @p1 $0x1;
	p0 =	seq.s32 s7, s2  }
0x1e: {  	s7 =	smul.u32 @!p0 $0xF7A, s2;
	p2 =	seq.s32 @!p0 s5, $0x0  }
0x1f: {  	s9 =	smul.u32 $0xF7A, s1;
	s8 =	simm.s32 @!p0 $0x1BF5;
	p2 =	por !p2, p0  }
0x20: {  	[sflag:s8] =	ssyncset.s32 @!p0 $0xFFFFF086;
	s6 =	sadd.s32 @!p0 s3, s7;
	s7 =	simm.s32 @!p0 $0x108  }
0x21: {  	s3 =	sadd.s32 s3, s9;
	s6 =	sadd.s32 @!p0 $0x88, s6;
	s7 =	simm.s32 @p2 $0x1082  }
0x22: {  	[simem:s7], [sflag:s8] =	dma.local @!p0 [hbm:s6], $0xF7A  }
0x23: {  	s9 =	sor.u32 $0xD0000000, s2;
	s6 =	simm.s32 $0x108;
	_ =	swait.ge @!p0 [sflag:s8], $0x0  }
0x24: {  	s3 =	sadd.s32 $0x88, s3;
	s6 =	simm.s32 @!p1 $0x1082;
	[sflag:s4] =	ssyncset.s32 $0xFFFFF086  }
0x25: {  	[simem:s6], [sflag:s4] =	dma.local [hbm:s3], $0xF7A  }
0x26: {  	[smem:$0x3F99] =	sst s1;
	(tag) =	ssettag s2;
	_ =	strace s9  }
0x27: {  	s1 =	sld [smem:$0x3FA9]  }
0x28: {  	s2 =	sld [smem:$0x3FAA]  }
0x29: {  	s4 =	sld [smem:$0x3FAC]  }
0x2a: {  	p0 =	seq.s32 s5, $0x0;
	s5 =	sld [smem:$0x3FAD]  }
0x2b: {  	s6 =	sld [smem:$0x3FAE]  }
0x2c: {  	s7 =	sld [smem:$0x3FAF]  }
0x2d: {  	s3 =	simm.s32 $0x108;
	s8 =	sld [smem:$0x3FB0]  }
0x2e: {  	s3 =	simm.s32 @!p0 $0x1082;
	s9 =	sld [smem:$0x3FB1]  }
0x2f: {  	lr =	sadd.s32 s0, s3;
	s0 =	sld [smem:$0x3FA8]  }
0x30: {  	s3 =	sld [smem:$0x3FAB]  }
0x31: {  	[smem:$0x3FB4] =	sst s10  }
0x32: {  	s10 =	sld [smem:$0x3FB2];
	_ =	sdelay $0x3  }
0x33: {  	p0 =	seq.s32 s10, $0x1;
	s10 =	sld [smem:$0x3FB4];
	_ =	sdelay $0x3  }
0x34: {  	[smem:$0x3FB4] =	sst s10  }
0x35: {  	s10 =	sld [smem:$0x3FB3];
	_ =	sdelay $0x3  }
0x36: {  	p1 =	seq.s32 s10, $0x1;
	s10 =	sld [smem:$0x3FB4];
	_ =	sdelay $0x3  }
0x37: {  	[smem:$0x3FB4] =	sst s10  }
0x38: {  	s10 =	sld [smem:$0x3FB5]  }
0x39: {  	_ = 	snop;
	(pc) =	sbr.ind lr, $3  }
0x3a: {  	_ = 	snop  }
0x3b: {  	_ = 	snop  }
0x3c: {  	p2 =	seq.s32 s10, $0x1;
	s10 =	sld [smem:$0x3FB4]  }
0x3d: {  	_ =	shalt  }
0x3e: {  	_ =	shalt  }
0x3f: {  	_ =	shalt  }
0x40: {  	_ =	shalt  }
0x41: {  	_ =	shalt  }
0x42: {  	_ =	shalt  }
0x43: {  	_ =	shalt  }
0x44: {  	_ =	shalt  }
0x45: {  	_ =	shalt  }
0x46: {  	_ =	shalt  }
0x47: {  	_ =	shalt  }
0x48: {  	_ =	shalt  }
0x49: {  	_ =	shalt  }
0x4a: {  	_ =	shalt  }
0x4b: {  	_ =	shalt  }
0x4c: {  	_ =	shalt  }
0x4d: {  	_ =	shalt  }
0x4e: {  	_ =	shalt  }
0x4f: {  	_ =	shalt  }
0x50: {  	_ =	shalt  }
0x51: {  	_ =	shalt  }
0x52: {  	_ =	shalt  }
0x53: {  	_ =	shalt  }
0x54: {  	_ =	shalt  }
0x55: {  	_ =	shalt  }
0x56: {  	_ =	shalt  }
0x57: {  	_ =	shalt  }
0x58: {  	_ =	shalt  }
0x59: {  	_ =	shalt  }
0x5a: {  	_ =	shalt  }
0x5b: {  	_ =	shalt  }
0x5c: {  	_ =	shalt  }
0x5d: {  	_ =	shalt  }
0x5e: {  	_ =	shalt  }
0x5f: {  	_ =	shalt  }
0x60: {  	_ =	shalt  }
0x61: {  	_ =	shalt  }
0x62: {  	_ =	shalt  }
0x63: {  	_ =	shalt  }
0x64: {  	_ =	shalt  }
0x65: {  	_ =	shalt  }
0x66: {  	_ =	shalt  }
0x67: {  	_ =	shalt  }
0x68: {  	_ =	shalt  }
0x69: {  	_ =	shalt  }
0x6a: {  	_ =	shalt  }
0x6b: {  	_ =	shalt  }
0x6c: {  	_ =	shalt  }
0x6d: {  	_ =	shalt  }
0x6e: {  	_ =	shalt  }
0x6f: {  	_ =	shalt  }
0x70: {  	_ =	shalt  }
0x71: {  	_ =	shalt  }
0x72: {  	_ =	shalt  }
0x73: {  	_ =	shalt  }
0x74: {  	_ =	shalt  }
0x75: {  	_ =	shalt  }
0x76: {  	_ =	shalt  }
0x77: {  	_ =	shalt  }
0x78: {  	_ =	shalt  }
0x79: {  	_ =	shalt  }
0x7a: {  	_ =	shalt  }
0x7b: {  	_ =	shalt  }
0x7c: {  	_ =	shalt  }
0x7d: {  	_ =	shalt  }
0x7e: {  	_ =	shalt  }
0x7f: {  	_ =	shalt  }
0x80: {  	_ =	shalt  }
0x81: {  	_ =	shalt  }
0x82: {  	_ =	shalt  }
0x83: {  	_ =	shalt  }
0x84: {  	_ =	shalt  }
0x85: {  	_ =	shalt  }
0x86: {  	_ =	shalt  }
0x87: {  	_ =	shalt  }
.Lfunc_end0:
.L_simem_size_0:
called_computation.1_lowered:
.L_overlay_start_0:
0x88: {  	s2 =	sld [smem:$0x3FD9]  }
0x89: {  	s3 =	sld [smem:$0x3FFE];
	_ =	sdelay $0x1  }
0x8a: {  	s1 =	srdreg.scid  }
0x8b: {  	s0 =	sand.u32 $0x1, s1  }
0x8c: {  	s16 =	sshll.u32 s0, $0xA;
	s2 =	sadd.s32 s3, s2  }
0x8d: {  	s2 =	sadd.s32 s2, s16  }
0x8e: {  	[smem:$0x3FC0] =	sst s2  }
0x8f: {  	_ = 	snop  }
0x90: {  	(tm) =	ssettm $0x1  }
0x91: {  	s17 =	sld [smem:$0x3FFB];
	_ =	sdelay $0x3  }
0x92: {  	_ =	strace s17  }
0x93: {  	s2 =	sld [smem:$0x3FFC];
	_ =	sdelay $0x3  }
0x94: {  	_ =	strace s2  }
0x95: {  	s2 =	sld [smem:$0x3FFD];
	_ =	sdelay $0x3  }
0x96: {  	_ =	strace s2  }
0x97: {  	_ =	strace $0x8FFFFFFF  }
0x98: {  	s18 =	sld [smem:$0x3FDB];
	_ =	sdelay $0x1  }
0x99: {  	s19 =	simm.s32 $_scs_section_size  }
0x9a: {  	s4 =	simm.s32 $_size__tile_overlayer_lowered;
	s5 =	simm.s32 $_tile_overlayer_lowered  }
0x9b: {  	s22 =	simm.s32 $0x1BFF;
	s21 =	sshll.u32 s5, $0x1;
	s2 =	sadd.s32 s19, s18  }
0x9c: {  	s6 =	simm.s32 $0x0;
	s20 =	sshll.u32 s4, $0x1;
	s4 =	sadd.s32 s21, s2  }
0x9d: {  	[timem:s6], [sflag:s22] =	dma.local [hbm:s4], s20  }
0x9e: {  	_ =	swait.ge [sflag:s22], s20  }
0x9f: {  	s3 =	ssub.s32 $0x0, s20;
	[sflag:s22] =	ssyncset.done $0x0  }
0xa0: {  	[sflag:s22] =	ssyncadd.s32 s3;
	_ =	sdelay $0x1  }
0xa1: {  	s23 =	simm.s32 $0x1B8B  }
0xa2: {  	_ =	swait.ge [sflag:s23], $0x1  }
0xa3: {  	[sflag:s23] =	ssyncset.done $0x0  }
0xa4: {  	s25 =	simm.s32 $0x1B8E;
	s24 =	sld [smem:$0x3FFE];
	[sflag:s23] =	ssyncadd.s32 $0xFFFFFFFF  }
0xa5: {  	s26 =	simm.s32 $execute0_lowered;
	[smem:$0x3FD2] =	sst s25  }
0xa6: {  	s4 =	sshll.u32 s26, $0x1;
	_ =	strace $0x80000049;
	[dreg:$0x1] =	wrdreg $0xFFFFFFFF  }
0xa7: {  	s28 =	simm.s32 $_size_execute0_lowered;
	s2 =	sadd.s32 s2, s4;
	[dreg:$0x0] =	wrdreg $0x0  }
0xa8: {  	s4 =	sshll.u32 s28, $0x1;
	[dreg:$0x2] =	wrdreg s2  }
0xa9: {  	[dreg:$0x3] =	wrdreg s4  }
0xaa: {  	[dreg:$0x4] =	wrdreg $0xC0  }
0xab: {  	_ =	task [dreg:s6], $0x5FFFF  }
0xac: {  	[dreg:$0x1] =	wrdreg $0xFFFFFFFF  }
0xad: {  	[dreg:$0x0] =	wrdreg $0x60  }
0xae: {  	[dreg:$0x2] =	wrdreg s24  }
0xaf: {  	[dreg:$0x3] =	wrdreg $0x3F800  }
0xb0: {  	[dreg:$0x4] =	wrdreg $0x0  }
0xb1: {  	[dreg:$0x5] =	wrdreg $0x2800  }
0xb2: {  	[dreg:$0x6] =	wrdreg $0x9  }
0xb3: {  	_ =	task.clear_ibuf [dreg:s6], $0x7FFFF;
	_ =	strace $0x90000049  }
0xb4: {  	s29 =	simm.s32 $0x9;
	_ =	strace $0x8000004B  }
0xb5: {  	_ =	swait.ge [sflag:s29], $0x1  }
0xb6: {  	[sflag:s29] =	ssyncadd.s32 $0xFFFFFFFF  }
0xb7: {  	_ =	strace $0x9000004B  }
0xb8: {  	_ =	sfence  }
0xb9: {  	s30 =	sld [smem:$0x0];
	_ =	sdelay $0x2  }
0xba: {  	s31 =	sshll.u32 s1, $0xD;
	s1 =	sshrl.u32 s1, $0x2  }
0xbb: {  	s3 =	sand.u32 $0x4000, s31;
	s1 =	sadd.s32 s1, s30  }
0xbc: {  	s0 =	sor.u32 s3, s0;
	s1 =	sshll.u32 s1, $0x11  }
0xbd: {  	s0 =	sor.u32 s1, s0  }
0xbe: {  	s0 =	sadd.s32 $0x8F2B, s0  }
0xbf: {  	[sflag:s0] =	ssyncadd.remote.s32 $0x1  }
0xc0: {  	_ =	sfence.sel $0xFFFF  }
0xc1: {  	[dreg:$0x0] =	wrdreg $0xFFFFFFFF;
	(pc) =	sbr.abs _section_cstart, $3  }
0xc2: {  	[dreg:$0x1] =	wrdreg $0xFFFFFFFF  }
0xc3: {  	_ =	task.clear_ibuf [dreg:s6], $0x2FFFF;
	_ =	strace $0x9FFFFFFF  }
0xc4: {  	(tm) =	ssettm $0x7FFFFFFF  }
0xc5: {  	_ =	shalt  }
tec
execute0_lowered:
.L_overlay_start_1:
0x0: {  	(tag) =	ssettag $0x1  }
0x1: {  	s0 =	rddreg [dreg:$0x0]  }
0x2: {  	s1 =	rddreg [dreg:$0x1]  }
0x3: {  	s2 =	rddreg [dreg:$0x2]  }
0x4: {  	s3 =	rddreg [dreg:$0x3]  }
0x5: {  	s4 =	srdreg.scid;
	s11 =	stileid.u32;
	s5 =	simm.s32 $0x0  }
0x6: {  	s4 =	sand.u32 $0x1, s4;
	s6 =	smul.u32 $0x14000, s11;
	[smem:$0x7FF] =	sst s5  }
0x7: {  	s8 =	sadd.s32 $0x16400, s0;
	s25 =	sadd.s32 $0x15A00, s0;
	s9 =	sadd.s32 $0x1A00, s0  }
0x8: {  	s10 =	sadd.s32 $0xBA00, s0;
	p0 =	sne.s32 s11, $0x0;
	s7 =	smul.u32 $0x140000, s4  }
0x9: {  	_ =	strace $0x8000004A;
	[dreg:$0x5] =	wrdreg s8;
	s8 =	sadd.s32 s6, s1  }
0xa: {  	[dreg:$0x6] =	wrdreg s25;
	s7 =	sadd.s32 s6, s7;
	s6 =	sadd.s32 $0x1000, s8  }
0xb: {  	s26 =	ssub.s32 $0x2, s4;
	s13 =	sadd.s32 $0x2000, s8;
	[dreg:$0x7] =	wrdreg s6  }
0xc: {  	s4 =	sshll.u32 s4, $0x4;
	s14 =	sadd.s32 $0x3000, s8;
	[dreg:$0x8] =	wrdreg s13  }
0xd: {  	s12 =	sshrl.u32 s26, $0x1;
	s15 =	sadd.s32 $0x4000, s8;
	[dreg:$0x9] =	wrdreg s14  }
0xe: {  	s4 =	sor.u32 s11, s4;
	s16 =	sadd.s32 $0x5000, s8;
	[dreg:$0xa] =	wrdreg s15  }
0xf: {  	s4 =	smul.u32 $0x2800, s4;
	s17 =	sadd.s32 $0x6000, s8;
	[dreg:$0xb] =	wrdreg s16  }
0x10: {  	s18 =	sadd.s32 $0x7000, s8;
	s19 =	sadd.s32 $0x8000, s8;
	[dreg:$0xc] =	wrdreg s17  }
0x11: {  	s20 =	sadd.s32 $0x9000, s8;
	s21 =	sadd.s32 $0xA000, s8;
	[dreg:$0xd] =	wrdreg s18  }
0x12: {  	s28 =	sadd.s32 $0xD000, s8;
	s29 =	sadd.s32 $0xE000, s8;
	[dreg:$0xe] =	wrdreg s19  }
0x13: {  	s30 =	sadd.s32 $0xF000, s8;
	s31 =	sadd.s32 $0x10000, s8;
	[dreg:$0xf] =	wrdreg s20  }
0x14: {  	s7 =	sshrl.u32 s7, $0x3;
	[dreg:$0x10] =	wrdreg s21;
	s6 =	sadd.s32 $0x13000, s8  }
0x15: {  	s13 =	simm.s32 $0x2D00;
	s14 =	simm.s32 $0x2E00;
	s15 =	simm.s32 $0x1  }
0x16: {  	s16 =	simm.s32 $0x2D80;
	s17 =	simm.s32 $0x2E80;
	s18 =	simm.s32 $0x2F00  }
0x17: {  	s19 =	simm.s32 $0x2;
	s0 =	sadd.s32 s7, s0;
	s7 =	ssub.s32 s26, s12  }
0x18: {  	s4 =	sshrl.u32 s4, $0x3;
	s26 =	sadd.s32 $0xB000, s8;
	s12 =	simm.s32 $0x80  }
0x19: {  	s22 =	sadd.s32 s9, s4;
	s23 =	sadd.s32 $0x280, s4;
	[dreg:$0x15] =	wrdreg s26  }
0x1a: {  	s4 =	sadd.s32 s10, s4;
	s26 =	sadd.s32 $0xC000, s8;
	[dreg:$0x11] =	wrdreg s22  }
0x1b: {  	[dreg:$0x12] =	wrdreg s4;
	s24 =	sadd.s32 s9, s23;
	s25 =	sadd.s32 s10, s23  }
0x1c: {  	s4 =	sadd.s32 $0x12000, s8;
	s9 =	simm.s32 $0x3;
	[dreg:$0x13] =	wrdreg s24  }
0x1d: {  	s10 =	simm.s32 $0x500;
	[dreg:$0x14] =	wrdreg s25;
	s24 =	sadd.s32 $0x16A00, s0  }
0x1e: {  	v0 =	vimm.f32 $0.0e+00;
	s25 =	smax.u32 s7, $0x1;
	s0 =	sadd.s32 $0x11000, s8;
	s7 =	simm.s32 $0x2F80  }
.LBB2_1:
0x1f: {  	s20 =	simm.s32 $0x40;
	s21 =	simm.s32 $0x0  }
.LBB2_2:
0x20: {  	p1 =	sne.s32 s20, $0x3FC0;
	[tilespmem:s21+$0x2F80] =	vst v0;
	s21 =	smov.u32 s20;
	s20 =	sadd.s32 $0x40, s20  }
.Ltmp0:
0x21: {  	(pc) =	sbr.rel @p1 .LBB2_2-.Ltmp0, $2  }
0x22: {  	_ =	sdelay $0x2  }
0x23: {  	s21 =	sshra.s32 s21, $0x2  }
0x24: {  	[tilespmem:s21+$0x2F80] =	vst v0  }
0x25: {  	[spmem:s8] =	stream.linear.scatter [tilespmem:s7], [sflag:$0x3], $0x1000, $0x38;
	[tilespmem:$0x17F80] =	vst v63  }
0x26: {  	_ =	swait.ge [sflag:s9], $0x1000  }
0x27: {  	[sflag:s9] =	ssyncset.done $0x0  }
0x28: {  	s11 =	rddreg [dreg:$0x7];
	[sflag:s9] =	ssyncadd.s32 $0xFFFFF000  }
0x29: {  	[spmem:s11] =	stream.linear.scatter [tilespmem:s7], [sflag:$0x3], $0x1000, $0x38;
	[tilespmem:$0x17F80] =	vst v63  }
0x2a: {  	_ =	swait.ge [sflag:s9], $0x1000  }
0x2b: {  	[sflag:s9] =	ssyncset.done $0x0  }
0x2c: {  	s21 =	rddreg [dreg:$0x8];
	[sflag:s9] =	ssyncadd.s32 $0xFFFFF000  }
0x2d: {  	[spmem:s21] =	stream.linear.scatter [tilespmem:s7], [sflag:$0x3], $0x1000, $0x38;
	[tilespmem:$0x17F80] =	vst v63  }
0x2e: {  	_ =	swait.ge [sflag:s9], $0x1000  }
0x2f: {  	[sflag:s9] =	ssyncset.done $0x0  }
0x30: {  	s22 =	rddreg [dreg:$0x9];
	[sflag:s9] =	ssyncadd.s32 $0xFFFFF000  }
0x31: {  	[spmem:s22] =	stream.linear.scatter [tilespmem:s7], [sflag:$0x3], $0x1000, $0x38;
	[tilespmem:$0x17F80] =	vst v63  }
0x32: {  	_ =	swait.ge [sflag:s9], $0x1000  }
0x33: {  	[sflag:s9] =	ssyncset.done $0x0  }
0x34: {  	s23 =	rddreg [dreg:$0xa];
	[sflag:s9] =	ssyncadd.s32 $0xFFFFF000  }
0x35: {  	[spmem:s23] =	stream.linear.scatter [tilespmem:s7], [sflag:$0x3], $0x1000, $0x38;
	[tilespmem:$0x17F80] =	vst v63  }
0x36: {  	_ =	swait.ge [sflag:s9], $0x1000  }
0x37: {  	[sflag:s9] =	ssyncset.done $0x0  }
0x38: {  	s20 =	rddreg [dreg:$0xb];
	[sflag:s9] =	ssyncadd.s32 $0xFFFFF000  }
0x39: {  	[spmem:s20] =	stream.linear.scatter [tilespmem:s7], [sflag:$0x3], $0x1000, $0x38;
	[tilespmem:$0x17F80] =	vst v63  }
0x3a: {  	_ =	swait.ge [sflag:s9], $0x1000  }
0x3b: {  	[sflag:s9] =	ssyncset.done $0x0  }
0x3c: {  	s21 =	rddreg [dreg:$0xc];
	[sflag:s9] =	ssyncadd.s32 $0xFFFFF000  }
0x3d: {  	[spmem:s21] =	stream.linear.scatter [tilespmem:s7], [sflag:$0x3], $0x1000, $0x38;
	[tilespmem:$0x17F80] =	vst v63  }
0x3e: {  	_ =	swait.ge [sflag:s9], $0x1000  }
0x3f: {  	[sflag:s9] =	ssyncset.done $0x0  }
0x40: {  	s22 =	rddreg [dreg:$0xd];
	[sflag:s9] =	ssyncadd.s32 $0xFFFFF000  }
0x41: {  	[spmem:s22] =	stream.linear.scatter [tilespmem:s7], [sflag:$0x3], $0x1000, $0x38;
	[tilespmem:$0x17F80] =	vst v63  }
0x42: {  	_ =	swait.ge [sflag:s9], $0x1000  }
0x43: {  	[sflag:s9] =	ssyncset.done $0x0  }
0x44: {  	s23 =	rddreg [dreg:$0xe];
	[sflag:s9] =	ssyncadd.s32 $0xFFFFF000  }
0x45: {  	[spmem:s23] =	stream.linear.scatter [tilespmem:s7], [sflag:$0x3], $0x1000, $0x38;
	[tilespmem:$0x17F80] =	vst v63  }
0x46: {  	_ =	swait.ge [sflag:s9], $0x1000  }
0x47: {  	[sflag:s9] =	ssyncset.done $0x0  }
0x48: {  	s20 =	rddreg [dreg:$0xf];
	[sflag:s9] =	ssyncadd.s32 $0xFFFFF000  }
0x49: {  	[spmem:s20] =	stream.linear.scatter [tilespmem:s7], [sflag:$0x3], $0x1000, $0x38;
	[tilespmem:$0x17F80] =	vst v63  }
0x4a: {  	_ =	swait.ge [sflag:s9], $0x1000  }
0x4b: {  	[sflag:s9] =	ssyncset.done $0x0  }
0x4c: {  	s21 =	rddreg [dreg:$0x10];
	[sflag:s9] =	ssyncadd.s32 $0xFFFFF000  }
0x4d: {  	[spmem:s21] =	stream.linear.scatter [tilespmem:s7], [sflag:$0x3], $0x1000, $0x38;
	[tilespmem:$0x17F80] =	vst v63  }
0x4e: {  	_ =	swait.ge [sflag:s9], $0x1000  }
0x4f: {  	[sflag:s9] =	ssyncset.done $0x0  }
0x50: {  	s22 =	rddreg [dreg:$0x15];
	[sflag:s9] =	ssyncadd.s32 $0xFFFFF000  }
0x51: {  	[spmem:s22] =	stream.linear.scatter [tilespmem:s7], [sflag:$0x3], $0x1000, $0x38;
	[tilespmem:$0x17F80] =	vst v63  }
0x52: {  	_ =	swait.ge [sflag:s9], $0x1000  }
0x53: {  	[sflag:s9] =	ssyncset.done $0x0  }
0x54: {  	[sflag:s9] =	ssyncadd.s32 $0xFFFFF000  }
0x55: {  	[spmem:s26] =	stream.linear.scatter [tilespmem:s7], [sflag:$0x3], $0x1000, $0x38;
	[tilespmem:$0x17F80] =	vst v63  }
0x56: {  	_ =	swait.ge [sflag:s9], $0x1000  }
0x57: {  	[sflag:s9] =	ssyncset.done $0x0  }
0x58: {  	[sflag:s9] =	ssyncadd.s32 $0xFFFFF000  }
0x59: {  	[spmem:s28] =	stream.linear.scatter [tilespmem:s7], [sflag:$0x3], $0x1000, $0x38;
	[tilespmem:$0x17F80] =	vst v63  }
0x5a: {  	_ =	swait.ge [sflag:s9], $0x1000  }
0x5b: {  	[sflag:s9] =	ssyncset.done $0x0  }
0x5c: {  	[sflag:s9] =	ssyncadd.s32 $0xFFFFF000  }
0x5d: {  	[spmem:s29] =	stream.linear.scatter [tilespmem:s7], [sflag:$0x3], $0x1000, $0x38;
	[tilespmem:$0x17F80] =	vst v63  }
0x5e: {  	_ =	swait.ge [sflag:s9], $0x1000  }
0x5f: {  	[sflag:s9] =	ssyncset.done $0x0  }
0x60: {  	[sflag:s9] =	ssyncadd.s32 $0xFFFFF000  }
0x61: {  	[spmem:s30] =	stream.linear.scatter [tilespmem:s7], [sflag:$0x3], $0x1000, $0x38;
	[tilespmem:$0x17F80] =	vst v63  }
0x62: {  	_ =	swait.ge [sflag:s9], $0x1000  }
0x63: {  	[sflag:s9] =	ssyncset.done $0x0  }
0x64: {  	[sflag:s9] =	ssyncadd.s32 $0xFFFFF000  }
0x65: {  	[spmem:s31] =	stream.linear.scatter [tilespmem:s7], [sflag:$0x3], $0x1000, $0x38;
	[tilespmem:$0x17F80] =	vst v63  }
0x66: {  	_ =	swait.ge [sflag:s9], $0x1000  }
0x67: {  	[sflag:s9] =	ssyncset.done $0x0  }
0x68: {  	[sflag:s9] =	ssyncadd.s32 $0xFFFFF000  }
0x69: {  	[spmem:s0] =	stream.linear.scatter [tilespmem:s7], [sflag:$0x3], $0x1000, $0x38;
	[tilespmem:$0x17F80] =	vst v63  }
0x6a: {  	_ =	swait.ge [sflag:s9], $0x1000  }
0x6b: {  	[sflag:s9] =	ssyncset.done $0x0  }
0x6c: {  	[sflag:s9] =	ssyncadd.s32 $0xFFFFF000  }
0x6d: {  	[spmem:s4] =	stream.linear.scatter [tilespmem:s7], [sflag:$0x3], $0x1000, $0x38;
	[tilespmem:$0x17F80] =	vst v63  }
0x6e: {  	_ =	swait.ge [sflag:s9], $0x1000  }
0x6f: {  	[sflag:s9] =	ssyncset.done $0x0  }
0x70: {  	[sflag:s9] =	ssyncadd.s32 $0xFFFFF000  }
0x71: {  	[spmem:s6] =	stream.linear.scatter [tilespmem:s7], [sflag:$0x3], $0x1000, $0x38;
	[tilespmem:$0x17F80] =	vst v63  }
0x72: {  	_ =	swait.ge [sflag:s9], $0x1000  }
0x73: {  	s20 =	sshrl.u32 @!p0 s2, $0x3;
	[sflag:s9] =	ssyncset.done $0x0  }
0x74: {  	s21 =	simm.s32 @!p0 $0x1C03;
	s11 =	rddreg [dreg:$0x5];
	[sflag:s9] =	ssyncadd.s32 $0xFFFFF000  }
0x75: {  	[spmem:s20], [sflag:s21] =	dma.local @!p0 [hbm:s11], $0x500  }
0x76: {  	s20 =	simm.s32 @!p0 $0x3  }
0x77: {  	_ =	swait.ge @!p0 [sflag:s20], $0x500  }
0x78: {  	[sflag:s20] =	ssyncset.done @!p0 $0x0  }
0x79: {  	s22 =	sshrl.u32 @!p0 s3, $0x3;
	s11 =	rddreg [dreg:$0x6];
	[sflag:s20] =	ssyncadd.s32 @!p0 $0xFFFFFB00  }
0x7a: {  	[spmem:s22], [sflag:s21] =	dma.local @!p0 [hbm:s11], $0x500  }
0x7b: {  	_ =	swait.ge @!p0 [sflag:s20], $0x500  }
0x7c: {  	[sflag:s20] =	ssyncset.done @!p0 $0x0  }
0x7d: {  	[sflag:s20] =	ssyncadd.s32 @!p0 $0xFFFFFB00  }
0x7e: {  	[bflag:$0x0] =	sbarrier.arrive $0xFFFF  }
0x7f: {  	s20 =	simm.s32 $0x0;
	s23 =	rddreg [dreg:$0x11]  }
0x80: {  	[tilespmem:s10], [sflag:$0x3] =	stream.linear.gather [hbm4b:s23+s20], $0x1400, $0x38;
	[tilespmem:$0x17F80] =	vst v63  }
0x81: {  	_ =	swait.ge [sflag:s9], $0x1400  }
0x82: {  	[sflag:s9] =	ssyncset.done $0x0  }
0x83: {  	s22 =	simm.s32 $0x1900;
	s21 =	rddreg [dreg:$0x12];
	[sflag:s9] =	ssyncadd.s32 $0xFFFFEC00  }
0x84: {  	[tilespmem:s22], [sflag:$0x3] =	stream.linear.gather [hbm4b:s21+s20], $0x1400, $0x38;
	[tilespmem:$0x17F80] =	vst v63  }
0x85: {  	_ =	swait.ge [sflag:s9], $0x1400  }
0x86: {  	[sflag:s9] =	ssyncset.done $0x0  }
0x87: {  	[sflag:s9] =	ssyncadd.s32 $0xFFFFEC00  }
0x88: {  	[tilespmem:s13], [sflag:$0x1] =	stream.indirect.gather [spmem:s2], $0x1, s10, s12, $0xb8;
	[tilespmem:$0x17F80] =	vst v63  }
0x89: {  	_ = 	snop  }
0x8a: {  	[tilespmem:s14], [sflag:$0x1] =	stream.indirect.gather [spmem:s3], $0x1, s10, s12, $0xb8;
	[tilespmem:$0x17F80] =	vst v63  }
0x8b: {  	_ =	swait.ge [sflag:s15], $0x80  }
0x8c: {  	[sflag:s15] =	ssyncset.done $0x0  }
0x8d: {  	[sflag:s15] =	ssyncadd.s32 $0xFFFFFF80  }
0x8e: {  	_ =	swait.ge [sflag:s15], $0x80  }
0x8f: {  	[sflag:s15] =	ssyncset.done $0x0  }
0x90: {  	s23 =	simm.s32 $0x580;
	[sflag:s15] =	ssyncadd.s32 $0xFFFFFF80  }
0x91: {  	[tilespmem:s16], [sflag:$0x2] =	stream.indirect.gather [spmem:s2], $0x1, s23, s12, $0xb8;
	[tilespmem:$0x17F80] =	vst v63  }
0x92: {  	s11 =	simm.s32 $0x0  }
0x93: {  	[tilespmem:s17], [sflag:$0x2] =	stream.indirect.gather [spmem:s3], $0x1, s23, s12, $0xb8;
	[tilespmem:$0x17F80] =	vst v63  }
0x94: {  	v1 =	vld [tilespmem:s11+$0x1900]  }
0x95: {  	v2 =	vld [tilespmem:$0x2D00];
	_ =	sdelay $0x3  }
0x96: {  	v1 =	vshll.u32 v1, $0x7  }
0x97: {  	v1 =	vadd.s32 v2, v1  }
0x98: {  	[tilespmem:$0x2F00] =	vst v1  }
0x99: {  	v1 =	vld [tilespmem:s11+$0x1910]  }
0x9a: {  	v2 =	vld [tilespmem:$0x2D10];
	_ =	sdelay $0x3  }
0x9b: {  	v1 =	vshll.u32 v1, $0x7  }
0x9c: {  	v1 =	vadd.s32 v2, v1  }
0x9d: {  	[tilespmem:$0x2F10] =	vst v1  }
0x9e: {  	v1 =	vld [tilespmem:s11+$0x1920]  }
0x9f: {  	v2 =	vld [tilespmem:$0x2D20];
	_ =	sdelay $0x3  }
0xa0: {  	v1 =	vshll.u32 v1, $0x7  }
0xa1: {  	v1 =	vadd.s32 v2, v1  }
0xa2: {  	[tilespmem:$0x2F20] =	vst v1  }
0xa3: {  	v1 =	vld [tilespmem:s11+$0x1930]  }
0xa4: {  	v2 =	vld [tilespmem:$0x2D30];
	_ =	sdelay $0x3  }
0xa5: {  	v1 =	vshll.u32 v1, $0x7  }
0xa6: {  	v1 =	vadd.s32 v2, v1  }
0xa7: {  	[tilespmem:$0x2F30] =	vst v1  }
0xa8: {  	v1 =	vld [tilespmem:s11+$0x1940]  }
0xa9: {  	v2 =	vld [tilespmem:$0x2D40];
	_ =	sdelay $0x3  }
0xaa: {  	v1 =	vshll.u32 v1, $0x7  }
0xab: {  	v1 =	vadd.s32 v2, v1  }
0xac: {  	[tilespmem:$0x2F40] =	vst v1  }
0xad: {  	v1 =	vld [tilespmem:s11+$0x1950]  }
0xae: {  	v2 =	vld [tilespmem:$0x2D50];
	_ =	sdelay $0x3  }
0xaf: {  	v1 =	vshll.u32 v1, $0x7  }
0xb0: {  	v1 =	vadd.s32 v2, v1  }
0xb1: {  	[tilespmem:$0x2F50] =	vst v1  }
0xb2: {  	v1 =	vld [tilespmem:s11+$0x1960]  }
0xb3: {  	v2 =	vld [tilespmem:$0x2D60];
	_ =	sdelay $0x3  }
0xb4: {  	v1 =	vshll.u32 v1, $0x7  }
0xb5: {  	v1 =	vadd.s32 v2, v1  }
0xb6: {  	[tilespmem:$0x2F60] =	vst v1  }
0xb7: {  	v1 =	vld [tilespmem:s11+$0x1970]  }
0xb8: {  	v2 =	vld [tilespmem:$0x2D70];
	_ =	sdelay $0x3  }
0xb9: {  	v1 =	vshll.u32 v1, $0x7  }
0xba: {  	v1 =	vadd.s32 v2, v1  }
0xbb: {  	[tilespmem:$0x2F70] =	vst v1  }
0xbc: {  	[spmem:s1] =	stream.indirect.scatter.add.f32 [tilespmem:s14], [sflag:$0x3], $0x1, s18, s12, $0xb8;
	[tilespmem:$0x17F80] =	vst v63  }
0xbd: {  	_ =	swait.ge [sflag:s9], $0x80  }
0xbe: {  	[sflag:s9] =	ssyncset.done $0x0  }
0xbf: {  	[sflag:s9] =	ssyncadd.s32 $0xFFFFFF80  }
0xc0: {  	_ =	swait.ge [sflag:s19], $0x80  }
0xc1: {  	[sflag:s19] =	ssyncset.done $0x0  }
0xc2: {  	[sflag:s19] =	ssyncadd.s32 $0xFFFFFF80  }
0xc3: {  	p1 =	por $0x0, $0x0;
	_ =	swait.ge [sflag:s19], $0x80  }
0xc4: {  	s21 =	simm.s32 @!p1 $0x2D00;
	[sflag:s19] =	ssyncset.done $0x0  }
0xc5: {  	s22 =	simm.s32 @!p1 $0x600;
	s23 =	simm.s32 @!p1 $0x80;
	[sflag:s19] =	ssyncadd.s32 $0xFFFFFF80  }
0xc6: {  	[tilespmem:s21], [sflag:$0x1] =	stream.indirect.gather @!p1 [spmem:s2], $0x1, s22, s23, $0xb8;
	[tilespmem:$0x17F80] =	vst v63  }
0xc7: {  	s21 =	simm.s32 @!p1 $0x2E00  }
0xc8: {  	[tilespmem:s21], [sflag:$0x1] =	stream.indirect.gather @!p1 [spmem:s3], $0x1, s22, s23, $0xb8;
	[tilespmem:$0x17F80] =	vst v63  }
0xc9: {  	v1 =	vld [tilespmem:s11+$0x1980]  }
0xca: {  	v2 =	vld [tilespmem:$0x2D80];
	_ =	sdelay $0x3  }
0xcb: {  	v1 =	vshll.u32 v1, $0x7  }
0xcc: {  	v1 =	vadd.s32 v2, v1  }
0xcd: {  	[tilespmem:$0x2F00] =	vst v1  }
0xce: {  	v1 =	vld [tilespmem:s11+$0x1990]  }
0xcf: {  	v2 =	vld [tilespmem:$0x2D90];
	_ =	sdelay $0x3  }
0xd0: {  	v1 =	vshll.u32 v1, $0x7  }
0xd1: {  	v1 =	vadd.s32 v2, v1  }
0xd2: {  	[tilespmem:$0x2F10] =	vst v1  }
0xd3: {  	v1 =	vld [tilespmem:s11+$0x19A0]  }
0xd4: {  	v2 =	vld [tilespmem:$0x2DA0];
	_ =	sdelay $0x3  }
0xd5: {  	v1 =	vshll.u32 v1, $0x7  }
0xd6: {  	v1 =	vadd.s32 v2, v1  }
0xd7: {  	[tilespmem:$0x2F20] =	vst v1  }
0xd8: {  	v1 =	vld [tilespmem:s11+$0x19B0]  }
0xd9: {  	v2 =	vld [tilespmem:$0x2DB0];
	_ =	sdelay $0x3  }
0xda: {  	v1 =	vshll.u32 v1, $0x7  }
0xdb: {  	v1 =	vadd.s32 v2, v1  }
0xdc: {  	[tilespmem:$0x2F30] =	vst v1  }
0xdd: {  	v1 =	vld [tilespmem:s11+$0x19C0]  }
0xde: {  	v2 =	vld [tilespmem:$0x2DC0];
	_ =	sdelay $0x3  }
0xdf: {  	v1 =	vshll.u32 v1, $0x7  }
0xe0: {  	v1 =	vadd.s32 v2, v1  }
0xe1: {  	[tilespmem:$0x2F40] =	vst v1  }
0xe2: {  	v1 =	vld [tilespmem:s11+$0x19D0]  }
0xe3: {  	v2 =	vld [tilespmem:$0x2DD0];
	_ =	sdelay $0x3  }
0xe4: {  	v1 =	vshll.u32 v1, $0x7  }
0xe5: {  	v1 =	vadd.s32 v2, v1  }
0xe6: {  	[tilespmem:$0x2F50] =	vst v1  }
0xe7: {  	v1 =	vld [tilespmem:s11+$0x19E0]  }
0xe8: {  	v2 =	vld [tilespmem:$0x2DE0];
	_ =	sdelay $0x3  }
0xe9: {  	v1 =	vshll.u32 v1, $0x7  }
0xea: {  	v1 =	vadd.s32 v2, v1  }
0xeb: {  	[tilespmem:$0x2F60] =	vst v1  }
0xec: {  	v1 =	vld [tilespmem:s11+$0x19F0]  }
0xed: {  	v2 =	vld [tilespmem:$0x2DF0];
	_ =	sdelay $0x3  }
0xee: {  	v1 =	vshll.u32 v1, $0x7  }
0xef: {  	v1 =	vadd.s32 v2, v1  }
0xf0: {  	[tilespmem:$0x2F70] =	vst v1  }
0xf1: {  	[spmem:s1] =	stream.indirect.scatter.add.f32 [tilespmem:s17], [sflag:$0x3], $0x1, s18, s12, $0xb8;
	[tilespmem:$0x17F80] =	vst v63  }
0xf2: {  	_ =	swait.ge [sflag:s9], $0x80  }
0xf3: {  	s20 =	simm.s32 $0x400;
	[sflag:s9] =	ssyncset.done $0x0  }
.LBB2_4:
0xf4: {  	[sflag:s9] =	ssyncadd.s32 $0xFFFFFF80;
	s22 =	smov.u32 s20;
	s20 =	sadd.s32 $0x400, s20  }
0xf5: {  	_ =	swait.ge [sflag:s15], $0x80;
	p1 =	sne.s32 s20, $0x5000  }
0xf6: {  	[sflag:s15] =	ssyncset.done $0x0  }
0xf7: {  	[sflag:s15] =	ssyncadd.s32 $0xFFFFFF80  }
0xf8: {  	_ =	swait.ge [sflag:s15], $0x80  }
0xf9: {  	s21 =	sshra.s32 s22, $0x2;
	[sflag:s15] =	ssyncset.done $0x0  }
0xfa: {  	s23 =	sadd.s32 $0x580, s21;
	[sflag:s15] =	ssyncadd.s32 $0xFFFFFF80  }
0xfb: {  	[tilespmem:s16], [sflag:$0x2] =	stream.indirect.gather [spmem:s2], $0x1, s23, s12, $0xb8;
	[tilespmem:$0x17F80] =	vst v63  }
0xfc: {  	_ = 	snop  }
0xfd: {  	[tilespmem:s17], [sflag:$0x2] =	stream.indirect.gather [spmem:s3], $0x1, s23, s12, $0xb8;
	[tilespmem:$0x17F80] =	vst v63  }
0xfe: {  	v1 =	vld [tilespmem:s21+$0x1900]  }
0xff: {  	v2 =	vld [tilespmem:$0x2D00]  }
0x100: {  	v3 =	vld [tilespmem:$0x2D10]  }
0x101: {  	v4 =	vld [tilespmem:$0x2D20]  }
0x102: {  	v5 =	vld [tilespmem:$0x2D30]  }
0x103: {  	v1 =	vshll.u32 v1, $0x7;
	v6 =	vld [tilespmem:$0x2D40]  }
0x104: {  	v1 =	vadd.s32 v2, v1;
	v2 =	vld [tilespmem:$0x2D50]  }
0x105: {  	[tilespmem:$0x2F00] =	vst v1;
	v1 =	vld [tilespmem:$0x2D60]  }
0x106: {  	v7 =	vld [tilespmem:s21+$0x1910]  }
0x107: {  	v8 =	vld [tilespmem:$0x2D70];
	_ =	sdelay $0x3  }
0x108: {  	v7 =	vshll.u32 v7, $0x7  }
0x109: {  	v3 =	vadd.s32 v3, v7  }
0x10a: {  	[tilespmem:$0x2F10] =	vst v3  }
0x10b: {  	v3 =	vld [tilespmem:s21+$0x1920];
	_ =	sdelay $0x4  }
0x10c: {  	v3 =	vshll.u32 v3, $0x7  }
0x10d: {  	v3 =	vadd.s32 v4, v3  }
0x10e: {  	[tilespmem:$0x2F20] =	vst v3  }
0x10f: {  	v3 =	vld [tilespmem:s21+$0x1930];
	_ =	sdelay $0x4  }
0x110: {  	v3 =	vshll.u32 v3, $0x7  }
0x111: {  	v3 =	vadd.s32 v5, v3  }
0x112: {  	[tilespmem:$0x2F30] =	vst v3  }
0x113: {  	v3 =	vld [tilespmem:s21+$0x1940];
	_ =	sdelay $0x4  }
0x114: {  	v3 =	vshll.u32 v3, $0x7  }
0x115: {  	v3 =	vadd.s32 v6, v3  }
0x116: {  	[tilespmem:$0x2F40] =	vst v3  }
0x117: {  	v3 =	vld [tilespmem:s21+$0x1950];
	_ =	sdelay $0x4  }
0x118: {  	v3 =	vshll.u32 v3, $0x7  }
0x119: {  	v2 =	vadd.s32 v2, v3  }
0x11a: {  	[tilespmem:$0x2F50] =	vst v2  }
0x11b: {  	v2 =	vld [tilespmem:s21+$0x1960];
	_ =	sdelay $0x4  }
0x11c: {  	v2 =	vshll.u32 v2, $0x7  }
0x11d: {  	v1 =	vadd.s32 v1, v2  }
0x11e: {  	[tilespmem:$0x2F60] =	vst v1  }
0x11f: {  	v1 =	vld [tilespmem:s21+$0x1970];
	_ =	sdelay $0x4  }
0x120: {  	v1 =	vshll.u32 v1, $0x7  }
0x121: {  	v1 =	vadd.s32 v8, v1  }
0x122: {  	[tilespmem:$0x2F70] =	vst v1  }
0x123: {  	[spmem:s1] =	stream.indirect.scatter.add.f32 [tilespmem:s14], [sflag:$0x3], $0x1, s18, s12, $0xb8;
	[tilespmem:$0x17F80] =	vst v63  }
0x124: {  	_ =	swait.ge [sflag:s9], $0x80  }
0x125: {  	[sflag:s9] =	ssyncset.done $0x0  }
0x126: {  	[sflag:s9] =	ssyncadd.s32 $0xFFFFFF80  }
0x127: {  	_ =	swait.ge [sflag:s19], $0x80  }
0x128: {  	[sflag:s19] =	ssyncset.done $0x0  }
0x129: {  	[sflag:s19] =	ssyncadd.s32 $0xFFFFFF80  }
0x12a: {  	p2 =	seq.s32 s22, $0x4C00;
	_ =	swait.ge [sflag:s19], $0x80  }
0x12b: {  	s22 =	sshra.s32 @!p2 s22, $0x2;
	s23 =	simm.s32 @!p2 $0x2D00;
	[sflag:s19] =	ssyncset.done $0x0  }
0x12c: {  	s11 =	simm.s32 @!p2 $0x80;
	s22 =	sadd.s32 @!p2 $0x600, s22;
	[sflag:s19] =	ssyncadd.s32 $0xFFFFFF80  }
0x12d: {  	[tilespmem:s23], [sflag:$0x1] =	stream.indirect.gather @!p2 [spmem:s2], $0x1, s22, s11, $0xb8;
	[tilespmem:$0x17F80] =	vst v63  }
0x12e: {  	s23 =	simm.s32 @!p2 $0x2E00  }
0x12f: {  	[tilespmem:s23], [sflag:$0x1] =	stream.indirect.gather @!p2 [spmem:s3], $0x1, s22, s11, $0xb8;
	[tilespmem:$0x17F80] =	vst v63  }
0x130: {  	v1 =	vld [tilespmem:s21+$0x1980]  }
0x131: {  	v2 =	vld [tilespmem:$0x2D80]  }
0x132: {  	v3 =	vld [tilespmem:$0x2D90]  }
0x133: {  	v4 =	vld [tilespmem:$0x2DA0]  }
0x134: {  	v5 =	vld [tilespmem:$0x2DB0]  }
0x135: {  	v1 =	vshll.u32 v1, $0x7;
	v6 =	vld [tilespmem:$0x2DC0]  }
0x136: {  	v1 =	vadd.s32 v2, v1;
	v2 =	vld [tilespmem:$0x2DD0]  }
0x137: {  	[tilespmem:$0x2F00] =	vst v1;
	v1 =	vld [tilespmem:$0x2DE0]  }
0x138: {  	v7 =	vld [tilespmem:s21+$0x1990]  }
0x139: {  	v8 =	vld [tilespmem:$0x2DF0];
	_ =	sdelay $0x3  }
0x13a: {  	v7 =	vshll.u32 v7, $0x7  }
0x13b: {  	v3 =	vadd.s32 v3, v7  }
0x13c: {  	[tilespmem:$0x2F10] =	vst v3  }
0x13d: {  	v3 =	vld [tilespmem:s21+$0x19A0];
	_ =	sdelay $0x4  }
0x13e: {  	v3 =	vshll.u32 v3, $0x7  }
0x13f: {  	v3 =	vadd.s32 v4, v3  }
0x140: {  	[tilespmem:$0x2F20] =	vst v3  }
0x141: {  	v3 =	vld [tilespmem:s21+$0x19B0];
	_ =	sdelay $0x4  }
0x142: {  	v3 =	vshll.u32 v3, $0x7  }
0x143: {  	v3 =	vadd.s32 v5, v3  }
0x144: {  	[tilespmem:$0x2F30] =	vst v3  }
0x145: {  	v3 =	vld [tilespmem:s21+$0x19C0];
	_ =	sdelay $0x4  }
0x146: {  	v3 =	vshll.u32 v3, $0x7  }
0x147: {  	v3 =	vadd.s32 v6, v3  }
0x148: {  	[tilespmem:$0x2F40] =	vst v3  }
0x149: {  	v3 =	vld [tilespmem:s21+$0x19D0];
	_ =	sdelay $0x4  }
0x14a: {  	v3 =	vshll.u32 v3, $0x7  }
0x14b: {  	v2 =	vadd.s32 v2, v3  }
0x14c: {  	[tilespmem:$0x2F50] =	vst v2  }
0x14d: {  	v2 =	vld [tilespmem:s21+$0x19E0];
	_ =	sdelay $0x4  }
0x14e: {  	v2 =	vshll.u32 v2, $0x7  }
0x14f: {  	v1 =	vadd.s32 v1, v2  }
0x150: {  	[tilespmem:$0x2F60] =	vst v1  }
0x151: {  	v1 =	vld [tilespmem:s21+$0x19F0];
	_ =	sdelay $0x4  }
0x152: {  	v1 =	vshll.u32 v1, $0x7  }
.Ltmp1:
0x153: {  	v1 =	vadd.s32 v8, v1;
	(pc) =	sbr.rel @p1 .LBB2_4-.Ltmp1, $4  }
0x154: {  	[tilespmem:$0x2F70] =	vst v1  }
0x155: {  	[spmem:s1] =	stream.indirect.scatter.add.f32 [tilespmem:s17], [sflag:$0x3], $0x1, s18, s12, $0xb8;
	[tilespmem:$0x17F80] =	vst v63  }
0x156: {  	_ =	swait.ge [sflag:s9], $0x80  }
0x157: {  	[sflag:s9] =	ssyncset.done $0x0  }
0x158: {  	[sflag:s9] =	ssyncadd.s32 $0xFFFFFF80;
	s11 =	simm.s32 $0x0;
	s20 =	rddreg [dreg:$0x13]  }
0x159: {  	[tilespmem:s10], [sflag:$0x3] =	stream.linear.gather [hbm4b:s20+s11], $0x1400, $0x38;
	[tilespmem:$0x17F80] =	vst v63  }
0x15a: {  	_ =	swait.ge [sflag:s9], $0x1400  }
0x15b: {  	[sflag:s9] =	ssyncset.done $0x0  }
0x15c: {  	s21 =	simm.s32 $0x1900;
	s23 =	rddreg [dreg:$0x14];
	[sflag:s9] =	ssyncadd.s32 $0xFFFFEC00  }
0x15d: {  	[tilespmem:s21], [sflag:$0x3] =	stream.linear.gather [hbm4b:s23+s11], $0x1400, $0x38;
	[tilespmem:$0x17F80] =	vst v63  }
0x15e: {  	_ =	swait.ge [sflag:s9], $0x1400  }
0x15f: {  	[sflag:s9] =	ssyncset.done $0x0  }
0x160: {  	[sflag:s9] =	ssyncadd.s32 $0xFFFFEC00  }
0x161: {  	[tilespmem:s13], [sflag:$0x1] =	stream.indirect.gather [spmem:s2], $0x1, s10, s12, $0xb8;
	[tilespmem:$0x17F80] =	vst v63  }
0x162: {  	_ = 	snop  }
0x163: {  	[tilespmem:s14], [sflag:$0x1] =	stream.indirect.gather [spmem:s3], $0x1, s10, s12, $0xb8;
	[tilespmem:$0x17F80] =	vst v63  }
0x164: {  	_ =	swait.ge [sflag:s15], $0x80  }
0x165: {  	[sflag:s15] =	ssyncset.done $0x0  }
0x166: {  	[sflag:s15] =	ssyncadd.s32 $0xFFFFFF80  }
0x167: {  	_ =	swait.ge [sflag:s15], $0x80  }
0x168: {  	[sflag:s15] =	ssyncset.done $0x0  }
0x169: {  	s22 =	simm.s32 $0x580;
	[sflag:s15] =	ssyncadd.s32 $0xFFFFFF80  }
0x16a: {  	[tilespmem:s16], [sflag:$0x2] =	stream.indirect.gather [spmem:s2], $0x1, s22, s12, $0xb8;
	[tilespmem:$0x17F80] =	vst v63  }
0x16b: {  	s23 =	simm.s32 $0x0  }
0x16c: {  	[tilespmem:s17], [sflag:$0x2] =	stream.indirect.gather [spmem:s3], $0x1, s22, s12, $0xb8;
	[tilespmem:$0x17F80] =	vst v63  }
0x16d: {  	v1 =	vld [tilespmem:s23+$0x1900]  }
0x16e: {  	v2 =	vld [tilespmem:$0x2D00];
	_ =	sdelay $0x3  }
0x16f: {  	v1 =	vshll.u32 v1, $0x7  }
0x170: {  	v1 =	vadd.s32 v2, v1  }
0x171: {  	[tilespmem:$0x2F00] =	vst v1  }
0x172: {  	v1 =	vld [tilespmem:s23+$0x1910]  }
0x173: {  	v2 =	vld [tilespmem:$0x2D10];
	_ =	sdelay $0x3  }
0x174: {  	v1 =	vshll.u32 v1, $0x7  }
0x175: {  	v1 =	vadd.s32 v2, v1  }
0x176: {  	[tilespmem:$0x2F10] =	vst v1  }
0x177: {  	v1 =	vld [tilespmem:s23+$0x1920]  }
0x178: {  	v2 =	vld [tilespmem:$0x2D20];
	_ =	sdelay $0x3  }
0x179: {  	v1 =	vshll.u32 v1, $0x7  }
0x17a: {  	v1 =	vadd.s32 v2, v1  }
0x17b: {  	[tilespmem:$0x2F20] =	vst v1  }
0x17c: {  	v1 =	vld [tilespmem:s23+$0x1930]  }
0x17d: {  	v2 =	vld [tilespmem:$0x2D30];
	_ =	sdelay $0x3  }
0x17e: {  	v1 =	vshll.u32 v1, $0x7  }
0x17f: {  	v1 =	vadd.s32 v2, v1  }
0x180: {  	[tilespmem:$0x2F30] =	vst v1  }
0x181: {  	v1 =	vld [tilespmem:s23+$0x1940]  }
0x182: {  	v2 =	vld [tilespmem:$0x2D40];
	_ =	sdelay $0x3  }
0x183: {  	v1 =	vshll.u32 v1, $0x7  }
0x184: {  	v1 =	vadd.s32 v2, v1  }
0x185: {  	[tilespmem:$0x2F40] =	vst v1  }
0x186: {  	v1 =	vld [tilespmem:s23+$0x1950]  }
0x187: {  	v2 =	vld [tilespmem:$0x2D50];
	_ =	sdelay $0x3  }
0x188: {  	v1 =	vshll.u32 v1, $0x7  }
0x189: {  	v1 =	vadd.s32 v2, v1  }
0x18a: {  	[tilespmem:$0x2F50] =	vst v1  }
0x18b: {  	v1 =	vld [tilespmem:s23+$0x1960]  }
0x18c: {  	v2 =	vld [tilespmem:$0x2D60];
	_ =	sdelay $0x3  }
0x18d: {  	v1 =	vshll.u32 v1, $0x7  }
0x18e: {  	v1 =	vadd.s32 v2, v1  }
0x18f: {  	[tilespmem:$0x2F60] =	vst v1  }
0x190: {  	v1 =	vld [tilespmem:s23+$0x1970]  }
0x191: {  	v2 =	vld [tilespmem:$0x2D70];
	_ =	sdelay $0x3  }
0x192: {  	v1 =	vshll.u32 v1, $0x7  }
0x193: {  	v1 =	vadd.s32 v2, v1  }
0x194: {  	[tilespmem:$0x2F70] =	vst v1  }
0x195: {  	[spmem:s1] =	stream.indirect.scatter.add.f32 [tilespmem:s14], [sflag:$0x3], $0x1, s18, s12, $0xb8;
	[tilespmem:$0x17F80] =	vst v63  }
0x196: {  	_ =	swait.ge [sflag:s9], $0x80  }
0x197: {  	[sflag:s9] =	ssyncset.done $0x0  }
0x198: {  	[sflag:s9] =	ssyncadd.s32 $0xFFFFFF80  }
0x199: {  	_ =	swait.ge [sflag:s19], $0x80  }
0x19a: {  	[sflag:s19] =	ssyncset.done $0x0  }
0x19b: {  	[sflag:s19] =	ssyncadd.s32 $0xFFFFFF80  }
0x19c: {  	p1 =	por $0x0, $0x0;
	_ =	swait.ge [sflag:s19], $0x80  }
0x19d: {  	s11 =	simm.s32 @!p1 $0x2D00;
	[sflag:s19] =	ssyncset.done $0x0  }
0x19e: {  	s21 =	simm.s32 @!p1 $0x600;
	s22 =	simm.s32 @!p1 $0x80;
	[sflag:s19] =	ssyncadd.s32 $0xFFFFFF80  }
0x19f: {  	[tilespmem:s11], [sflag:$0x1] =	stream.indirect.gather @!p1 [spmem:s2], $0x1, s21, s22, $0xb8;
	[tilespmem:$0x17F80] =	vst v63  }
0x1a0: {  	s11 =	simm.s32 @!p1 $0x2E00  }
0x1a1: {  	[tilespmem:s11], [sflag:$0x1] =	stream.indirect.gather @!p1 [spmem:s3], $0x1, s21, s22, $0xb8;
	[tilespmem:$0x17F80] =	vst v63  }
0x1a2: {  	v1 =	vld [tilespmem:s23+$0x1980]  }
0x1a3: {  	v2 =	vld [tilespmem:$0x2D80];
	_ =	sdelay $0x3  }
0x1a4: {  	v1 =	vshll.u32 v1, $0x7  }
0x1a5: {  	v1 =	vadd.s32 v2, v1  }
0x1a6: {  	[tilespmem:$0x2F00] =	vst v1  }
0x1a7: {  	v1 =	vld [tilespmem:s23+$0x1990]  }
0x1a8: {  	v2 =	vld [tilespmem:$0x2D90];
	_ =	sdelay $0x3  }
0x1a9: {  	v1 =	vshll.u32 v1, $0x7  }
0x1aa: {  	v1 =	vadd.s32 v2, v1  }
0x1ab: {  	[tilespmem:$0x2F10] =	vst v1  }
0x1ac: {  	v1 =	vld [tilespmem:s23+$0x19A0]  }
0x1ad: {  	v2 =	vld [tilespmem:$0x2DA0];
	_ =	sdelay $0x3  }
0x1ae: {  	v1 =	vshll.u32 v1, $0x7  }
0x1af: {  	v1 =	vadd.s32 v2, v1  }
0x1b0: {  	[tilespmem:$0x2F20] =	vst v1  }
0x1b1: {  	v1 =	vld [tilespmem:s23+$0x19B0]  }
0x1b2: {  	v2 =	vld [tilespmem:$0x2DB0];
	_ =	sdelay $0x3  }
0x1b3: {  	v1 =	vshll.u32 v1, $0x7  }
0x1b4: {  	v1 =	vadd.s32 v2, v1  }
0x1b5: {  	[tilespmem:$0x2F30] =	vst v1  }
0x1b6: {  	v1 =	vld [tilespmem:s23+$0x19C0]  }
0x1b7: {  	v2 =	vld [tilespmem:$0x2DC0];
	_ =	sdelay $0x3  }
0x1b8: {  	v1 =	vshll.u32 v1, $0x7  }
0x1b9: {  	v1 =	vadd.s32 v2, v1  }
0x1ba: {  	[tilespmem:$0x2F40] =	vst v1  }
0x1bb: {  	v1 =	vld [tilespmem:s23+$0x19D0]  }
0x1bc: {  	v2 =	vld [tilespmem:$0x2DD0];
	_ =	sdelay $0x3  }
0x1bd: {  	v1 =	vshll.u32 v1, $0x7  }
0x1be: {  	v1 =	vadd.s32 v2, v1  }
0x1bf: {  	[tilespmem:$0x2F50] =	vst v1  }
0x1c0: {  	v1 =	vld [tilespmem:s23+$0x19E0]  }
0x1c1: {  	v2 =	vld [tilespmem:$0x2DE0];
	_ =	sdelay $0x3  }
0x1c2: {  	v1 =	vshll.u32 v1, $0x7  }
0x1c3: {  	v1 =	vadd.s32 v2, v1  }
0x1c4: {  	[tilespmem:$0x2F60] =	vst v1  }
0x1c5: {  	v1 =	vld [tilespmem:s23+$0x19F0]  }
0x1c6: {  	v2 =	vld [tilespmem:$0x2DF0];
	_ =	sdelay $0x3  }
0x1c7: {  	v1 =	vshll.u32 v1, $0x7  }
0x1c8: {  	v1 =	vadd.s32 v2, v1  }
0x1c9: {  	[tilespmem:$0x2F70] =	vst v1  }
0x1ca: {  	[spmem:s1] =	stream.indirect.scatter.add.f32 [tilespmem:s17], [sflag:$0x3], $0x1, s18, s12, $0xb8;
	[tilespmem:$0x17F80] =	vst v63  }
0x1cb: {  	_ =	swait.ge [sflag:s9], $0x80  }
0x1cc: {  	s20 =	simm.s32 $0x400;
	[sflag:s9] =	ssyncset.done $0x0  }
.LBB2_6:
0x1cd: {  	[sflag:s9] =	ssyncadd.s32 $0xFFFFFF80;
	s22 =	smov.u32 s20;
	s20 =	sadd.s32 $0x400, s20  }
0x1ce: {  	_ =	swait.ge [sflag:s15], $0x80;
	p1 =	sne.s32 s20, $0x5000  }
0x1cf: {  	[sflag:s15] =	ssyncset.done $0x0  }
0x1d0: {  	[sflag:s15] =	ssyncadd.s32 $0xFFFFFF80  }
0x1d1: {  	_ =	swait.ge [sflag:s15], $0x80  }
0x1d2: {  	s21 =	sshra.s32 s22, $0x2;
	[sflag:s15] =	ssyncset.done $0x0  }
0x1d3: {  	s11 =	sadd.s32 $0x580, s21;
	[sflag:s15] =	ssyncadd.s32 $0xFFFFFF80  }
0x1d4: {  	[tilespmem:s16], [sflag:$0x2] =	stream.indirect.gather [spmem:s2], $0x1, s11, s12, $0xb8;
	[tilespmem:$0x17F80] =	vst v63  }
0x1d5: {  	_ = 	snop  }
0x1d6: {  	[tilespmem:s17], [sflag:$0x2] =	stream.indirect.gather [spmem:s3], $0x1, s11, s12, $0xb8;
	[tilespmem:$0x17F80] =	vst v63  }
0x1d7: {  	v1 =	vld [tilespmem:s21+$0x1900]  }
0x1d8: {  	v2 =	vld [tilespmem:$0x2D00]  }
0x1d9: {  	v3 =	vld [tilespmem:$0x2D10]  }
0x1da: {  	v4 =	vld [tilespmem:$0x2D20]  }
0x1db: {  	v5 =	vld [tilespmem:$0x2D30]  }
0x1dc: {  	v1 =	vshll.u32 v1, $0x7;
	v6 =	vld [tilespmem:$0x2D40]  }
0x1dd: {  	v1 =	vadd.s32 v2, v1;
	v2 =	vld [tilespmem:$0x2D50]  }
0x1de: {  	[tilespmem:$0x2F00] =	vst v1;
	v1 =	vld [tilespmem:$0x2D60]  }
0x1df: {  	v7 =	vld [tilespmem:s21+$0x1910]  }
0x1e0: {  	v8 =	vld [tilespmem:$0x2D70];
	_ =	sdelay $0x3  }
0x1e1: {  	v7 =	vshll.u32 v7, $0x7  }
0x1e2: {  	v3 =	vadd.s32 v3, v7  }
0x1e3: {  	[tilespmem:$0x2F10] =	vst v3  }
0x1e4: {  	v3 =	vld [tilespmem:s21+$0x1920];
	_ =	sdelay $0x4  }
0x1e5: {  	v3 =	vshll.u32 v3, $0x7  }
0x1e6: {  	v3 =	vadd.s32 v4, v3  }
0x1e7: {  	[tilespmem:$0x2F20] =	vst v3  }
0x1e8: {  	v3 =	vld [tilespmem:s21+$0x1930];
	_ =	sdelay $0x4  }
0x1e9: {  	v3 =	vshll.u32 v3, $0x7  }
0x1ea: {  	v3 =	vadd.s32 v5, v3  }
0x1eb: {  	[tilespmem:$0x2F30] =	vst v3  }
0x1ec: {  	v3 =	vld [tilespmem:s21+$0x1940];
	_ =	sdelay $0x4  }
0x1ed: {  	v3 =	vshll.u32 v3, $0x7  }
0x1ee: {  	v3 =	vadd.s32 v6, v3  }
0x1ef: {  	[tilespmem:$0x2F40] =	vst v3  }
0x1f0: {  	v3 =	vld [tilespmem:s21+$0x1950];
	_ =	sdelay $0x4  }
0x1f1: {  	v3 =	vshll.u32 v3, $0x7  }
0x1f2: {  	v2 =	vadd.s32 v2, v3  }
0x1f3: {  	[tilespmem:$0x2F50] =	vst v2  }
0x1f4: {  	v2 =	vld [tilespmem:s21+$0x1960];
	_ =	sdelay $0x4  }
0x1f5: {  	v2 =	vshll.u32 v2, $0x7  }
0x1f6: {  	v1 =	vadd.s32 v1, v2  }
0x1f7: {  	[tilespmem:$0x2F60] =	vst v1  }
0x1f8: {  	v1 =	vld [tilespmem:s21+$0x1970];
	_ =	sdelay $0x4  }
0x1f9: {  	v1 =	vshll.u32 v1, $0x7  }
0x1fa: {  	v1 =	vadd.s32 v8, v1  }
0x1fb: {  	[tilespmem:$0x2F70] =	vst v1  }
0x1fc: {  	[spmem:s1] =	stream.indirect.scatter.add.f32 [tilespmem:s14], [sflag:$0x3], $0x1, s18, s12, $0xb8;
	[tilespmem:$0x17F80] =	vst v63  }
0x1fd: {  	_ =	swait.ge [sflag:s9], $0x80  }
0x1fe: {  	[sflag:s9] =	ssyncset.done $0x0  }
0x1ff: {  	[sflag:s9] =	ssyncadd.s32 $0xFFFFFF80  }
0x200: {  	_ =	swait.ge [sflag:s19], $0x80  }
0x201: {  	[sflag:s19] =	ssyncset.done $0x0  }
0x202: {  	[sflag:s19] =	ssyncadd.s32 $0xFFFFFF80  }
0x203: {  	p2 =	seq.s32 s22, $0x4C00;
	_ =	swait.ge [sflag:s19], $0x80  }
0x204: {  	s11 =	sshra.s32 @!p2 s22, $0x2;
	s22 =	simm.s32 @!p2 $0x2D00;
	[sflag:s19] =	ssyncset.done $0x0  }
0x205: {  	s23 =	simm.s32 @!p2 $0x80;
	s11 =	sadd.s32 @!p2 $0x600, s11;
	[sflag:s19] =	ssyncadd.s32 $0xFFFFFF80  }
0x206: {  	[tilespmem:s22], [sflag:$0x1] =	stream.indirect.gather @!p2 [spmem:s2], $0x1, s11, s23, $0xb8;
	[tilespmem:$0x17F80] =	vst v63  }
0x207: {  	s22 =	simm.s32 @!p2 $0x2E00  }
0x208: {  	[tilespmem:s22], [sflag:$0x1] =	stream.indirect.gather @!p2 [spmem:s3], $0x1, s11, s23, $0xb8;
	[tilespmem:$0x17F80] =	vst v63  }
0x209: {  	v1 =	vld [tilespmem:s21+$0x1980]  }
0x20a: {  	v2 =	vld [tilespmem:$0x2D80]  }
0x20b: {  	v3 =	vld [tilespmem:$0x2D90]  }
0x20c: {  	v4 =	vld [tilespmem:$0x2DA0]  }
0x20d: {  	v5 =	vld [tilespmem:$0x2DB0]  }
0x20e: {  	v1 =	vshll.u32 v1, $0x7;
	v6 =	vld [tilespmem:$0x2DC0]  }
0x20f: {  	v1 =	vadd.s32 v2, v1;
	v2 =	vld [tilespmem:$0x2DD0]  }
0x210: {  	[tilespmem:$0x2F00] =	vst v1;
	v1 =	vld [tilespmem:$0x2DE0]  }
0x211: {  	v7 =	vld [tilespmem:s21+$0x1990]  }
0x212: {  	v8 =	vld [tilespmem:$0x2DF0];
	_ =	sdelay $0x3  }
0x213: {  	v7 =	vshll.u32 v7, $0x7  }
0x214: {  	v3 =	vadd.s32 v3, v7  }
0x215: {  	[tilespmem:$0x2F10] =	vst v3  }
0x216: {  	v3 =	vld [tilespmem:s21+$0x19A0];
	_ =	sdelay $0x4  }
0x217: {  	v3 =	vshll.u32 v3, $0x7  }
0x218: {  	v3 =	vadd.s32 v4, v3  }
0x219: {  	[tilespmem:$0x2F20] =	vst v3  }
0x21a: {  	v3 =	vld [tilespmem:s21+$0x19B0];
	_ =	sdelay $0x4  }
0x21b: {  	v3 =	vshll.u32 v3, $0x7  }
0x21c: {  	v3 =	vadd.s32 v5, v3  }
0x21d: {  	[tilespmem:$0x2F30] =	vst v3  }
0x21e: {  	v3 =	vld [tilespmem:s21+$0x19C0];
	_ =	sdelay $0x4  }
0x21f: {  	v3 =	vshll.u32 v3, $0x7  }
0x220: {  	v3 =	vadd.s32 v6, v3  }
0x221: {  	[tilespmem:$0x2F40] =	vst v3  }
0x222: {  	v3 =	vld [tilespmem:s21+$0x19D0];
	_ =	sdelay $0x4  }
0x223: {  	v3 =	vshll.u32 v3, $0x7  }
0x224: {  	v2 =	vadd.s32 v2, v3  }
0x225: {  	[tilespmem:$0x2F50] =	vst v2  }
0x226: {  	v2 =	vld [tilespmem:s21+$0x19E0];
	_ =	sdelay $0x4  }
0x227: {  	v2 =	vshll.u32 v2, $0x7  }
0x228: {  	v1 =	vadd.s32 v1, v2  }
0x229: {  	[tilespmem:$0x2F60] =	vst v1  }
0x22a: {  	v1 =	vld [tilespmem:s21+$0x19F0];
	_ =	sdelay $0x4  }
0x22b: {  	v1 =	vshll.u32 v1, $0x7  }
.Ltmp2:
0x22c: {  	v1 =	vadd.s32 v8, v1;
	(pc) =	sbr.rel @p1 .LBB2_6-.Ltmp2, $4  }
0x22d: {  	[tilespmem:$0x2F70] =	vst v1  }
0x22e: {  	[spmem:s1] =	stream.indirect.scatter.add.f32 [tilespmem:s17], [sflag:$0x3], $0x1, s18, s12, $0xb8;
	[tilespmem:$0x17F80] =	vst v63  }
0x22f: {  	_ =	swait.ge [sflag:s9], $0x80  }
0x230: {  	[sflag:s9] =	ssyncset.done $0x0  }
0x231: {  	[sflag:s9] =	ssyncadd.s32 $0xFFFFFF80;
	s11 =	stileid.u32;
	s5 =	sadd.s32 $0x1, s5  }
0x232: {  	s20 =	sshrl.u32 s8, $0x3;
	s11 =	sshll.u32 s11, $0x6;
	p1 =	sne.s32 s5, s25  }
.Ltmp3:
0x233: {  	[bflag:$0x0] =	sbarrier.arrive $0xFFFF;
	s11 =	sor.u32 $0x1C03, s11;
	(pc) =	sbr.rel @p1 .LBB2_1-.Ltmp3, $4  }
0x234: {  	[hbm:s24], [sflag:s11] =	dma.local [spmem:s20], $0x2800  }
0x235: {  	_ =	swait.ge [sflag:s9], $0x2800  }
0x236: {  	[sflag:s9] =	ssyncset.done $0x0  }
0x237: {  	[sflag:s9] =	ssyncadd.s32 $0xFFFFD800  }
0x238: {  	_ =	sfence.sel $0x180000  }
0x239: {  	[bflag:$0x0] =	sbarrier.arrive $0xFFFF  }
0x23a: {  	_ =	strace $0x9000004A  }
0x23b: {  	[bflag:$0x2] =	sbarrier.arrive $0xFFFF  }
0x23c: {  	s0 =	rddreg [dreg:$0x4]  }
0x23d: {  	s0 =	sadd.s32 @!p0 $0x100000, s0  }
0x23e: {  	[sflag:s0] =	ssyncadd.tile.s32 @!p0 $0x1;
	_ =	shalt  }
.Lfunc_end2:
_tile_overlayer_lowered:
.L_overlay_start_2:
0x23f: {  	(tag) =	ssettag $0x2  }
0x240: {  	s0 =	rddreg [dreg:$0x0];
	s2 =	stileid.u32  }
0x241: {  	s1 =	rddreg [dreg:$0x1];
	p0 =	sne.s32 s2, $0x0  }
0x242: {  	s3 =	rddreg [dreg:$0x2];
	[bflag:$0x3] =	sbarrier.arrive $0xFFFF;
	s2 =	simm.s32 @!p0 $0x1C03  }
0x243: {  	[timem:s3], [sflag:s2] =	dma.local @!p0 [hbm:s0], s1  }
0x244: {  	s0 =	simm.s32 @!p0 $0x3  }
0x245: {  	_ =	swait.ge @!p0 [sflag:s0], s1  }
0x246: {  	s1 =	ssub.s32 @!p0 $0x0, s1;
	[sflag:s0] =	ssyncset.done @!p0 $0x0  }
0x247: {  	[sflag:s0] =	ssyncadd.s32 @!p0 s1  }
0x248: {  	[bflag:$0x3] =	sbarrier.arrive $0xFFFF  }
0x249: {  	_ =	shalt  }

// kernel: kernel.14.cloned.1.call-start
scs
__scs_entry_jumppad:
0x0: {  	(pc) =	sbr.rel $0x88, $3  }
0x1: {  	(tag) =	ssettag $0x0;
	lr =	simm.s32 $0x1  }
0x2: {  	[smem:$0x3F99] =	sst lr;
	_ =	strace $0xD0000000  }
0x3: {  	_ = 	snop  }
0x4: {  	_ = 	snop  }
0x5: {  	_ = 	snop  }
0x6: {  	_ = 	snop  }
0x7: {  	_ = 	snop  }
__scs_overlays_trampoline_lowered:
0x8: {  	[smem:$0x3FA8] =	sst s0  }
0x9: {  	[smem:$0x3FA9] =	sst s1  }
0xa: {  	[smem:$0x3FAA] =	sst s2  }
0xb: {  	[smem:$0x3FAB] =	sst s3  }
0xc: {  	[smem:$0x3FAC] =	sst s4  }
0xd: {  	[smem:$0x3FAD] =	sst s5  }
0xe: {  	[smem:$0x3FAE] =	sst s6  }
0xf: {  	[smem:$0x3FAF] =	sst s7  }
0x10: {  	[smem:$0x3FB0] =	sst s8  }
0x11: {  	[smem:$0x3FB1] =	sst s9;
	s0 =	simm.s32 @!p0 $0x0  }
0x12: {  	s1 =	sld [smem:$0x3F97];
	s0 =	simm.s32 @p0 $0x1  }
0x13: {  	[smem:$0x3FB2] =	sst s0;
	s0 =	simm.s32 @!p1 $0x0  }
0x14: {  	s2 =	sld [smem:$0x3F96];
	s0 =	simm.s32 @p1 $0x1  }
0x15: {  	[smem:$0x3FB3] =	sst s0;
	s0 =	simm.s32 @!p2 $0x0  }
0x16: {  	s3 =	sld [smem:$0x3FDB];
	s0 =	simm.s32 @p2 $0x1  }
0x17: {  	s4 =	simm.s32 $0x1BF5;
	[smem:$0x3FB5] =	sst s0  }
0x18: {  	s0 =	sld [smem:$0x3F98];
	_ =	swait.ge [sflag:s4], $0x0  }
0x19: {  	s7 =	sld [smem:$0x3F99]  }
0x1a: {  	s8 =	sadd.s32 $0xFFFFE003, lr  }
0x1b: {  	s9 =	sadd.s32 $0xFFFFFEF7, lr;
	s5 =	simm.s32 $0xFFFFFFFF;
	p2 =	slt.u32 s8, $0xFFFFF086  }
0x1c: {  	p1 =	slt.u32 s9, $0xF7A;
	s5 =	simm.s32 @!p2 $0x0  }
0x1d: {  	s5 =	simm.s32 @p1 $0x1;
	p0 =	seq.s32 s7, s2  }
0x1e: {  	s7 =	smul.u32 @!p0 $0xF7A, s2;
	p2 =	seq.s32 @!p0 s5, $0x0  }
0x1f: {  	s9 =	smul.u32 $0xF7A, s1;
	s8 =	simm.s32 @!p0 $0x1BF5;
	p2 =	por !p2, p0  }
0x20: {  	[sflag:s8] =	ssyncset.s32 @!p0 $0xFFFFF086;
	s6 =	sadd.s32 @!p0 s3, s7;
	s7 =	simm.s32 @!p0 $0x108  }
0x21: {  	s3 =	sadd.s32 s3, s9;
	s6 =	sadd.s32 @!p0 $0x88, s6;
	s7 =	simm.s32 @p2 $0x1082  }
0x22: {  	[simem:s7], [sflag:s8] =	dma.local @!p0 [hbm:s6], $0xF7A  }
0x23: {  	s9 =	sor.u32 $0xD0000000, s2;
	s6 =	simm.s32 $0x108;
	_ =	swait.ge @!p0 [sflag:s8], $0x0  }
0x24: {  	s3 =	sadd.s32 $0x88, s3;
	s6 =	simm.s32 @!p1 $0x1082;
	[sflag:s4] =	ssyncset.s32 $0xFFFFF086  }
0x25: {  	[simem:s6], [sflag:s4] =	dma.local [hbm:s3], $0xF7A  }
0x26: {  	[smem:$0x3F99] =	sst s1;
	(tag) =	ssettag s2;
	_ =	strace s9  }
0x27: {  	s1 =	sld [smem:$0x3FA9]  }
0x28: {  	s2 =	sld [smem:$0x3FAA]  }
0x29: {  	s4 =	sld [smem:$0x3FAC]  }
0x2a: {  	p0 =	seq.s32 s5, $0x0;
	s5 =	sld [smem:$0x3FAD]  }
0x2b: {  	s6 =	sld [smem:$0x3FAE]  }
0x2c: {  	s7 =	sld [smem:$0x3FAF]  }
0x2d: {  	s3 =	simm.s32 $0x108;
	s8 =	sld [smem:$0x3FB0]  }
0x2e: {  	s3 =	simm.s32 @!p0 $0x1082;
	s9 =	sld [smem:$0x3FB1]  }
0x2f: {  	lr =	sadd.s32 s0, s3;
	s0 =	sld [smem:$0x3FA8]  }
0x30: {  	s3 =	sld [smem:$0x3FAB]  }
0x31: {  	[smem:$0x3FB4] =	sst s10  }
0x32: {  	s10 =	sld [smem:$0x3FB2];
	_ =	sdelay $0x3  }
0x33: {  	p0 =	seq.s32 s10, $0x1;
	s10 =	sld [smem:$0x3FB4];
	_ =	sdelay $0x3  }
0x34: {  	[smem:$0x3FB4] =	sst s10  }
0x35: {  	s10 =	sld [smem:$0x3FB3];
	_ =	sdelay $0x3  }
0x36: {  	p1 =	seq.s32 s10, $0x1;
	s10 =	sld [smem:$0x3FB4];
	_ =	sdelay $0x3  }
0x37: {  	[smem:$0x3FB4] =	sst s10  }
0x38: {  	s10 =	sld [smem:$0x3FB5]  }
0x39: {  	_ = 	snop;
	(pc) =	sbr.ind lr, $3  }
0x3a: {  	_ = 	snop  }
0x3b: {  	_ = 	snop  }
0x3c: {  	p2 =	seq.s32 s10, $0x1;
	s10 =	sld [smem:$0x3FB4]  }
0x3d: {  	_ =	shalt  }
0x3e: {  	_ =	shalt  }
0x3f: {  	_ =	shalt  }
0x40: {  	_ =	shalt  }
0x41: {  	_ =	shalt  }
0x42: {  	_ =	shalt  }
0x43: {  	_ =	shalt  }
0x44: {  	_ =	shalt  }
0x45: {  	_ =	shalt  }
0x46: {  	_ =	shalt  }
0x47: {  	_ =	shalt  }
0x48: {  	_ =	shalt  }
0x49: {  	_ =	shalt  }
0x4a: {  	_ =	shalt  }
0x4b: {  	_ =	shalt  }
0x4c: {  	_ =	shalt  }
0x4d: {  	_ =	shalt  }
0x4e: {  	_ =	shalt  }
0x4f: {  	_ =	shalt  }
0x50: {  	_ =	shalt  }
0x51: {  	_ =	shalt  }
0x52: {  	_ =	shalt  }
0x53: {  	_ =	shalt  }
0x54: {  	_ =	shalt  }
0x55: {  	_ =	shalt  }
0x56: {  	_ =	shalt  }
0x57: {  	_ =	shalt  }
0x58: {  	_ =	shalt  }
0x59: {  	_ =	shalt  }
0x5a: {  	_ =	shalt  }
0x5b: {  	_ =	shalt  }
0x5c: {  	_ =	shalt  }
0x5d: {  	_ =	shalt  }
0x5e: {  	_ =	shalt  }
0x5f: {  	_ =	shalt  }
0x60: {  	_ =	shalt  }
0x61: {  	_ =	shalt  }
0x62: {  	_ =	shalt  }
0x63: {  	_ =	shalt  }
0x64: {  	_ =	shalt  }
0x65: {  	_ =	shalt  }
0x66: {  	_ =	shalt  }
0x67: {  	_ =	shalt  }
0x68: {  	_ =	shalt  }
0x69: {  	_ =	shalt  }
0x6a: {  	_ =	shalt  }
0x6b: {  	_ =	shalt  }
0x6c: {  	_ =	shalt  }
0x6d: {  	_ =	shalt  }
0x6e: {  	_ =	shalt  }
0x6f: {  	_ =	shalt  }
0x70: {  	_ =	shalt  }
0x71: {  	_ =	shalt  }
0x72: {  	_ =	shalt  }
0x73: {  	_ =	shalt  }
0x74: {  	_ =	shalt  }
0x75: {  	_ =	shalt  }
0x76: {  	_ =	shalt  }
0x77: {  	_ =	shalt  }
0x78: {  	_ =	shalt  }
0x79: {  	_ =	shalt  }
0x7a: {  	_ =	shalt  }
0x7b: {  	_ =	shalt  }
0x7c: {  	_ =	shalt  }
0x7d: {  	_ =	shalt  }
0x7e: {  	_ =	shalt  }
0x7f: {  	_ =	shalt  }
0x80: {  	_ =	shalt  }
0x81: {  	_ =	shalt  }
0x82: {  	_ =	shalt  }
0x83: {  	_ =	shalt  }
0x84: {  	_ =	shalt  }
0x85: {  	_ =	shalt  }
0x86: {  	_ =	shalt  }
0x87: {  	_ =	shalt  }
.Lfunc_end0:
.L_simem_size_0:
called_computation.2_lowered:
.L_overlay_start_0:
0x88: {  	s2 =	sld [smem:$0x3FD9]  }
0x89: {  	s3 =	sld [smem:$0x3FFE];
	_ =	sdelay $0x1  }
0x8a: {  	s1 =	srdreg.scid  }
0x8b: {  	s0 =	sand.u32 $0x1, s1  }
0x8c: {  	s16 =	sshll.u32 s0, $0xA;
	s2 =	sadd.s32 s3, s2  }
0x8d: {  	s2 =	sadd.s32 s2, s16  }
0x8e: {  	[smem:$0x3FC0] =	sst s2  }
0x8f: {  	_ = 	snop  }
0x90: {  	(tm) =	ssettm $0x1  }
0x91: {  	s17 =	sld [smem:$0x3FFB];
	_ =	sdelay $0x3  }
0x92: {  	_ =	strace s17  }
0x93: {  	s2 =	sld [smem:$0x3FFC];
	_ =	sdelay $0x3  }
0x94: {  	_ =	strace s2  }
0x95: {  	s2 =	sld [smem:$0x3FFD];
	_ =	sdelay $0x3  }
0x96: {  	_ =	strace s2  }
0x97: {  	_ =	strace $0x8FFFFFFF  }
0x98: {  	s18 =	sld [smem:$0x3FDB];
	_ =	sdelay $0x1  }
0x99: {  	s19 =	simm.s32 $_scs_section_size  }
0x9a: {  	s4 =	simm.s32 $_size__tile_overlayer_lowered;
	s5 =	simm.s32 $_tile_overlayer_lowered  }
0x9b: {  	s22 =	simm.s32 $0x1BFF;
	s21 =	sshll.u32 s5, $0x1;
	s2 =	sadd.s32 s19, s18  }
0x9c: {  	s6 =	simm.s32 $0x0;
	s20 =	sshll.u32 s4, $0x1;
	s4 =	sadd.s32 s21, s2  }
0x9d: {  	[timem:s6], [sflag:s22] =	dma.local [hbm:s4], s20  }
0x9e: {  	_ =	swait.ge [sflag:s22], s20  }
0x9f: {  	s3 =	ssub.s32 $0x0, s20;
	[sflag:s22] =	ssyncset.done $0x0  }
0xa0: {  	[sflag:s22] =	ssyncadd.s32 s3;
	_ =	sdelay $0x1  }
0xa1: {  	s23 =	simm.s32 $0x1B8B  }
0xa2: {  	_ =	swait.ge [sflag:s23], $0x1  }
0xa3: {  	[sflag:s23] =	ssyncset.done $0x0  }
0xa4: {  	s25 =	simm.s32 $0x1B8E;
	s24 =	sld [smem:$0x3FFE];
	[sflag:s23] =	ssyncadd.s32 $0xFFFFFFFF  }
0xa5: {  	s26 =	simm.s32 $execute0_lowered;
	[smem:$0x3FD2] =	sst s25  }
0xa6: {  	s4 =	sshll.u32 s26, $0x1;
	_ =	strace $0x8000004C;
	[dreg:$0x1] =	wrdreg $0xFFFFFFFF  }
0xa7: {  	s28 =	simm.s32 $_size_execute0_lowered;
	s2 =	sadd.s32 s2, s4;
	[dreg:$0x0] =	wrdreg $0x0  }
0xa8: {  	s4 =	sshll.u32 s28, $0x1;
	[dreg:$0x2] =	wrdreg s2  }
0xa9: {  	[dreg:$0x3] =	wrdreg s4  }
0xaa: {  	[dreg:$0x4] =	wrdreg $0xC0  }
0xab: {  	_ =	task [dreg:s6], $0x5FFFF  }
0xac: {  	[dreg:$0x1] =	wrdreg $0xFFFFFFFF  }
0xad: {  	[dreg:$0x0] =	wrdreg $0x60  }
0xae: {  	[dreg:$0x2] =	wrdreg s24  }
0xaf: {  	[dreg:$0x3] =	wrdreg $0xA8000  }
0xb0: {  	[dreg:$0x4] =	wrdreg $0x9  }
0xb1: {  	_ =	task.clear_ibuf [dreg:s6], $0x5FFFF;
	_ =	strace $0x9000004C  }
0xb2: {  	s29 =	simm.s32 $0x9;
	_ =	strace $0x8000004E  }
0xb3: {  	_ =	swait.ge [sflag:s29], $0x1  }
0xb4: {  	[sflag:s29] =	ssyncadd.s32 $0xFFFFFFFF  }
0xb5: {  	_ =	strace $0x9000004E  }
0xb6: {  	_ =	sfence  }
0xb7: {  	s30 =	sld [smem:$0x0];
	_ =	sdelay $0x2  }
0xb8: {  	s31 =	sshll.u32 s1, $0xD;
	s1 =	sshrl.u32 s1, $0x2  }
0xb9: {  	s3 =	sand.u32 $0x4000, s31;
	s1 =	sadd.s32 s1, s30  }
0xba: {  	s0 =	sor.u32 s3, s0;
	s1 =	sshll.u32 s1, $0x11  }
0xbb: {  	s0 =	sor.u32 s1, s0  }
0xbc: {  	s0 =	sadd.s32 $0x8F2B, s0  }
0xbd: {  	[sflag:s0] =	ssyncadd.remote.s32 $0x1  }
0xbe: {  	_ =	sfence.sel $0xFFFF  }
0xbf: {  	[dreg:$0x0] =	wrdreg $0xFFFFFFFF;
	(pc) =	sbr.abs _section_cstart, $3  }
0xc0: {  	[dreg:$0x1] =	wrdreg $0xFFFFFFFF  }
0xc1: {  	_ =	task.clear_ibuf [dreg:s6], $0x2FFFF;
	_ =	strace $0x9FFFFFFF  }
0xc2: {  	(tm) =	ssettm $0x7FFFFFFF  }
0xc3: {  	_ =	shalt  }
tec
execute0_lowered:
.L_overlay_start_1:
0x0: {  	(tag) =	ssettag $0x1  }
0x1: {  	s6 =	rddreg [dreg:$0x0]  }
0x2: {  	s1 =	rddreg [dreg:$0x1]  }
0x3: {  	s2 =	srdreg.scid;
	s0 =	rddreg [dreg:$0x2]  }
0x4: {  	s3 =	simm.s32 $0x0;
	s18 =	simm.s32 $0x1400;
	s19 =	simm.s32 $0x80  }
0x5: {  	s20 =	simm.s32 $0x6800;
	s21 =	simm.s32 $0x1;
	s22 =	simm.s32 $0x2  }
0x6: {  	s23 =	simm.s32 $0x3;
	s24 =	simm.s32 $0x100;
	s28 =	simm.s32 $0x0  }
0x7: {  	s5 =	sand.u32 $0x1, s2;
	s2 =	stileid.u32;
	[smem:$0x7FF] =	sst s3  }
0x8: {  	s4 =	sadd.s32 $0x15A00, s6;
	s12 =	sadd.s32 $0x1A00, s6;
	s7 =	smul.u32 $0x140000, s5  }
0x9: {  	s13 =	sadd.s32 $0xBA00, s6;
	s8 =	smul.u32 $0x14000, s2;
	_ =	strace $0x8000004D  }
0xa: {  	s25 =	smul.u32 $0x50000, s2;
	s9 =	sshll.u32 s5, $0x4;
	s10 =	ssub.s32 $0x2, s5  }
0xb: {  	s29 =	sor.u32 s2, s9;
	s30 =	sshrl.u32 s10, $0x1;
	s7 =	sadd.s32 s8, s7  }
0xc: {  	s26 =	sshrl.u32 s25, $0x2;
	s11 =	smul.u32 $0x2800, s29;
	s15 =	ssub.s32 s10, s30  }
0xd: {  	s16 =	smul.u32 $0x500, s29;
	s25 =	simm.s32 $0x1480;
	s7 =	sshrl.u32 s7, $0x3  }
0xe: {  	s5 =	sadd.s32 s26, s1;
	s15 =	smax.u32 s15, $0x1;
	s26 =	simm.s32 $0x4  }
.Ltmp0:
0xf: {  	s14 =	sadd.s32 s7, s6;
	s6 =	sadd.s32 $0x4000, s5;
	(pc) =	sbr.rel .LBB2_1-.Ltmp0, $4  }
0x10: {  	s7 =	sadd.s32 $0x8000, s5;
	s31 =	sshrl.u32 s11, $0x3;
	s8 =	sadd.s32 $0xC000, s5  }
0x11: {  	s9 =	sadd.s32 $0x10000, s5;
	s10 =	sadd.s32 s12, s16;
	s11 =	sadd.s32 s13, s16  }
0x12: {  	s16 =	simm.s32 $0x2800;
	s17 =	sadd.s32 $0x280, s31;
	s14 =	sadd.s32 $0x3DA00, s14  }
0x13: {  	v0 =	vimm.f32 $0.0e+00;
	s12 =	sadd.s32 s12, s17;
	s13 =	sadd.s32 s13, s17;
	s17 =	simm.s32 $0x5  }
.LBB2_9:
0x14: {  	[spmem:s1] =	stream.indirect.scatter.add.f32 [tilespmem:s20], [sflag:$0x4], $0x80, s31, s19, $0xb8;
	[tilespmem:$0x1E800] =	vst v63  }
0x15: {  	_ =	swait.ge [sflag:s26], $0x4000  }
0x16: {  	s29 =	sshll.u32 s2, $0x6;
	s28 =	sadd.s32 $0x1, s28;
	[sflag:s26] =	ssyncset.done $0x0  }
0x17: {  	s30 =	sshrl.u32 s5, $0x3;
	p0 =	sne.s32 s28, s15;
	[sflag:s26] =	ssyncadd.s32 $0xFFFFC000  }
.Ltmp1:
0x18: {  	s29 =	sor.u32 $0x1C05, s29;
	[bflag:$0x0] =	sbarrier.arrive $0xFFFF;
	(pc) =	sbr.rel @!p0 .LBB2_10-.Ltmp1, $4  }
0x19: {  	[hbm:s14], [sflag:s29] =	dma.local [spmem:s30], $0x2800  }
0x1a: {  	_ =	swait.ge [sflag:s17], $0x2800  }
0x1b: {  	[sflag:s17] =	ssyncset.done $0x0  }
0x1c: {  	[sflag:s17] =	ssyncadd.s32 $0xFFFFD800  }
.LBB2_1:
0x1d: {  	s29 =	simm.s32 $0x0;
	s30 =	simm.s32 $0x200  }
.LBB2_2:
0x1e: {  	p0 =	sne.s32 s30, $0xFE00;
	[tilespmem:s29+$0x2870] =	vst v0  }
0x1f: {  	[tilespmem:s29+$0x2800] =	vst v0  }
0x20: {  	[tilespmem:s29+$0x2810] =	vst v0  }
.Ltmp2:
0x21: {  	[tilespmem:s29+$0x2820] =	vst v0;
	(pc) =	sbr.rel @p0 .LBB2_2-.Ltmp2, $4  }
0x22: {  	[tilespmem:s29+$0x2830] =	vst v0  }
0x23: {  	[tilespmem:s29+$0x2840] =	vst v0  }
0x24: {  	[tilespmem:s29+$0x2850] =	vst v0  }
0x25: {  	[tilespmem:s29+$0x2860] =	vst v0;
	s29 =	sshra.s32 s30, $0x2;
	s30 =	sadd.s32 $0x200, s30  }
0x26: {  	[tilespmem:s29+$0x2870] =	vst v0  }
0x27: {  	[tilespmem:s29+$0x2800] =	vst v0  }
0x28: {  	[tilespmem:s29+$0x2810] =	vst v0  }
0x29: {  	[tilespmem:s29+$0x2820] =	vst v0  }
0x2a: {  	[tilespmem:s29+$0x2830] =	vst v0  }
0x2b: {  	[tilespmem:s29+$0x2840] =	vst v0  }
0x2c: {  	[tilespmem:s29+$0x2850] =	vst v0  }
0x2d: {  	[tilespmem:s29+$0x2860] =	vst v0  }
0x2e: {  	[spmem:s5] =	stream.linear.scatter [tilespmem:s16], [sflag:$0x5], $0x4000, $0x38;
	[tilespmem:$0x1E800] =	vst v63  }
0x2f: {  	_ =	swait.ge [sflag:s17], $0x4000  }
0x30: {  	[sflag:s17] =	ssyncset.done $0x0  }
0x31: {  	[sflag:s17] =	ssyncadd.s32 $0xFFFFC000  }
0x32: {  	[spmem:s6] =	stream.linear.scatter [tilespmem:s16], [sflag:$0x5], $0x4000, $0x38;
	[tilespmem:$0x1E800] =	vst v63  }
0x33: {  	_ =	swait.ge [sflag:s17], $0x4000  }
0x34: {  	[sflag:s17] =	ssyncset.done $0x0  }
0x35: {  	[sflag:s17] =	ssyncadd.s32 $0xFFFFC000  }
0x36: {  	[spmem:s7] =	stream.linear.scatter [tilespmem:s16], [sflag:$0x5], $0x4000, $0x38;
	[tilespmem:$0x1E800] =	vst v63  }
0x37: {  	_ =	swait.ge [sflag:s17], $0x4000  }
0x38: {  	[sflag:s17] =	ssyncset.done $0x0  }
0x39: {  	[sflag:s17] =	ssyncadd.s32 $0xFFFFC000  }
0x3a: {  	[spmem:s8] =	stream.linear.scatter [tilespmem:s16], [sflag:$0x5], $0x4000, $0x38;
	[tilespmem:$0x1E800] =	vst v63  }
0x3b: {  	_ =	swait.ge [sflag:s17], $0x4000  }
0x3c: {  	[sflag:s17] =	ssyncset.done $0x0  }
0x3d: {  	[sflag:s17] =	ssyncadd.s32 $0xFFFFC000  }
0x3e: {  	[spmem:s9] =	stream.linear.scatter [tilespmem:s16], [sflag:$0x5], $0x4000, $0x38;
	[tilespmem:$0x1E800] =	vst v63  }
0x3f: {  	_ =	swait.ge [sflag:s17], $0x4000  }
0x40: {  	[sflag:s17] =	ssyncset.done $0x0  }
0x41: {  	[sflag:s17] =	ssyncadd.s32 $0xFFFFC000  }
0x42: {  	[tilespmem:s3], [sflag:$0x5] =	stream.linear.gather [hbm4b:s10+s3], $0x1400, $0x38;
	[tilespmem:$0x1E800] =	vst v63  }
0x43: {  	_ =	swait.ge [sflag:s17], $0x1400  }
0x44: {  	[sflag:s17] =	ssyncset.done $0x0  }
0x45: {  	[sflag:s17] =	ssyncadd.s32 $0xFFFFEC00  }
0x46: {  	[tilespmem:s18], [sflag:$0x5] =	stream.linear.gather [hbm4b:s11+s3], $0x1400, $0x38;
	[tilespmem:$0x1E800] =	vst v63  }
0x47: {  	_ =	swait.ge [sflag:s17], $0x1400  }
0x48: {  	[sflag:s17] =	ssyncset.done $0x0  }
0x49: {  	[sflag:s17] =	ssyncadd.s32 $0xFFFFEC00  }
0x4a: {  	[tilespmem:s16], [sflag:$0x1] =	stream.indirect.gather [hbm4b:s4+s19], $0x80, s3, s19, $0xb8;
	[tilespmem:$0x1E800] =	vst v63  }
0x4b: {  	[bflag:$0x0] =	sbarrier.arrive $0xFFFF  }
0x4c: {  	[tilespmem:s20], [sflag:$0x2] =	stream.indirect.gather [hbm4b:s4+s19], $0x80, s19, s19, $0xb8;
	[tilespmem:$0x1E800] =	vst v63  }
0x4d: {  	_ =	swait.ge [sflag:s21], $0x4000  }
0x4e: {  	[sflag:s21] =	ssyncset.done $0x0  }
0x4f: {  	[sflag:s21] =	ssyncadd.s32 $0xFFFFC000  }
0x50: {  	[spmem:s1] =	stream.indirect.scatter.add.f32 [tilespmem:s16], [sflag:$0x3], $0x80, s18, s19, $0xb8;
	[tilespmem:$0x1E800] =	vst v63  }
0x51: {  	_ =	swait.ge [sflag:s22], $0x4000  }
0x52: {  	[sflag:s22] =	ssyncset.done $0x0  }
0x53: {  	[sflag:s22] =	ssyncadd.s32 $0xFFFFC000  }
0x54: {  	_ =	swait.ge [sflag:s23], $0x4000  }
0x55: {  	[sflag:s23] =	ssyncset.done $0x0  }
0x56: {  	[sflag:s23] =	ssyncadd.s32 $0xFFFFC000  }
0x57: {  	[tilespmem:s16], [sflag:$0x1] =	stream.indirect.gather [hbm4b:s4+s19], $0x80, s24, s19, $0xb8;
	[tilespmem:$0x1E800] =	vst v63  }
0x58: {  	s29 =	simm.s32 $0xFFFFB800  }
0x59: {  	[spmem:s1] =	stream.indirect.scatter.add.f32 [tilespmem:s20], [sflag:$0x4], $0x80, s25, s19, $0xb8;
	[tilespmem:$0x1E800] =	vst v63  }
.LBB2_4:
0x5a: {  	_ =	swait.ge [sflag:s26], $0x4000  }
0x5b: {  	s30 =	sshra.s32 s29, $0x2;
	[sflag:s26] =	ssyncset.done $0x0  }
0x5c: {  	s31 =	sadd.s32 $0x1380, s30;
	[sflag:s26] =	ssyncadd.s32 $0xFFFFC000  }
0x5d: {  	[tilespmem:s20], [sflag:$0x2] =	stream.indirect.gather [hbm4b:s4+s19], $0x80, s31, s19, $0xb8;
	[tilespmem:$0x1E800] =	vst v63  }
0x5e: {  	_ =	swait.ge [sflag:s21], $0x4000  }
0x5f: {  	[sflag:s21] =	ssyncset.done $0x0  }
0x60: {  	s31 =	sadd.s32 $0x2700, s30;
	[sflag:s21] =	ssyncadd.s32 $0xFFFFC000  }
0x61: {  	[spmem:s1] =	stream.indirect.scatter.add.f32 [tilespmem:s16], [sflag:$0x3], $0x80, s31, s19, $0xb8;
	[tilespmem:$0x1E800] =	vst v63  }
0x62: {  	p0 =	seq.s32 s29, $0x0;
	_ =	swait.ge [sflag:s22], $0x4000  }
.Ltmp3:
0x63: {  	[sflag:s22] =	ssyncset.done $0x0;
	(pc) =	sbr.rel @p0 .LBB2_6-.Ltmp3, $4  }
0x64: {  	[sflag:s22] =	ssyncadd.s32 $0xFFFFC000  }
0x65: {  	_ =	swait.ge [sflag:s23], $0x4000  }
0x66: {  	[sflag:s23] =	ssyncset.done $0x0  }
0x67: {  	s31 =	sadd.s32 $0x2780, s30;
	[sflag:s23] =	ssyncadd.s32 $0xFFFFC000  }
.Ltmp4:
0x68: {  	(pc) =	sbr.rel .LBB2_4-.Ltmp4, $4  }
0x69: {  	s30 =	sadd.s32 $0x1400, s30  }
0x6a: {  	[tilespmem:s16], [sflag:$0x1] =	stream.indirect.gather [hbm4b:s4+s19], $0x80, s30, s19, $0xb8;
	[tilespmem:$0x1E800] =	vst v63  }
0x6b: {  	s29 =	sadd.s32 $0x400, s29  }
0x6c: {  	[spmem:s1] =	stream.indirect.scatter.add.f32 [tilespmem:s20], [sflag:$0x4], $0x80, s31, s19, $0xb8;
	[tilespmem:$0x1E800] =	vst v63  }
.LBB2_6:
0x6d: {  	[spmem:s1] =	stream.indirect.scatter.add.f32 [tilespmem:s20], [sflag:$0x4], $0x80, s31, s19, $0xb8;
	[tilespmem:$0x1E800] =	vst v63  }
0x6e: {  	_ =	swait.ge [sflag:s26], $0x4000  }
0x6f: {  	[sflag:s26] =	ssyncset.done $0x0  }
0x70: {  	[sflag:s26] =	ssyncadd.s32 $0xFFFFC000  }
0x71: {  	[tilespmem:s3], [sflag:$0x5] =	stream.linear.gather [hbm4b:s12+s3], $0x1400, $0x38;
	[tilespmem:$0x1E800] =	vst v63  }
0x72: {  	_ =	swait.ge [sflag:s17], $0x1400  }
0x73: {  	[sflag:s17] =	ssyncset.done $0x0  }
0x74: {  	[sflag:s17] =	ssyncadd.s32 $0xFFFFEC00  }
0x75: {  	[tilespmem:s18], [sflag:$0x5] =	stream.linear.gather [hbm4b:s13+s3], $0x1400, $0x38;
	[tilespmem:$0x1E800] =	vst v63  }
0x76: {  	_ =	swait.ge [sflag:s17], $0x1400  }
0x77: {  	[sflag:s17] =	ssyncset.done $0x0  }
0x78: {  	[sflag:s17] =	ssyncadd.s32 $0xFFFFEC00  }
0x79: {  	[tilespmem:s16], [sflag:$0x1] =	stream.indirect.gather [hbm4b:s4+s19], $0x80, s3, s19, $0xb8;
	[tilespmem:$0x1E800] =	vst v63  }
0x7a: {  	_ = 	snop  }
0x7b: {  	[tilespmem:s20], [sflag:$0x2] =	stream.indirect.gather [hbm4b:s4+s19], $0x80, s19, s19, $0xb8;
	[tilespmem:$0x1E800] =	vst v63  }
0x7c: {  	_ =	swait.ge [sflag:s21], $0x4000  }
0x7d: {  	[sflag:s21] =	ssyncset.done $0x0  }
0x7e: {  	[sflag:s21] =	ssyncadd.s32 $0xFFFFC000  }
0x7f: {  	[spmem:s1] =	stream.indirect.scatter.add.f32 [tilespmem:s16], [sflag:$0x3], $0x80, s18, s19, $0xb8;
	[tilespmem:$0x1E800] =	vst v63  }
0x80: {  	_ =	swait.ge [sflag:s22], $0x4000  }
0x81: {  	[sflag:s22] =	ssyncset.done $0x0  }
0x82: {  	[sflag:s22] =	ssyncadd.s32 $0xFFFFC000  }
0x83: {  	_ =	swait.ge [sflag:s23], $0x4000  }
0x84: {  	[sflag:s23] =	ssyncset.done $0x0  }
0x85: {  	[sflag:s23] =	ssyncadd.s32 $0xFFFFC000  }
0x86: {  	[tilespmem:s16], [sflag:$0x1] =	stream.indirect.gather [hbm4b:s4+s19], $0x80, s24, s19, $0xb8;
	[tilespmem:$0x1E800] =	vst v63  }
0x87: {  	s29 =	simm.s32 $0xFFFFB800  }
0x88: {  	[spmem:s1] =	stream.indirect.scatter.add.f32 [tilespmem:s20], [sflag:$0x4], $0x80, s25, s19, $0xb8;
	[tilespmem:$0x1E800] =	vst v63  }
.LBB2_7:
0x89: {  	_ =	swait.ge [sflag:s26], $0x4000  }
0x8a: {  	s30 =	sshra.s32 s29, $0x2;
	[sflag:s26] =	ssyncset.done $0x0  }
0x8b: {  	s31 =	sadd.s32 $0x1380, s30;
	[sflag:s26] =	ssyncadd.s32 $0xFFFFC000  }
0x8c: {  	[tilespmem:s20], [sflag:$0x2] =	stream.indirect.gather [hbm4b:s4+s19], $0x80, s31, s19, $0xb8;
	[tilespmem:$0x1E800] =	vst v63  }
0x8d: {  	_ =	swait.ge [sflag:s21], $0x4000  }
0x8e: {  	[sflag:s21] =	ssyncset.done $0x0  }
0x8f: {  	s31 =	sadd.s32 $0x2700, s30;
	[sflag:s21] =	ssyncadd.s32 $0xFFFFC000  }
0x90: {  	[spmem:s1] =	stream.indirect.scatter.add.f32 [tilespmem:s16], [sflag:$0x3], $0x80, s31, s19, $0xb8;
	[tilespmem:$0x1E800] =	vst v63  }
0x91: {  	p0 =	seq.s32 s29, $0x0;
	_ =	swait.ge [sflag:s22], $0x4000  }
.Ltmp5:
0x92: {  	[sflag:s22] =	ssyncset.done $0x0;
	(pc) =	sbr.rel @p0 .LBB2_9-.Ltmp5, $4  }
0x93: {  	[sflag:s22] =	ssyncadd.s32 $0xFFFFC000  }
0x94: {  	_ =	swait.ge [sflag:s23], $0x4000  }
0x95: {  	[sflag:s23] =	ssyncset.done $0x0  }
0x96: {  	s31 =	sadd.s32 $0x2780, s30;
	[sflag:s23] =	ssyncadd.s32 $0xFFFFC000  }
.Ltmp6:
0x97: {  	(pc) =	sbr.rel .LBB2_7-.Ltmp6, $4  }
0x98: {  	s30 =	sadd.s32 $0x1400, s30  }
0x99: {  	[tilespmem:s16], [sflag:$0x1] =	stream.indirect.gather [hbm4b:s4+s19], $0x80, s30, s19, $0xb8;
	[tilespmem:$0x1E800] =	vst v63  }
0x9a: {  	s29 =	sadd.s32 $0x400, s29  }
0x9b: {  	[spmem:s1] =	stream.indirect.scatter.add.f32 [tilespmem:s20], [sflag:$0x4], $0x80, s31, s19, $0xb8;
	[tilespmem:$0x1E800] =	vst v63  }
.LBB2_10:
0x9c: {  	_ =	sfence.sel $0x180000  }
0x9d: {  	[bflag:$0x0] =	sbarrier.arrive $0xFFFF  }
0x9e: {  	p0 =	sne.s32 s2, $0x0;
	_ =	strace $0x9000004D  }
0x9f: {  	s0 =	sadd.s32 @!p0 $0x100000, s0;
	[bflag:$0x2] =	sbarrier.arrive $0xFFFF  }
0xa0: {  	[sflag:s0] =	ssyncadd.tile.s32 @!p0 $0x1;
	_ =	shalt  }
.Lfunc_end2:
_tile_overlayer_lowered:
.L_overlay_start_2:
0xa1: {  	(tag) =	ssettag $0x2  }
0xa2: {  	s0 =	rddreg [dreg:$0x0];
	s2 =	stileid.u32  }
0xa3: {  	s1 =	rddreg [dreg:$0x1];
	p0 =	sne.s32 s2, $0x0  }
0xa4: {  	s3 =	rddreg [dreg:$0x2];
	[bflag:$0x3] =	sbarrier.arrive $0xFFFF;
	s2 =	simm.s32 @!p0 $0x1C05  }
0xa5: {  	[timem:s3], [sflag:s2] =	dma.local @!p0 [hbm:s0], s1  }
0xa6: {  	s0 =	simm.s32 @!p0 $0x5  }
0xa7: {  	_ =	swait.ge @!p0 [sflag:s0], s1  }
0xa8: {  	s1 =	ssub.s32 @!p0 $0x0, s1;
	[sflag:s0] =	ssyncset.done @!p0 $0x0  }
0xa9: {  	[sflag:s0] =	ssyncadd.s32 @!p0 s1  }
0xaa: {  	[bflag:$0x3] =	sbarrier.arrive $0xFFFF  }
0xab: {  	_ =	shalt  }

// kernel: kernel.8.cloned.1.call-start
scs
__scs_entry_jumppad:
0x0: {  	(pc) =	sbr.rel $0x88, $3  }
0x1: {  	(tag) =	ssettag $0x0;
	lr =	simm.s32 $0x1  }
0x2: {  	[smem:$0x3F99] =	sst lr;
	_ =	strace $0xD0000000  }
0x3: {  	_ = 	snop  }
0x4: {  	_ = 	snop  }
0x5: {  	_ = 	snop  }
0x6: {  	_ = 	snop  }
0x7: {  	_ = 	snop  }
__scs_overlays_trampoline_lowered:
0x8: {  	[smem:$0x3FA8] =	sst s0  }
0x9: {  	[smem:$0x3FA9] =	sst s1  }
0xa: {  	[smem:$0x3FAA] =	sst s2  }
0xb: {  	[smem:$0x3FAB] =	sst s3  }
0xc: {  	[smem:$0x3FAC] =	sst s4  }
0xd: {  	[smem:$0x3FAD] =	sst s5  }
0xe: {  	[smem:$0x3FAE] =	sst s6  }
0xf: {  	[smem:$0x3FAF] =	sst s7  }
0x10: {  	[smem:$0x3FB0] =	sst s8  }
0x11: {  	[smem:$0x3FB1] =	sst s9;
	s0 =	simm.s32 @!p0 $0x0  }
0x12: {  	s1 =	sld [smem:$0x3F97];
	s0 =	simm.s32 @p0 $0x1  }
0x13: {  	[smem:$0x3FB2] =	sst s0;
	s0 =	simm.s32 @!p1 $0x0  }
0x14: {  	s2 =	sld [smem:$0x3F96];
	s0 =	simm.s32 @p1 $0x1  }
0x15: {  	[smem:$0x3FB3] =	sst s0;
	s0 =	simm.s32 @!p2 $0x0  }
0x16: {  	s3 =	sld [smem:$0x3FDB];
	s0 =	simm.s32 @p2 $0x1  }
0x17: {  	s4 =	simm.s32 $0x1BF5;
	[smem:$0x3FB5] =	sst s0  }
0x18: {  	s0 =	sld [smem:$0x3F98];
	_ =	swait.ge [sflag:s4], $0x0  }
0x19: {  	s7 =	sld [smem:$0x3F99]  }
0x1a: {  	s8 =	sadd.s32 $0xFFFFE003, lr  }
0x1b: {  	s9 =	sadd.s32 $0xFFFFFEF7, lr;
	s5 =	simm.s32 $0xFFFFFFFF;
	p2 =	slt.u32 s8, $0xFFFFF086  }
0x1c: {  	p1 =	slt.u32 s9, $0xF7A;
	s5 =	simm.s32 @!p2 $0x0  }
0x1d: {  	s5 =	simm.s32 @p1 $0x1;
	p0 =	seq.s32 s7, s2  }
0x1e: {  	s7 =	smul.u32 @!p0 $0xF7A, s2;
	p2 =	seq.s32 @!p0 s5, $0x0  }
0x1f: {  	s9 =	smul.u32 $0xF7A, s1;
	s8 =	simm.s32 @!p0 $0x1BF5;
	p2 =	por !p2, p0  }
0x20: {  	[sflag:s8] =	ssyncset.s32 @!p0 $0xFFFFF086;
	s6 =	sadd.s32 @!p0 s3, s7;
	s7 =	simm.s32 @!p0 $0x108  }
0x21: {  	s3 =	sadd.s32 s3, s9;
	s6 =	sadd.s32 @!p0 $0x88, s6;
	s7 =	simm.s32 @p2 $0x1082  }
0x22: {  	[simem:s7], [sflag:s8] =	dma.local @!p0 [hbm:s6], $0xF7A  }
0x23: {  	s9 =	sor.u32 $0xD0000000, s2;
	s6 =	simm.s32 $0x108;
	_ =	swait.ge @!p0 [sflag:s8], $0x0  }
0x24: {  	s3 =	sadd.s32 $0x88, s3;
	s6 =	simm.s32 @!p1 $0x1082;
	[sflag:s4] =	ssyncset.s32 $0xFFFFF086  }
0x25: {  	[simem:s6], [sflag:s4] =	dma.local [hbm:s3], $0xF7A  }
0x26: {  	[smem:$0x3F99] =	sst s1;
	(tag) =	ssettag s2;
	_ =	strace s9  }
0x27: {  	s1 =	sld [smem:$0x3FA9]  }
0x28: {  	s2 =	sld [smem:$0x3FAA]  }
0x29: {  	s4 =	sld [smem:$0x3FAC]  }
0x2a: {  	p0 =	seq.s32 s5, $0x0;
	s5 =	sld [smem:$0x3FAD]  }
0x2b: {  	s6 =	sld [smem:$0x3FAE]  }
0x2c: {  	s7 =	sld [smem:$0x3FAF]  }
0x2d: {  	s3 =	simm.s32 $0x108;
	s8 =	sld [smem:$0x3FB0]  }
0x2e: {  	s3 =	simm.s32 @!p0 $0x1082;
	s9 =	sld [smem:$0x3FB1]  }
0x2f: {  	lr =	sadd.s32 s0, s3;
	s0 =	sld [smem:$0x3FA8]  }
0x30: {  	s3 =	sld [smem:$0x3FAB]  }
0x31: {  	[smem:$0x3FB4] =	sst s10  }
0x32: {  	s10 =	sld [smem:$0x3FB2];
	_ =	sdelay $0x3  }
0x33: {  	p0 =	seq.s32 s10, $0x1;
	s10 =	sld [smem:$0x3FB4];
	_ =	sdelay $0x3  }
0x34: {  	[smem:$0x3FB4] =	sst s10  }
0x35: {  	s10 =	sld [smem:$0x3FB3];
	_ =	sdelay $0x3  }
0x36: {  	p1 =	seq.s32 s10, $0x1;
	s10 =	sld [smem:$0x3FB4];
	_ =	sdelay $0x3  }
0x37: {  	[smem:$0x3FB4] =	sst s10  }
0x38: {  	s10 =	sld [smem:$0x3FB5]  }
0x39: {  	_ = 	snop;
	(pc) =	sbr.ind lr, $3  }
0x3a: {  	_ = 	snop  }
0x3b: {  	_ = 	snop  }
0x3c: {  	p2 =	seq.s32 s10, $0x1;
	s10 =	sld [smem:$0x3FB4]  }
0x3d: {  	_ =	shalt  }
0x3e: {  	_ =	shalt  }
0x3f: {  	_ =	shalt  }
0x40: {  	_ =	shalt  }
0x41: {  	_ =	shalt  }
0x42: {  	_ =	shalt  }
0x43: {  	_ =	shalt  }
0x44: {  	_ =	shalt  }
0x45: {  	_ =	shalt  }
0x46: {  	_ =	shalt  }
0x47: {  	_ =	shalt  }
0x48: {  	_ =	shalt  }
0x49: {  	_ =	shalt  }
0x4a: {  	_ =	shalt  }
0x4b: {  	_ =	shalt  }
0x4c: {  	_ =	shalt  }
0x4d: {  	_ =	shalt  }
0x4e: {  	_ =	shalt  }
0x4f: {  	_ =	shalt  }
0x50: {  	_ =	shalt  }
0x51: {  	_ =	shalt  }
0x52: {  	_ =	shalt  }
0x53: {  	_ =	shalt  }
0x54: {  	_ =	shalt  }
0x55: {  	_ =	shalt  }
0x56: {  	_ =	shalt  }
0x57: {  	_ =	shalt  }
0x58: {  	_ =	shalt  }
0x59: {  	_ =	shalt  }
0x5a: {  	_ =	shalt  }
0x5b: {  	_ =	shalt  }
0x5c: {  	_ =	shalt  }
0x5d: {  	_ =	shalt  }
0x5e: {  	_ =	shalt  }
0x5f: {  	_ =	shalt  }
0x60: {  	_ =	shalt  }
0x61: {  	_ =	shalt  }
0x62: {  	_ =	shalt  }
0x63: {  	_ =	shalt  }
0x64: {  	_ =	shalt  }
0x65: {  	_ =	shalt  }
0x66: {  	_ =	shalt  }
0x67: {  	_ =	shalt  }
0x68: {  	_ =	shalt  }
0x69: {  	_ =	shalt  }
0x6a: {  	_ =	shalt  }
0x6b: {  	_ =	shalt  }
0x6c: {  	_ =	shalt  }
0x6d: {  	_ =	shalt  }
0x6e: {  	_ =	shalt  }
0x6f: {  	_ =	shalt  }
0x70: {  	_ =	shalt  }
0x71: {  	_ =	shalt  }
0x72: {  	_ =	shalt  }
0x73: {  	_ =	shalt  }
0x74: {  	_ =	shalt  }
0x75: {  	_ =	shalt  }
0x76: {  	_ =	shalt  }
0x77: {  	_ =	shalt  }
0x78: {  	_ =	shalt  }
0x79: {  	_ =	shalt  }
0x7a: {  	_ =	shalt  }
0x7b: {  	_ =	shalt  }
0x7c: {  	_ =	shalt  }
0x7d: {  	_ =	shalt  }
0x7e: {  	_ =	shalt  }
0x7f: {  	_ =	shalt  }
0x80: {  	_ =	shalt  }
0x81: {  	_ =	shalt  }
0x82: {  	_ =	shalt  }
0x83: {  	_ =	shalt  }
0x84: {  	_ =	shalt  }
0x85: {  	_ =	shalt  }
0x86: {  	_ =	shalt  }
0x87: {  	_ =	shalt  }
.Lfunc_end0:
.L_simem_size_0:
called_computation_lowered:
.L_overlay_start_0:
0x88: {  	s2 =	sld [smem:$0x3FD9]  }
0x89: {  	s3 =	sld [smem:$0x3FFE];
	_ =	sdelay $0x1  }
0x8a: {  	s1 =	srdreg.scid  }
0x8b: {  	s0 =	sand.u32 $0x1, s1  }
0x8c: {  	s16 =	sshll.u32 s0, $0xA;
	s2 =	sadd.s32 s3, s2  }
0x8d: {  	s2 =	sadd.s32 s2, s16  }
0x8e: {  	[smem:$0x3FC0] =	sst s2  }
0x8f: {  	_ = 	snop  }
0x90: {  	(tm) =	ssettm $0x1  }
0x91: {  	s17 =	sld [smem:$0x3FFB];
	_ =	sdelay $0x3  }
0x92: {  	_ =	strace s17  }
0x93: {  	s2 =	sld [smem:$0x3FFC];
	_ =	sdelay $0x3  }
0x94: {  	_ =	strace s2  }
0x95: {  	s2 =	sld [smem:$0x3FFD];
	_ =	sdelay $0x3  }
0x96: {  	_ =	strace s2  }
0x97: {  	_ =	strace $0x8FFFFFFF  }
0x98: {  	s18 =	sld [smem:$0x3FDB];
	_ =	sdelay $0x1  }
0x99: {  	s19 =	simm.s32 $_scs_section_size  }
0x9a: {  	s4 =	simm.s32 $_size__tile_overlayer_lowered;
	s5 =	simm.s32 $_tile_overlayer_lowered  }
0x9b: {  	s22 =	simm.s32 $0x1BFF;
	s21 =	sshll.u32 s5, $0x1;
	s2 =	sadd.s32 s19, s18  }
0x9c: {  	s6 =	simm.s32 $0x0;
	s20 =	sshll.u32 s4, $0x1;
	s4 =	sadd.s32 s21, s2  }
0x9d: {  	[timem:s6], [sflag:s22] =	dma.local [hbm:s4], s20  }
0x9e: {  	_ =	swait.ge [sflag:s22], s20  }
0x9f: {  	s3 =	ssub.s32 $0x0, s20;
	[sflag:s22] =	ssyncset.done $0x0  }
0xa0: {  	[sflag:s22] =	ssyncadd.s32 s3;
	_ =	sdelay $0x1  }
0xa1: {  	s23 =	simm.s32 $0x1B8B  }
0xa2: {  	_ =	swait.ge [sflag:s23], $0x1  }
0xa3: {  	[sflag:s23] =	ssyncset.done $0x0  }
0xa4: {  	s25 =	simm.s32 $0x1B8E;
	s24 =	sld [smem:$0x3FFE];
	[sflag:s23] =	ssyncadd.s32 $0xFFFFFFFF  }
0xa5: {  	s26 =	simm.s32 $execute0_lowered;
	[smem:$0x3FD2] =	sst s25  }
0xa6: {  	s4 =	sshll.u32 s26, $0x1;
	_ =	strace $0x80000046;
	[dreg:$0x1] =	wrdreg $0xFFFFFFFF  }
0xa7: {  	s28 =	simm.s32 $_size_execute0_lowered;
	s2 =	sadd.s32 s2, s4;
	[dreg:$0x0] =	wrdreg $0x0  }
0xa8: {  	s4 =	sshll.u32 s28, $0x1;
	[dreg:$0x2] =	wrdreg s2  }
0xa9: {  	[dreg:$0x3] =	wrdreg s4  }
0xaa: {  	[dreg:$0x4] =	wrdreg $0xC0  }
0xab: {  	_ =	task [dreg:s6], $0x5FFFF  }
0xac: {  	[dreg:$0x1] =	wrdreg $0xFFFFFFFF  }
0xad: {  	[dreg:$0x0] =	wrdreg $0x60  }
0xae: {  	[dreg:$0x2] =	wrdreg s24  }
0xaf: {  	[dreg:$0x3] =	wrdreg $0x2B000  }
0xb0: {  	[dreg:$0x4] =	wrdreg $0x9  }
0xb1: {  	_ =	task.clear_ibuf [dreg:s6], $0x5FFFF;
	_ =	strace $0x90000046  }
0xb2: {  	s29 =	simm.s32 $0x9;
	_ =	strace $0x80000048  }
0xb3: {  	_ =	swait.ge [sflag:s29], $0x1  }
0xb4: {  	[sflag:s29] =	ssyncadd.s32 $0xFFFFFFFF  }
0xb5: {  	_ =	strace $0x90000048  }
0xb6: {  	_ =	sfence  }
0xb7: {  	s30 =	sld [smem:$0x0];
	_ =	sdelay $0x2  }
0xb8: {  	s31 =	sshll.u32 s1, $0xD;
	s1 =	sshrl.u32 s1, $0x2  }
0xb9: {  	s3 =	sand.u32 $0x4000, s31;
	s1 =	sadd.s32 s1, s30  }
0xba: {  	s0 =	sor.u32 s3, s0;
	s1 =	sshll.u32 s1, $0x11  }
0xbb: {  	s0 =	sor.u32 s1, s0  }
0xbc: {  	s0 =	sadd.s32 $0x8F2B, s0  }
0xbd: {  	[sflag:s0] =	ssyncadd.remote.s32 $0x1  }
0xbe: {  	_ =	sfence.sel $0xFFFF  }
0xbf: {  	[dreg:$0x0] =	wrdreg $0xFFFFFFFF;
	(pc) =	sbr.abs _section_cstart, $3  }
0xc0: {  	[dreg:$0x1] =	wrdreg $0xFFFFFFFF  }
0xc1: {  	_ =	task.clear_ibuf [dreg:s6], $0x2FFFF;
	_ =	strace $0x9FFFFFFF  }
0xc2: {  	(tm) =	ssettm $0x7FFFFFFF  }
0xc3: {  	_ =	shalt  }
tec
execute0_lowered:
.L_overlay_start_1:
0x0: {  	(tag) =	ssettag $0x1  }
0x1: {  	s4 =	rddreg [dreg:$0x0]  }
0x2: {  	s2 =	rddreg [dreg:$0x1];
	s3 =	srdreg.scid  }
0x3: {  	s1 =	stileid.u32;
	s0 =	rddreg [dreg:$0x2];
	s10 =	simm.s32 $0x80  }
0x4: {  	s11 =	simm.s32 $0x2800;
	s14 =	simm.s32 $0x0;
	s5 =	sand.u32 $0x1, s3  }
0x5: {  	s6 =	smul.u32 $0x280, s1;
	s3 =	simm.s32 $0x0;
	s12 =	sshll.u32 s1, $0x6  }
0x6: {  	s7 =	sshll.u32 s5, $0x4;
	s8 =	smul.u32 $0x2800, s5;
	[smem:$0x7FF] =	sst s3  }
0x7: {  	s5 =	ssub.s32 $0x2, s5;
	s12 =	sor.u32 $0x1C01, s12;
	s7 =	sor.u32 s1, s7  }
0x8: {  	s9 =	sshrl.u32 s5, $0x1;
	s7 =	smul.u32 $0x500, s7;
	s8 =	sadd.s32 s6, s8  }
0x9: {  	_ =	strace $0x80000047;
	s9 =	ssub.s32 s5, s9;
	s8 =	sshrl.u32 s8, $0x3  }
0xa: {  	s7 =	sadd.s32 s7, s4;
	s8 =	sadd.s32 s8, s4;
	s4 =	sadd.s32 s6, s2  }
0xb: {  	s5 =	sadd.s32 $0xBA00, s7;
	s6 =	sadd.s32 $0x15A00, s8;
	s7 =	smax.u32 s9, $0x1  }
0xc: {  	v0 =	vimm.f32 $0.0e+00;
	v1 =	vimm.f32 $1.000000000e+00;
	s8 =	simm.s32 $0x2880;
	s9 =	simm.s32 $0x1;
	s13 =	sshrl.u32 s4, $0x3  }
.LBB2_1:
0xd: {  	[tilespmem:$0x2880] =	vst v0  }
0xe: {  	[tilespmem:$0x2890] =	vst v0  }
0xf: {  	[tilespmem:$0x28A0] =	vst v0  }
0x10: {  	[tilespmem:$0x28B0] =	vst v0  }
0x11: {  	[tilespmem:$0x28C0] =	vst v0  }
0x12: {  	[tilespmem:$0x28D0] =	vst v0  }
0x13: {  	[tilespmem:$0x28E0] =	vst v0  }
0x14: {  	[tilespmem:$0x28F0] =	vst v0  }
0x15: {  	[tilespmem:$0x2900] =	vst v0  }
0x16: {  	[tilespmem:$0x2910] =	vst v0  }
0x17: {  	[tilespmem:$0x2920] =	vst v0  }
0x18: {  	[tilespmem:$0x2930] =	vst v0  }
0x19: {  	[tilespmem:$0x2940] =	vst v0  }
0x1a: {  	[tilespmem:$0x2950] =	vst v0  }
0x1b: {  	[tilespmem:$0x2960] =	vst v0  }
0x1c: {  	[tilespmem:$0x2970] =	vst v0  }
0x1d: {  	[tilespmem:$0x2980] =	vst v0  }
0x1e: {  	[tilespmem:$0x2990] =	vst v0  }
0x1f: {  	[tilespmem:$0x29A0] =	vst v0  }
0x20: {  	[tilespmem:$0x29B0] =	vst v0  }
0x21: {  	[tilespmem:$0x29C0] =	vst v0  }
0x22: {  	[tilespmem:$0x29D0] =	vst v0  }
0x23: {  	[tilespmem:$0x29E0] =	vst v0  }
0x24: {  	[tilespmem:$0x29F0] =	vst v0  }
0x25: {  	[tilespmem:$0x2A00] =	vst v0  }
0x26: {  	[tilespmem:$0x2A10] =	vst v0  }
0x27: {  	[tilespmem:$0x2A20] =	vst v0  }
0x28: {  	[tilespmem:$0x2A30] =	vst v0  }
0x29: {  	[tilespmem:$0x2A40] =	vst v0  }
0x2a: {  	[tilespmem:$0x2A50] =	vst v0  }
0x2b: {  	[tilespmem:$0x2A60] =	vst v0  }
0x2c: {  	[tilespmem:$0x2A70] =	vst v0  }
0x2d: {  	[tilespmem:$0x2A80] =	vst v0  }
0x2e: {  	[tilespmem:$0x2A90] =	vst v0  }
0x2f: {  	[tilespmem:$0x2AA0] =	vst v0  }
0x30: {  	[tilespmem:$0x2AB0] =	vst v0  }
0x31: {  	[tilespmem:$0x2AC0] =	vst v0  }
0x32: {  	[tilespmem:$0x2AD0] =	vst v0  }
0x33: {  	[tilespmem:$0x2AE0] =	vst v0  }
0x34: {  	[tilespmem:$0x2AF0] =	vst v0  }
0x35: {  	[tilespmem:$0x2800] =	vst v1  }
0x36: {  	[tilespmem:$0x2810] =	vst v1  }
0x37: {  	[tilespmem:$0x2820] =	vst v1  }
0x38: {  	[tilespmem:$0x2830] =	vst v1  }
0x39: {  	[tilespmem:$0x2840] =	vst v1  }
0x3a: {  	[tilespmem:$0x2850] =	vst v1  }
0x3b: {  	[tilespmem:$0x2860] =	vst v1  }
0x3c: {  	[tilespmem:$0x2870] =	vst v1  }
0x3d: {  	[spmem:s4] =	stream.linear.scatter [tilespmem:s8], [sflag:$0x1], $0x280, $0x38;
	[tilespmem:$0x2D80] =	vst v63  }
0x3e: {  	_ =	swait.ge [sflag:s9], $0x280  }
0x3f: {  	[sflag:s9] =	ssyncset.done $0x0  }
0x40: {  	[sflag:s9] =	ssyncadd.s32 $0xFFFFFD80  }
0x41: {  	[bflag:$0x0] =	sbarrier.arrive $0xFFFF  }
0x42: {  	[tilespmem:s3], [sflag:$0x1] =	stream.linear.gather [hbm4b:s5+s3], $0x2800, $0x38;
	[tilespmem:$0x2D80] =	vst v63  }
0x43: {  	_ =	swait.ge [sflag:s9], $0x2800  }
0x44: {  	[sflag:s9] =	ssyncset.done $0x0  }
0x45: {  	s15 =	simm.s32 $0x0;
	[sflag:s9] =	ssyncadd.s32 $0xFFFFD800  }
0x46: {  	[spmem:s2] =	stream.indirect.scatter.add.f32 [tilespmem:s11], [sflag:$0x1], $0x1, s15, s10, $0xb8;
	[tilespmem:$0x2D80] =	vst v63  }
0x47: {  	_ =	swait.ge [sflag:s9], $0x80  }
0x48: {  	s15 =	simm.s32 $0x200;
	[sflag:s9] =	ssyncset.done $0x0  }
.LBB2_2:
0x49: {  	s16 =	sshra.s32 s15, $0x2;
	[sflag:s9] =	ssyncadd.s32 $0xFFFFFF80;
	p0 =	sne.s32 s15, $0x9E00  }
0x4a: {  	[spmem:s2] =	stream.indirect.scatter.add.f32 [tilespmem:s11], [sflag:$0x1], $0x1, s16, s10, $0xb8;
	[tilespmem:$0x2D80] =	vst v63  }
.Ltmp0:
0x4b: {  	_ = 	snop;
	(pc) =	sbr.rel @p0 .LBB2_2-.Ltmp0, $4  }
0x4c: {  	_ = 	snop  }
0x4d: {  	s15 =	sadd.s32 $0x200, s15  }
0x4e: {  	_ =	swait.ge [sflag:s9], $0x80  }
0x4f: {  	[sflag:s9] =	ssyncset.done $0x0  }
0x50: {  	s14 =	sadd.s32 $0x1, s14  }
0x51: {  	[sflag:s9] =	ssyncadd.s32 $0xFFFFFF80;
	p0 =	sne.s32 s14, s7  }
.Ltmp1:
0x52: {  	[bflag:$0x0] =	sbarrier.arrive $0xFFFF;
	(pc) =	sbr.rel @p0 .LBB2_1-.Ltmp1, $4  }
0x53: {  	[hbm:s6], [sflag:s12] =	dma.local [spmem:s13], $0x50  }
0x54: {  	_ =	swait.ge [sflag:s9], $0x50  }
0x55: {  	[sflag:s9] =	ssyncset.done $0x0  }
0x56: {  	[sflag:s9] =	ssyncadd.s32 $0xFFFFFFB0  }
0x57: {  	_ =	sfence.sel $0x180000  }
0x58: {  	[bflag:$0x0] =	sbarrier.arrive $0xFFFF  }
0x59: {  	p0 =	sne.s32 s1, $0x0;
	_ =	strace $0x90000047  }
0x5a: {  	s0 =	sadd.s32 @!p0 $0x100000, s0;
	[bflag:$0x2] =	sbarrier.arrive $0xFFFF  }
0x5b: {  	[sflag:s0] =	ssyncadd.tile.s32 @!p0 $0x1;
	_ =	shalt  }
.Lfunc_end2:
_tile_overlayer_lowered:
.L_overlay_start_2:
0x5c: {  	(tag) =	ssettag $0x2  }
0x5d: {  	s0 =	rddreg [dreg:$0x0];
	s2 =	stileid.u32  }
0x5e: {  	s1 =	rddreg [dreg:$0x1];
	p0 =	sne.s32 s2, $0x0  }
0x5f: {  	s3 =	rddreg [dreg:$0x2];
	[bflag:$0x3] =	sbarrier.arrive $0xFFFF;
	s2 =	simm.s32 @!p0 $0x1C01  }
0x60: {  	[timem:s3], [sflag:s2] =	dma.local @!p0 [hbm:s0], s1  }
0x61: {  	s0 =	simm.s32 @!p0 $0x1  }
0x62: {  	_ =	swait.ge @!p0 [sflag:s0], s1  }
0x63: {  	s1 =	ssub.s32 @!p0 $0x0, s1;
	[sflag:s0] =	ssyncset.done @!p0 $0x0  }
0x64: {  	[sflag:s0] =	ssyncadd.s32 @!p0 s1  }
0x65: {  	[bflag:$0x3] =	sbarrier.arrive $0xFFFF  }
0x66: {  	_ =	shalt  }

</sc_bundles>
